<compile_context>
chip_gen: v7x
topology: tpu7x:2x2x1
jax: 0.10.2.dev20260603
libtpu: 0.0.44.dev20260713+nightly
codegen_flags: <defaults>
</compile_context>

<pallas_src>
import functools

import jax
import jax.numpy as jnp
from jax import lax
from jax.experimental import pallas as pl
from jax.experimental.pallas import tpu as pltpu
from jax.experimental.pallas import tpu_sc as plsc

V = 1000
BATCH = 1024
SEQ = 20
N_TOK = BATCH * SEQ
NC = 2
NS = 16
NW = NC * NS
SPW = BATCH // NW
TPW = SPW * SEQ
CHUNK = 2 * SEQ
NCHUNK = TPW // CHUNK


def _lse_body(tab_ref, lse_ref):
    x = tab_ref[...]
    m = jnp.max(x, axis=1)
    s = jnp.sum(jnp.exp(x - m[:, None]), axis=1)
    lse_ref[...] = jnp.log(s) + m


def _row_lse(table):
    return pl.pallas_call(
        _lse_body,
        out_shape=jax.ShapeDtypeStruct((V,), jnp.float32),
    )(table)


def _sc_body(table_hbm, idx_hbm, tgt_hbm, lse_hbm,
             out_hbm, part_hbm,
             idx_v, tgt_v, lse_v, rows_a, rows_b, part_v,
             gsem_a, gsem_b, ssem_a, ssem_b):
    wid = lax.axis_index("s") * NC + lax.axis_index("c")
    base = wid * TPW
    sbase = wid * SPW

    pltpu.sync_copy(idx_hbm.at[pl.ds(base, TPW)], idx_v.at[pl.ds(0, TPW)])
    pltpu.sync_copy(tgt_hbm.at[pl.ds(base, TPW)], tgt_v.at[pl.ds(0, TPW)])
    pltpu.sync_copy(lse_hbm, lse_v)

    lanes = lax.iota(jnp.int32, 16)
    idx_v[pl.ds(TPW, 16)] = jnp.zeros((16,), jnp.int32)
    tgt_v[pl.ds(TPW, 16)] = jnp.zeros((16,), jnp.int32)

    rows = (rows_a, rows_b)
    gsem = (gsem_a, gsem_b)
    ssem = (ssem_a, ssem_b)

    def gather(c):
        b = c % 2
        return pltpu.async_copy(
            table_hbm.at[idx_v.at[pl.ds(c * CHUNK, CHUNK)]], rows[b], gsem[b])

    def scatter(c):
        b = c % 2
        s0 = pltpu.async_copy(rows[b].at[pl.ds(0, SEQ)],
                              out_hbm.at[sbase + c * 2], ssem[b])
        s1 = pltpu.async_copy(rows[b].at[pl.ds(SEQ, SEQ)],
                              out_hbm.at[sbase + c * 2 + 1], ssem[b])
        return (s0, s1)

    def loss(c, acc):
        b = c % 2
        for j in range(3):
            off = c * CHUNK + j * 16
            idx16 = idx_v[pl.ds(off, 16)]
            tgt16 = tgt_v[pl.ds(off, 16)]
            rid = lanes + j * 16
            if j == 2:
                rid = jnp.minimum(rid, CHUNK - 1)
                idx16 = jnp.clip(idx16, 0, V - 1)
                tgt16 = jnp.clip(tgt16, 0, V - 1)
            tv = plsc.load_gather(rows[b], [rid, tgt16])
            lv = plsc.load_gather(lse_v, [idx16])
            contrib = lv - tv
            if j == 2:
                contrib = jnp.where(lanes < 8, contrib, 0.0)
            acc = acc + contrib
        return acc

    acc = jnp.zeros((16,), jnp.float32)
    gds = [None, None]
    sds = [None, None]
    for c in range(NCHUNK):
        b = c % 2
        if sds[b] is not None:
            sds[b][0].wait()
            sds[b][1].wait()
            sds[b] = None
        gds[b] = gather(c)
        if c >= 1:
            pb = (c - 1) % 2
            gds[pb].wait()
            sds[pb] = scatter(c - 1)
            acc = loss(c - 1, acc)
    lb = (NCHUNK - 1) % 2
    gds[lb].wait()
    sds[lb] = scatter(NCHUNK - 1)
    acc = loss(NCHUNK - 1, acc)
    for b in range(2):
        if sds[b] is not None:
            sds[b][0].wait()
            sds[b][1].wait()
    part_v[...] = acc
    pltpu.sync_copy(part_v, part_hbm.at[pl.ds(wid * 16, 16)])


@functools.partial(
    pl.kernel,
    out_type=(jax.ShapeDtypeStruct((BATCH, SEQ, V), jnp.float32),
              jax.ShapeDtypeStruct((NW * 16,), jnp.float32)),
    mesh=plsc.VectorSubcoreMesh(core_axis_name="c", subcore_axis_name="s"),
    scratch_types=[
        pltpu.VMEM((TPW + 16,), jnp.int32),
        pltpu.VMEM((TPW + 16,), jnp.int32),
        pltpu.VMEM((V,), jnp.float32),
        pltpu.VMEM((CHUNK, V), jnp.float32),
        pltpu.VMEM((CHUNK, V), jnp.float32),
        pltpu.VMEM((16,), jnp.float32),
        pltpu.SemaphoreType.DMA,
        pltpu.SemaphoreType.DMA,
        pltpu.SemaphoreType.DMA,
        pltpu.SemaphoreType.DMA,
    ],
    compiler_params=pltpu.CompilerParams(use_tc_tiling_on_sc=False,
                                         needs_layout_passes=False),
)
def _sc_gather(*args):
    _sc_body(*args)


def kernel(token_embedding, idx, targets):
    lse = _row_lse(token_embedding)
    logits, partials = _sc_gather(
        token_embedding, idx.reshape(-1), targets.reshape(-1), lse)
    loss = jnp.sum(partials) / N_TOK
    return logits, loss

# --- scband reference (transcript-rebuilt; emitter-appended) ---
"""Pipeline reference for scband-bigram-language-model-50629074485338 (READ-ONLY COPY).

The authoritative reference and input builder live on the scoring server;
editing this copy changes nothing except your own understanding.
"""

import jax, jax.numpy as jnp
import numpy as np

VOCAB = 1000
B = 1024
T = 20


def setup_inputs(seed: int = 0) -> dict:
    key = jax.random.key(seed)
    k1, k2, k3 = jax.random.split(key, 3)
    idx = jax.random.randint(k1, (B, T), 0, VOCAB, dtype=jnp.int64 if jax.config.jax_enable_x64 else jnp.int32).astype(jnp.int32)
    targets = jax.random.randint(k2, (B, T), 0, VOCAB).astype(jnp.int32)
    token_embedding = jax.random.normal(k3, (VOCAB, VOCAB), dtype=jnp.float32)
    return {"token_embedding": token_embedding, "idx": idx, "targets": targets}


def reference(token_embedding, idx, targets):
    # logits = self.token_embedding(idx)  -> embedding gather
    logits = jnp.take(token_embedding, idx, axis=0)  # [B, T, C]
    Bb, Tt, C = logits.shape
    logits_flat = logits.reshape(Bb * Tt, C)
    targets_flat = targets.reshape(Bb * Tt)
    # F.cross_entropy: mean of -log_softmax at target index
    logp = jax.nn.log_softmax(logits_flat, axis=-1)
    nll = -jnp.take_along_axis(logp, targets_flat[:, None], axis=1)[:, 0]
    loss = jnp.mean(nll)
    return (logits, loss)

if __name__ == "__main__":
    import jax
    _d = setup_inputs()
    print(jax.jit(kernel)(*tuple(_d.values())))

</pallas_src>

<mosaic_0001>
#map = affine_map<(d0, d1) -> (0, 0)>
#map1 = affine_map<(d0, d1) -> (0)>
#map2 = affine_map<(d0, d1) -> (0, 0, 0)>
module attributes {stable_mosaic.version = 14 : i64} {
  func.func @_sc_gather(%arg0: i32, %arg1: i32, %arg2: memref<1000x1000xf32, #tpu.memory_space<hbm>>, %arg3: memref<20480xi32, #tpu.memory_space<hbm>>, %arg4: memref<20480xi32, #tpu.memory_space<hbm>>, %arg5: memref<1000xf32, #tpu.memory_space<hbm>>, %arg6: memref<1024x20x1000xf32, #tpu.memory_space<hbm>>, %arg7: memref<512xf32, #tpu.memory_space<hbm>>, %arg8: memref<656xi32, #tpu.memory_space<vmem>>, %arg9: memref<656xi32, #tpu.memory_space<vmem>>, %arg10: memref<1000xf32, #tpu.memory_space<vmem>>, %arg11: memref<40x1000xf32, #tpu.memory_space<vmem>>, %arg12: memref<40x1000xf32, #tpu.memory_space<vmem>>, %arg13: memref<16xf32, #tpu.memory_space<vmem>>, %arg14: memref<!tpu.dma_semaphore, #tpu.memory_space<semaphore_mem>>, %arg15: memref<!tpu.dma_semaphore, #tpu.memory_space<semaphore_mem>>, %arg16: memref<!tpu.dma_semaphore, #tpu.memory_space<semaphore_mem>>, %arg17: memref<!tpu.dma_semaphore, #tpu.memory_space<semaphore_mem>>) attributes {dimension_semantics = [#tpu.dimension_semantics<core_parallel>, #tpu.dimension_semantics<subcore_parallel>], iteration_bounds = array<i64: 2, 16>, scalar_prefetch = 0 : i64, scratch_operands = 10 : i64, tpu.core_type = #tpu.core_type<sc_vector_subcore>, window_params = [{transform_indices = #map}, {transform_indices = #map1}, {transform_indices = #map1}, {transform_indices = #map1}, {transform_indices = #map2}, {transform_indices = #map1}]} {
    %mul3A = arith.constant 2 : i32
    %mul3A_0 = arith.muli %arg1, %mul3A : i32
    %add3A = arith.addi %mul3A_0, %arg0 : i32
    %mul3A_1 = arith.constant 640 : i32
    %mul3A_2 = arith.muli %add3A, %mul3A_1 : i32
    %mul3A_3 = arith.constant 32 : i32
    %mul3A_4 = arith.muli %add3A, %mul3A_3 : i32
    "tpu.region"() ({
      %run_scoped3A = tpu.sem_alloc : memref<!tpu.dma_semaphore, #tpu.memory_space<semaphore_mem>>
      %dma_start3A_2023 = arith.constant 0 : i32
      %dma_start3A_2024 = tpu.memref_slice %arg8[%dma_start3A_2023] : memref<656xi32, #tpu.memory_space<vmem>> -> memref<640xi32, #tpu.memory_space<vmem>>
      %dma_start3A_2025 = tpu.memref_slice %arg3[%mul3A_2] : memref<20480xi32, #tpu.memory_space<hbm>> -> memref<640xi32, #tpu.memory_space<hbm>>
      %dma_start3A_2026 = arith.constant 0 : i32
      %dma_start3A_2027 = tpu.memref_slice %arg8[%dma_start3A_2026] : memref<656xi32, #tpu.memory_space<vmem>> -> memref<640xi32, #tpu.memory_space<vmem>>
      %dma_start3A_2028 = tpu.memref_slice %arg3[%mul3A_2] : memref<20480xi32, #tpu.memory_space<hbm>> -> memref<640xi32, #tpu.memory_space<hbm>>
      tpu.enqueue_dma source(%dma_start3A_2028 : memref<640xi32, #tpu.memory_space<hbm>>) target(%dma_start3A_2027 : memref<640xi32, #tpu.memory_space<vmem>>) target_semaphore(%run_scoped3A : memref<!tpu.dma_semaphore, #tpu.memory_space<semaphore_mem>>)
      %dma_wait3A_2029 = arith.constant 0 : i32
      %dma_wait3A_2030 = tpu.memref_slice %arg8[%dma_wait3A_2029] : memref<656xi32, #tpu.memory_space<vmem>> -> memref<640xi32, #tpu.memory_space<vmem>>
      %dma_wait3A_2031 = tpu.memref_slice %arg3[%mul3A_2] : memref<20480xi32, #tpu.memory_space<hbm>> -> memref<640xi32, #tpu.memory_space<hbm>>
      %dma_wait3A_2032 = arith.constant 0 : i32
      %dma_wait3A_2033 = tpu.memref_slice %arg8[%dma_wait3A_2032] : memref<656xi32, #tpu.memory_space<vmem>> -> memref<640xi32, #tpu.memory_space<vmem>>
      %dma_wait3A_2034 = tpu.memref_slice %arg3[%mul3A_2] : memref<20480xi32, #tpu.memory_space<hbm>> -> memref<640xi32, #tpu.memory_space<hbm>>
      tpu.wait_dma2 semaphore(%run_scoped3A : memref<!tpu.dma_semaphore, #tpu.memory_space<semaphore_mem>>) src(%dma_wait3A_2034 : memref<640xi32, #tpu.memory_space<hbm>>) dst(%dma_wait3A_2033 : memref<640xi32, #tpu.memory_space<vmem>>)
      tpu.yield
    }) : () -> ()
    "tpu.region"() ({
      %run_scoped3A = tpu.sem_alloc : memref<!tpu.dma_semaphore, #tpu.memory_space<semaphore_mem>>
      %dma_start3A_2023 = arith.constant 0 : i32
      %dma_start3A_2024 = tpu.memref_slice %arg9[%dma_start3A_2023] : memref<656xi32, #tpu.memory_space<vmem>> -> memref<640xi32, #tpu.memory_space<vmem>>
      %dma_start3A_2025 = tpu.memref_slice %arg4[%mul3A_2] : memref<20480xi32, #tpu.memory_space<hbm>> -> memref<640xi32, #tpu.memory_space<hbm>>
      %dma_start3A_2026 = arith.constant 0 : i32
      %dma_start3A_2027 = tpu.memref_slice %arg9[%dma_start3A_2026] : memref<656xi32, #tpu.memory_space<vmem>> -> memref<640xi32, #tpu.memory_space<vmem>>
      %dma_start3A_2028 = tpu.memref_slice %arg4[%mul3A_2] : memref<20480xi32, #tpu.memory_space<hbm>> -> memref<640xi32, #tpu.memory_space<hbm>>
      tpu.enqueue_dma source(%dma_start3A_2028 : memref<640xi32, #tpu.memory_space<hbm>>) target(%dma_start3A_2027 : memref<640xi32, #tpu.memory_space<vmem>>) target_semaphore(%run_scoped3A : memref<!tpu.dma_semaphore, #tpu.memory_space<semaphore_mem>>)
      %dma_wait3A_2029 = arith.constant 0 : i32
      %dma_wait3A_2030 = tpu.memref_slice %arg9[%dma_wait3A_2029] : memref<656xi32, #tpu.memory_space<vmem>> -> memref<640xi32, #tpu.memory_space<vmem>>
      %dma_wait3A_2031 = tpu.memref_slice %arg4[%mul3A_2] : memref<20480xi32, #tpu.memory_space<hbm>> -> memref<640xi32, #tpu.memory_space<hbm>>
      %dma_wait3A_2032 = arith.constant 0 : i32
      %dma_wait3A_2033 = tpu.memref_slice %arg9[%dma_wait3A_2032] : memref<656xi32, #tpu.memory_space<vmem>> -> memref<640xi32, #tpu.memory_space<vmem>>
      %dma_wait3A_2034 = tpu.memref_slice %arg4[%mul3A_2] : memref<20480xi32, #tpu.memory_space<hbm>> -> memref<640xi32, #tpu.memory_space<hbm>>
      tpu.wait_dma2 semaphore(%run_scoped3A : memref<!tpu.dma_semaphore, #tpu.memory_space<semaphore_mem>>) src(%dma_wait3A_2034 : memref<640xi32, #tpu.memory_space<hbm>>) dst(%dma_wait3A_2033 : memref<640xi32, #tpu.memory_space<vmem>>)
      tpu.yield
    }) : () -> ()
    "tpu.region"() ({
      %run_scoped3A = tpu.sem_alloc : memref<!tpu.dma_semaphore, #tpu.memory_space<semaphore_mem>>
      tpu.enqueue_dma source(%arg5 : memref<1000xf32, #tpu.memory_space<hbm>>) target(%arg10 : memref<1000xf32, #tpu.memory_space<vmem>>) target_semaphore(%run_scoped3A : memref<!tpu.dma_semaphore, #tpu.memory_space<semaphore_mem>>)
      tpu.wait_dma2 semaphore(%run_scoped3A : memref<!tpu.dma_semaphore, #tpu.memory_space<semaphore_mem>>) src(%arg5 : memref<1000xf32, #tpu.memory_space<hbm>>) dst(%arg10 : memref<1000xf32, #tpu.memory_space<vmem>>)
      tpu.yield
    }) : () -> ()
    %iota3A = tpu.iota {dimensions = array<i32: 0>} : vector<16xi32>
    %broadcast_in_dim3A = arith.constant 0 : i32
    %broadcast_in_dim3A_5 = vector.broadcast %broadcast_in_dim3A : i32 to vector<16xi32>
    %swap3A = arith.constant 640 : index
    %swap3A_6 = tpu.vector_load %arg8[%swap3A] {strides = array<i32>} : memref<656xi32, #tpu.memory_space<vmem>>, vector<16xi32>,
    tpu.vector_store %arg8[%swap3A], %broadcast_in_dim3A_5 {strides = array<i32>} : memref<656xi32, #tpu.memory_space<vmem>>, vector<16xi32>,
    %broadcast_in_dim3A_7 = arith.constant 0 : i32
    %broadcast_in_dim3A_8 = vector.broadcast %broadcast_in_dim3A_7 : i32 to vector<16xi32>
    %swap3A_9 = arith.constant 640 : index
    %swap3A_10 = tpu.vector_load %arg9[%swap3A_9] {strides = array<i32>} : memref<656xi32, #tpu.memory_space<vmem>>, vector<16xi32>,
    tpu.vector_store %arg9[%swap3A_9], %broadcast_in_dim3A_8 {strides = array<i32>} : memref<656xi32, #tpu.memory_space<vmem>>, vector<16xi32>,
    %broadcast_in_dim3A_11 = arith.constant 0.000000e+00 : f32
    %broadcast_in_dim3A_12 = vector.broadcast %broadcast_in_dim3A_11 : f32 to vector<16xf32>
    %dma_start3A = arith.constant 0 : i32
    %dma_start3A_13 = tpu.memref_slice %arg8[%dma_start3A] : memref<656xi32, #tpu.memory_space<vmem>> -> memref<40xi32, #tpu.memory_space<vmem>>
    %dma_start3A_14 = arith.constant 0 : i32
    %dma_start3A_15 = arith.constant 0 : i32
    %dma_start3A_16 = tpu.memref_slice %arg2[%dma_start3A_14, %dma_start3A_15] : memref<1000x1000xf32, #tpu.memory_space<hbm>> -> memref<1000x1000xf32, #tpu.memory_space<hbm>>
    tpu.enqueue_indirect_dma source(%dma_start3A_16 : memref<1000x1000xf32, #tpu.memory_space<hbm>>) target(%arg11 : memref<40x1000xf32, #tpu.memory_space<vmem>>) offsets(%dma_start3A_13 : memref<40xi32, #tpu.memory_space<vmem>>) semaphore(%arg14 : memref<!tpu.dma_semaphore, #tpu.memory_space<semaphore_mem>>)
    %dma_start3A_17 = arith.constant 40 : i32
    %dma_start3A_18 = tpu.memref_slice %arg8[%dma_start3A_17] : memref<656xi32, #tpu.memory_space<vmem>> -> memref<40xi32, #tpu.memory_space<vmem>>
    %dma_start3A_19 = arith.constant 0 : i32
    %dma_start3A_20 = arith.constant 0 : i32
    %dma_start3A_21 = tpu.memref_slice %arg2[%dma_start3A_19, %dma_start3A_20] : memref<1000x1000xf32, #tpu.memory_space<hbm>> -> memref<1000x1000xf32, #tpu.memory_space<hbm>>
    tpu.enqueue_indirect_dma source(%dma_start3A_21 : memref<1000x1000xf32, #tpu.memory_space<hbm>>) target(%arg12 : memref<40x1000xf32, #tpu.memory_space<vmem>>) offsets(%dma_start3A_18 : memref<40xi32, #tpu.memory_space<vmem>>) semaphore(%arg15 : memref<!tpu.dma_semaphore, #tpu.memory_space<semaphore_mem>>)
    %dma_wait3A = arith.constant 0 : i32
    %dma_wait3A_22 = tpu.memref_slice %arg8[%dma_wait3A] : memref<656xi32, #tpu.memory_space<vmem>> -> memref<40xi32, #tpu.memory_space<vmem>>
    %dma_wait3A_23 = arith.constant 0 : i32
    %dma_wait3A_24 = arith.constant 0 : i32
    %dma_wait3A_25 = tpu.memref_slice %arg2[%dma_wait3A_23, %dma_wait3A_24] : memref<1000x1000xf32, #tpu.memory_space<hbm>> -> memref<1000x1000xf32, #tpu.memory_space<hbm>>
    tpu.wait_indirect_dma semaphore(%arg14 : memref<!tpu.dma_semaphore, #tpu.memory_space<semaphore_mem>>) src(%dma_wait3A_25 : memref<1000x1000xf32, #tpu.memory_space<hbm>>) dst(%arg11 : memref<40x1000xf32, #tpu.memory_space<vmem>>)
    %add3A_26 = arith.constant 0 : i32
    %add3A_27 = arith.addi %mul3A_4, %add3A_26 : i32
    %dma_start3A_28 = arith.constant 0 : i32
    %dma_start3A_29 = arith.constant 0 : i32
    %dma_start3A_30 = tpu.memref_slice %arg11[%dma_start3A_28, %dma_start3A_29] : memref<40x1000xf32, #tpu.memory_space<vmem>> -> memref<20x1000xf32, #tpu.memory_space<vmem>>
    %dma_start3A_31 = arith.constant 0 : i32
    %dma_start3A_32 = arith.constant 0 : i32
    %dma_start3A_33 = tpu.memref_slice %arg6[%add3A_27, %dma_start3A_31, %dma_start3A_32] : memref<1024x20x1000xf32, #tpu.memory_space<hbm>> -> memref<1x20x1000xf32, #tpu.memory_space<hbm>>
    %dma_start3A_34 = tpu.memref_squeeze %dma_start3A_33 : memref<1x20x1000xf32, #tpu.memory_space<hbm>> -> memref<20x1000xf32, #tpu.memory_space<hbm>>
    %dma_start3A_35 = arith.constant 0 : i32
    %dma_start3A_36 = arith.constant 0 : i32
    %dma_start3A_37 = tpu.memref_slice %arg6[%add3A_27, %dma_start3A_35, %dma_start3A_36] : memref<1024x20x1000xf32, #tpu.memory_space<hbm>> -> memref<1x20x1000xf32, #tpu.memory_space<hbm>>
    %dma_start3A_38 = tpu.memref_squeeze %dma_start3A_37 : memref<1x20x1000xf32, #tpu.memory_space<hbm>> -> memref<20x1000xf32, #tpu.memory_space<hbm>>
    %dma_start3A_39 = arith.constant 0 : i32
    %dma_start3A_40 = arith.constant 0 : i32
    %dma_start3A_41 = tpu.memref_slice %arg11[%dma_start3A_39, %dma_start3A_40] : memref<40x1000xf32, #tpu.memory_space<vmem>> -> memref<20x1000xf32, #tpu.memory_space<vmem>>
    tpu.enqueue_dma source(%dma_start3A_41 : memref<20x1000xf32, #tpu.memory_space<vmem>>) target(%dma_start3A_38 : memref<20x1000xf32, #tpu.memory_space<hbm>>) target_semaphore(%arg16 : memref<!tpu.dma_semaphore, #tpu.memory_space<semaphore_mem>>)
    %add3A_42 = arith.constant 0 : i32
    %add3A_43 = arith.addi %mul3A_4, %add3A_42 : i32
    %add3A_44 = arith.constant 1 : i32
    %add3A_45 = arith.addi %add3A_43, %add3A_44 : i32
    %dma_start3A_46 = arith.constant 20 : i32
    %dma_start3A_47 = arith.constant 0 : i32
    %dma_start3A_48 = tpu.memref_slice %arg11[%dma_start3A_46, %dma_start3A_47] : memref<40x1000xf32, #tpu.memory_space<vmem>> -> memref<20x1000xf32, #tpu.memory_space<vmem>>
    %dma_start3A_49 = arith.constant 0 : i32
    %dma_start3A_50 = arith.constant 0 : i32
    %dma_start3A_51 = tpu.memref_slice %arg6[%add3A_45, %dma_start3A_49, %dma_start3A_50] : memref<1024x20x1000xf32, #tpu.memory_space<hbm>> -> memref<1x20x1000xf32, #tpu.memory_space<hbm>>
    %dma_start3A_52 = tpu.memref_squeeze %dma_start3A_51 : memref<1x20x1000xf32, #tpu.memory_space<hbm>> -> memref<20x1000xf32, #tpu.memory_space<hbm>>
    %dma_start3A_53 = arith.constant 0 : i32
    %dma_start3A_54 = arith.constant 0 : i32
    %dma_start3A_55 = tpu.memref_slice %arg6[%add3A_45, %dma_start3A_53, %dma_start3A_54] : memref<1024x20x1000xf32, #tpu.memory_space<hbm>> -> memref<1x20x1000xf32, #tpu.memory_space<hbm>>
    %dma_start3A_56 = tpu.memref_squeeze %dma_start3A_55 : memref<1x20x1000xf32, #tpu.memory_space<hbm>> -> memref<20x1000xf32, #tpu.memory_space<hbm>>
    %dma_start3A_57 = arith.constant 20 : i32
    %dma_start3A_58 = arith.constant 0 : i32
    %dma_start3A_59 = tpu.memref_slice %arg11[%dma_start3A_57, %dma_start3A_58] : memref<40x1000xf32, #tpu.memory_space<vmem>> -> memref<20x1000xf32, #tpu.memory_space<vmem>>
    tpu.enqueue_dma source(%dma_start3A_59 : memref<20x1000xf32, #tpu.memory_space<vmem>>) target(%dma_start3A_56 : memref<20x1000xf32, #tpu.memory_space<hbm>>) target_semaphore(%arg16 : memref<!tpu.dma_semaphore, #tpu.memory_space<semaphore_mem>>)
    %get3A = arith.constant 0 : index
    %get3A_60 = tpu.vector_load %arg8[%get3A] {strides = array<i32>} : memref<656xi32, #tpu.memory_space<vmem>>, vector<16xi32>,
    %get3A_61 = arith.constant 0 : index
    %get3A_62 = tpu.vector_load %arg9[%get3A_61] {strides = array<i32>} : memref<656xi32, #tpu.memory_space<vmem>>, vector<16xi32>,
    %add3A_63 = arith.constant 0 : i32
    %add3A_64 = vector.broadcast %add3A_63 : i32 to vector<16xi32>
    %add3A_65 = arith.addi %iota3A, %add3A_64 : vector<16xi32>
    %gather3A = tpu.vector_load_idx %arg11[%add3A_65, %get3A_62] : memref<40x1000xf32, #tpu.memory_space<vmem>>[vector<16xi32>, vector<16xi32>], vector<16xf32>,
    %gather3A_66 = tpu.vector_load_idx %arg10[%get3A_60] : memref<1000xf32, #tpu.memory_space<vmem>>[vector<16xi32>], vector<16xf32>,
    %sub3A = arith.subf %gather3A_66, %gather3A : vector<16xf32>
    %add3A_67 = arith.addf %broadcast_in_dim3A_12, %sub3A : vector<16xf32>
    %get3A_68 = arith.constant 16 : index
    %get3A_69 = tpu.vector_load %arg8[%get3A_68] {strides = array<i32>} : memref<656xi32, #tpu.memory_space<vmem>>, vector<16xi32>,
    %get3A_70 = arith.constant 16 : index
    %get3A_71 = tpu.vector_load %arg9[%get3A_70] {strides = array<i32>} : memref<656xi32, #tpu.memory_space<vmem>>, vector<16xi32>,
    %add3A_72 = arith.constant 16 : i32
    %add3A_73 = vector.broadcast %add3A_72 : i32 to vector<16xi32>
    %add3A_74 = arith.addi %iota3A, %add3A_73 : vector<16xi32>
    %gather3A_75 = tpu.vector_load_idx %arg11[%add3A_74, %get3A_71] : memref<40x1000xf32, #tpu.memory_space<vmem>>[vector<16xi32>, vector<16xi32>], vector<16xf32>,
    %gather3A_76 = tpu.vector_load_idx %arg10[%get3A_69] : memref<1000xf32, #tpu.memory_space<vmem>>[vector<16xi32>], vector<16xf32>,
    %sub3A_77 = arith.subf %gather3A_76, %gather3A_75 : vector<16xf32>
    %add3A_78 = arith.addf %add3A_67, %sub3A_77 : vector<16xf32>
    %get3A_79 = arith.constant 32 : index
    %get3A_80 = tpu.vector_load %arg8[%get3A_79] {strides = array<i32>} : memref<656xi32, #tpu.memory_space<vmem>>, vector<16xi32>,
    %get3A_81 = arith.constant 32 : index
    %get3A_82 = tpu.vector_load %arg9[%get3A_81] {strides = array<i32>} : memref<656xi32, #tpu.memory_space<vmem>>, vector<16xi32>,
    %add3A_83 = arith.constant 32 : i32
    %add3A_84 = vector.broadcast %add3A_83 : i32 to vector<16xi32>
    %add3A_85 = arith.addi %iota3A, %add3A_84 : vector<16xi32>
    %min3A = arith.constant 39 : i32
    %min3A_86 = vector.broadcast %min3A : i32 to vector<16xi32>
    %min3A_87 = arith.minsi %add3A_85, %min3A_86 : vector<16xi32>
    %jit3A = arith.constant 0 : i32
    %jit3A_88 = arith.constant 999 : i32
    %max3A = vector.broadcast %jit3A : i32 to vector<16xi32>
    %max3A_89 = arith.maxsi %max3A, %get3A_80 : vector<16xi32>
    %min3A_90 = vector.broadcast %jit3A_88 : i32 to vector<16xi32>
    %min3A_91 = arith.minsi %min3A_90, %max3A_89 : vector<16xi32>
    %jit3A_92 = arith.constant 0 : i32
    %jit3A_93 = arith.constant 999 : i32
    %max3A_94 = vector.broadcast %jit3A_92 : i32 to vector<16xi32>
    %max3A_95 = arith.maxsi %max3A_94, %get3A_82 : vector<16xi32>
    %min3A_96 = vector.broadcast %jit3A_93 : i32 to vector<16xi32>
    %min3A_97 = arith.minsi %min3A_96, %max3A_95 : vector<16xi32>
    %gather3A_98 = tpu.vector_load_idx %arg11[%min3A_87, %min3A_97] : memref<40x1000xf32, #tpu.memory_space<vmem>>[vector<16xi32>, vector<16xi32>], vector<16xf32>,
    %gather3A_99 = tpu.vector_load_idx %arg10[%min3A_91] : memref<1000xf32, #tpu.memory_space<vmem>>[vector<16xi32>], vector<16xf32>,
    %sub3A_100 = arith.subf %gather3A_99, %gather3A_98 : vector<16xf32>
    %lt3A = arith.constant 8 : i32
    %lt3A_101 = vector.broadcast %lt3A : i32 to vector<16xi32>
    %lt3A_102 = arith.cmpi slt, %iota3A, %lt3A_101 : vector<16xi32>
    %jit3A_103 = arith.constant 0.000000e+00 : f32
    %broadcast_in_dim3A_104 = vector.broadcast %jit3A_103 : f32 to vector<16xf32>
    %select_n3A = arith.select %lt3A_102, %sub3A_100, %broadcast_in_dim3A_104 : vector<16xi1>, vector<16xf32>
    %add3A_105 = arith.addf %add3A_78, %select_n3A : vector<16xf32>
    %dma_wait3A_106 = arith.constant 0 : i32
    %dma_wait3A_107 = arith.constant 0 : i32
    %dma_wait3A_108 = tpu.memref_slice %arg11[%dma_wait3A_106, %dma_wait3A_107] : memref<40x1000xf32, #tpu.memory_space<vmem>> -> memref<20x1000xf32, #tpu.memory_space<vmem>>
    %dma_wait3A_109 = arith.constant 0 : i32
    %dma_wait3A_110 = arith.constant 0 : i32
    %dma_wait3A_111 = tpu.memref_slice %arg6[%add3A_27, %dma_wait3A_109, %dma_wait3A_110] : memref<1024x20x1000xf32, #tpu.memory_space<hbm>> -> memref<1x20x1000xf32, #tpu.memory_space<hbm>>
    %dma_wait3A_112 = tpu.memref_squeeze %dma_wait3A_111 : memref<1x20x1000xf32, #tpu.memory_space<hbm>> -> memref<20x1000xf32, #tpu.memory_space<hbm>>
    %dma_wait3A_113 = arith.constant 0 : i32
    %dma_wait3A_114 = arith.constant 0 : i32
    %dma_wait3A_115 = tpu.memref_slice %arg6[%add3A_27, %dma_wait3A_113, %dma_wait3A_114] : memref<1024x20x1000xf32, #tpu.memory_space<hbm>> -> memref<1x20x1000xf32, #tpu.memory_space<hbm>>
    %dma_wait3A_116 = tpu.memref_squeeze %dma_wait3A_115 : memref<1x20x1000xf32, #tpu.memory_space<hbm>> -> memref<20x1000xf32, #tpu.memory_space<hbm>>
    %dma_wait3A_117 = arith.constant 0 : i32
    %dma_wait3A_118 = arith.constant 0 : i32
    %dma_wait3A_119 = tpu.memref_slice %arg11[%dma_wait3A_117, %dma_wait3A_118] : memref<40x1000xf32, #tpu.memory_space<vmem>> -> memref<20x1000xf32, #tpu.memory_space<vmem>>
    tpu.wait_dma2 semaphore(%arg16 : memref<!tpu.dma_semaphore, #tpu.memory_space<semaphore_mem>>) src(%dma_wait3A_119 : memref<20x1000xf32, #tpu.memory_space<vmem>>) dst(%dma_wait3A_116 : memref<20x1000xf32, #tpu.memory_space<hbm>>)
    %dma_wait3A_120 = arith.constant 20 : i32
    %dma_wait3A_121 = arith.constant 0 : i32
    %dma_wait3A_122 = tpu.memref_slice %arg11[%dma_wait3A_120, %dma_wait3A_121] : memref<40x1000xf32, #tpu.memory_space<vmem>> -> memref<20x1000xf32, #tpu.memory_space<vmem>>
    %dma_wait3A_123 = arith.constant 0 : i32
    %dma_wait3A_124 = arith.constant 0 : i32
    %dma_wait3A_125 = tpu.memref_slice %arg6[%add3A_45, %dma_wait3A_123, %dma_wait3A_124] : memref<1024x20x1000xf32, #tpu.memory_space<hbm>> -> memref<1x20x1000xf32, #tpu.memory_space<hbm>>
    %dma_wait3A_126 = tpu.memref_squeeze %dma_wait3A_125 : memref<1x20x1000xf32, #tpu.memory_space<hbm>> -> memref<20x1000xf32, #tpu.memory_space<hbm>>
    %dma_wait3A_127 = arith.constant 0 : i32
    %dma_wait3A_128 = arith.constant 0 : i32
    %dma_wait3A_129 = tpu.memref_slice %arg6[%add3A_45, %dma_wait3A_127, %dma_wait3A_128] : memref<1024x20x1000xf32, #tpu.memory_space<hbm>> -> memref<1x20x1000xf32, #tpu.memory_space<hbm>>
    %dma_wait3A_130 = tpu.memref_squeeze %dma_wait3A_129 : memref<1x20x1000xf32, #tpu.memory_space<hbm>> -> memref<20x1000xf32, #tpu.memory_space<hbm>>
    %dma_wait3A_131 = arith.constant 20 : i32
    %dma_wait3A_132 = arith.constant 0 : i32
    %dma_wait3A_133 = tpu.memref_slice %arg11[%dma_wait3A_131, %dma_wait3A_132] : memref<40x1000xf32, #tpu.memory_space<vmem>> -> memref<20x1000xf32, #tpu.memory_space<vmem>>
    tpu.wait_dma2 semaphore(%arg16 : memref<!tpu.dma_semaphore, #tpu.memory_space<semaphore_mem>>) src(%dma_wait3A_133 : memref<20x1000xf32, #tpu.memory_space<vmem>>) dst(%dma_wait3A_130 : memref<20x1000xf32, #tpu.memory_space<hbm>>)
    %dma_start3A_134 = arith.constant 80 : i32
    %dma_start3A_135 = tpu.memref_slice %arg8[%dma_start3A_134] : memref<656xi32, #tpu.memory_space<vmem>> -> memref<40xi32, #tpu.memory_space<vmem>>
    %dma_start3A_136 = arith.constant 0 : i32
    %dma_start3A_137 = arith.constant 0 : i32
    %dma_start3A_138 = tpu.memref_slice %arg2[%dma_start3A_136, %dma_start3A_137] : memref<1000x1000xf32, #tpu.memory_space<hbm>> -> memref<1000x1000xf32, #tpu.memory_space<hbm>>
    tpu.enqueue_indirect_dma source(%dma_start3A_138 : memref<1000x1000xf32, #tpu.memory_space<hbm>>) target(%arg11 : memref<40x1000xf32, #tpu.memory_space<vmem>>) offsets(%dma_start3A_135 : memref<40xi32, #tpu.memory_space<vmem>>) semaphore(%arg14 : memref<!tpu.dma_semaphore, #tpu.memory_space<semaphore_mem>>)
    %dma_wait3A_139 = arith.constant 40 : i32
    %dma_wait3A_140 = tpu.memref_slice %arg8[%dma_wait3A_139] : memref<656xi32, #tpu.memory_space<vmem>> -> memref<40xi32, #tpu.memory_space<vmem>>
    %dma_wait3A_141 = arith.constant 0 : i32
    %dma_wait3A_142 = arith.constant 0 : i32
    %dma_wait3A_143 = tpu.memref_slice %arg2[%dma_wait3A_141, %dma_wait3A_142] : memref<1000x1000xf32, #tpu.memory_space<hbm>> -> memref<1000x1000xf32, #tpu.memory_space<hbm>>
    tpu.wait_indirect_dma semaphore(%arg15 : memref<!tpu.dma_semaphore, #tpu.memory_space<semaphore_mem>>) src(%dma_wait3A_143 : memref<1000x1000xf32, #tpu.memory_space<hbm>>) dst(%arg12 : memref<40x1000xf32, #tpu.memory_space<vmem>>)
    %add3A_144 = arith.constant 2 : i32
    %add3A_145 = arith.addi %mul3A_4, %add3A_144 : i32
    %dma_start3A_146 = arith.constant 0 : i32
    %dma_start3A_147 = arith.constant 0 : i32
    %dma_start3A_148 = tpu.memref_slice %arg12[%dma_start3A_146, %dma_start3A_147] : memref<40x1000xf32, #tpu.memory_space<vmem>> -> memref<20x1000xf32, #tpu.memory_space<vmem>>
    %dma_start3A_149 = arith.constant 0 : i32
    %dma_start3A_150 = arith.constant 0 : i32
    %dma_start3A_151 = tpu.memref_slice %arg6[%add3A_145, %dma_start3A_149, %dma_start3A_150] : memref<1024x20x1000xf32, #tpu.memory_space<hbm>> -> memref<1x20x1000xf32, #tpu.memory_space<hbm>>
    %dma_start3A_152 = tpu.memref_squeeze %dma_start3A_151 : memref<1x20x1000xf32, #tpu.memory_space<hbm>> -> memref<20x1000xf32, #tpu.memory_space<hbm>>
    %dma_start3A_153 = arith.constant 0 : i32
    %dma_start3A_154 = arith.constant 0 : i32
    %dma_start3A_155 = tpu.memref_slice %arg6[%add3A_145, %dma_start3A_153, %dma_start3A_154] : memref<1024x20x1000xf32, #tpu.memory_space<hbm>> -> memref<1x20x1000xf32, #tpu.memory_space<hbm>>
    %dma_start3A_156 = tpu.memref_squeeze %dma_start3A_155 : memref<1x20x1000xf32, #tpu.memory_space<hbm>> -> memref<20x1000xf32, #tpu.memory_space<hbm>>
    %dma_start3A_157 = arith.constant 0 : i32
    %dma_start3A_158 = arith.constant 0 : i32
    %dma_start3A_159 = tpu.memref_slice %arg12[%dma_start3A_157, %dma_start3A_158] : memref<40x1000xf32, #tpu.memory_space<vmem>> -> memref<20x1000xf32, #tpu.memory_space<vmem>>
    tpu.enqueue_dma source(%dma_start3A_159 : memref<20x1000xf32, #tpu.memory_space<vmem>>) target(%dma_start3A_156 : memref<20x1000xf32, #tpu.memory_space<hbm>>) target_semaphore(%arg17 : memref<!tpu.dma_semaphore, #tpu.memory_space<semaphore_mem>>)
    %add3A_160 = arith.constant 2 : i32
    %add3A_161 = arith.addi %mul3A_4, %add3A_160 : i32
    %add3A_162 = arith.constant 1 : i32
    %add3A_163 = arith.addi %add3A_161, %add3A_162 : i32
    %dma_start3A_164 = arith.constant 20 : i32
    %dma_start3A_165 = arith.constant 0 : i32
    %dma_start3A_166 = tpu.memref_slice %arg12[%dma_start3A_164, %dma_start3A_165] : memref<40x1000xf32, #tpu.memory_space<vmem>> -> memref<20x1000xf32, #tpu.memory_space<vmem>>
    %dma_start3A_167 = arith.constant 0 : i32
    %dma_start3A_168 = arith.constant 0 : i32
    %dma_start3A_169 = tpu.memref_slice %arg6[%add3A_163, %dma_start3A_167, %dma_start3A_168] : memref<1024x20x1000xf32, #tpu.memory_space<hbm>> -> memref<1x20x1000xf32, #tpu.memory_space<hbm>>
    %dma_start3A_170 = tpu.memref_squeeze %dma_start3A_169 : memref<1x20x1000xf32, #tpu.memory_space<hbm>> -> memref<20x1000xf32, #tpu.memory_space<hbm>>
    %dma_start3A_171 = arith.constant 0 : i32
    %dma_start3A_172 = arith.constant 0 : i32
    %dma_start3A_173 = tpu.memref_slice %arg6[%add3A_163, %dma_start3A_171, %dma_start3A_172] : memref<1024x20x1000xf32, #tpu.memory_space<hbm>> -> memref<1x20x1000xf32, #tpu.memory_space<hbm>>
    %dma_start3A_174 = tpu.memref_squeeze %dma_start3A_173 : memref<1x20x1000xf32, #tpu.memory_space<hbm>> -> memref<20x1000xf32, #tpu.memory_space<hbm>>
    %dma_start3A_175 = arith.constant 20 : i32
    %dma_start3A_176 = arith.constant 0 : i32
    %dma_start3A_177 = tpu.memref_slice %arg12[%dma_start3A_175, %dma_start3A_176] : memref<40x1000xf32, #tpu.memory_space<vmem>> -> memref<20x1000xf32, #tpu.memory_space<vmem>>
    tpu.enqueue_dma source(%dma_start3A_177 : memref<20x1000xf32, #tpu.memory_space<vmem>>) target(%dma_start3A_174 : memref<20x1000xf32, #tpu.memory_space<hbm>>) target_semaphore(%arg17 : memref<!tpu.dma_semaphore, #tpu.memory_space<semaphore_mem>>)
    %get3A_178 = arith.constant 40 : index
    %get3A_179 = tpu.vector_load %arg8[%get3A_178] {strides = array<i32>} : memref<656xi32, #tpu.memory_space<vmem>>, vector<16xi32>,
    %get3A_180 = arith.constant 40 : index
    %get3A_181 = tpu.vector_load %arg9[%get3A_180] {strides = array<i32>} : memref<656xi32, #tpu.memory_space<vmem>>, vector<16xi32>,
    %add3A_182 = arith.constant 0 : i32
    %add3A_183 = vector.broadcast %add3A_182 : i32 to vector<16xi32>
    %add3A_184 = arith.addi %iota3A, %add3A_183 : vector<16xi32>
    %gather3A_185 = tpu.vector_load_idx %arg12[%add3A_184, %get3A_181] : memref<40x1000xf32, #tpu.memory_space<vmem>>[vector<16xi32>, vector<16xi32>], vector<16xf32>,
    %gather3A_186 = tpu.vector_load_idx %arg10[%get3A_179] : memref<1000xf32, #tpu.memory_space<vmem>>[vector<16xi32>], vector<16xf32>,
    %sub3A_187 = arith.subf %gather3A_186, %gather3A_185 : vector<16xf32>
    %add3A_188 = arith.addf %add3A_105, %sub3A_187 : vector<16xf32>
    %get3A_189 = arith.constant 56 : index
    %get3A_190 = tpu.vector_load %arg8[%get3A_189] {strides = array<i32>} : memref<656xi32, #tpu.memory_space<vmem>>, vector<16xi32>,
    %get3A_191 = arith.constant 56 : index
    %get3A_192 = tpu.vector_load %arg9[%get3A_191] {strides = array<i32>} : memref<656xi32, #tpu.memory_space<vmem>>, vector<16xi32>,
    %add3A_193 = arith.constant 16 : i32
    %add3A_194 = vector.broadcast %add3A_193 : i32 to vector<16xi32>
    %add3A_195 = arith.addi %iota3A, %add3A_194 : vector<16xi32>
    %gather3A_196 = tpu.vector_load_idx %arg12[%add3A_195, %get3A_192] : memref<40x1000xf32, #tpu.memory_space<vmem>>[vector<16xi32>, vector<16xi32>], vector<16xf32>,
    %gather3A_197 = tpu.vector_load_idx %arg10[%get3A_190] : memref<1000xf32, #tpu.memory_space<vmem>>[vector<16xi32>], vector<16xf32>,
    %sub3A_198 = arith.subf %gather3A_197, %gather3A_196 : vector<16xf32>
    %add3A_199 = arith.addf %add3A_188, %sub3A_198 : vector<16xf32>
    %get3A_200 = arith.constant 72 : index
    %get3A_201 = tpu.vector_load %arg8[%get3A_200] {strides = array<i32>} : memref<656xi32, #tpu.memory_space<vmem>>, vector<16xi32>,
    %get3A_202 = arith.constant 72 : index
    %get3A_203 = tpu.vector_load %arg9[%get3A_202] {strides = array<i32>} : memref<656xi32, #tpu.memory_space<vmem>>, vector<16xi32>,
    %add3A_204 = arith.constant 32 : i32
    %add3A_205 = vector.broadcast %add3A_204 : i32 to vector<16xi32>
    %add3A_206 = arith.addi %iota3A, %add3A_205 : vector<16xi32>
    %min3A_207 = arith.constant 39 : i32
    %min3A_208 = vector.broadcast %min3A_207 : i32 to vector<16xi32>
    %min3A_209 = arith.minsi %add3A_206, %min3A_208 : vector<16xi32>
    %jit3A_210 = arith.constant 0 : i32
    %jit3A_211 = arith.constant 999 : i32
    %max3A_212 = vector.broadcast %jit3A_210 : i32 to vector<16xi32>
    %max3A_213 = arith.maxsi %max3A_212, %get3A_201 : vector<16xi32>
    %min3A_214 = vector.broadcast %jit3A_211 : i32 to vector<16xi32>
    %min3A_215 = arith.minsi %min3A_214, %max3A_213 : vector<16xi32>
    %jit3A_216 = arith.constant 0 : i32
    %jit3A_217 = arith.constant 999 : i32
    %max3A_218 = vector.broadcast %jit3A_216 : i32 to vector<16xi32>
    %max3A_219 = arith.maxsi %max3A_218, %get3A_203 : vector<16xi32>
    %min3A_220 = vector.broadcast %jit3A_217 : i32 to vector<16xi32>
    %min3A_221 = arith.minsi %min3A_220, %max3A_219 : vector<16xi32>
    %gather3A_222 = tpu.vector_load_idx %arg12[%min3A_209, %min3A_221] : memref<40x1000xf32, #tpu.memory_space<vmem>>[vector<16xi32>, vector<16xi32>], vector<16xf32>,
    %gather3A_223 = tpu.vector_load_idx %arg10[%min3A_215] : memref<1000xf32, #tpu.memory_space<vmem>>[vector<16xi32>], vector<16xf32>,
    %sub3A_224 = arith.subf %gather3A_223, %gather3A_222 : vector<16xf32>
    %lt3A_225 = arith.constant 8 : i32
    %lt3A_226 = vector.broadcast %lt3A_225 : i32 to vector<16xi32>
    %lt3A_227 = arith.cmpi slt, %iota3A, %lt3A_226 : vector<16xi32>
    %jit3A_228 = arith.constant 0.000000e+00 : f32
    %broadcast_in_dim3A_229 = vector.broadcast %jit3A_228 : f32 to vector<16xf32>
    %select_n3A_230 = arith.select %lt3A_227, %sub3A_224, %broadcast_in_dim3A_229 : vector<16xi1>, vector<16xf32>
    %add3A_231 = arith.addf %add3A_199, %select_n3A_230 : vector<16xf32>
    %dma_wait3A_232 = arith.constant 0 : i32
    %dma_wait3A_233 = arith.constant 0 : i32
    %dma_wait3A_234 = tpu.memref_slice %arg12[%dma_wait3A_232, %dma_wait3A_233] : memref<40x1000xf32, #tpu.memory_space<vmem>> -> memref<20x1000xf32, #tpu.memory_space<vmem>>
    %dma_wait3A_235 = arith.constant 0 : i32
    %dma_wait3A_236 = arith.constant 0 : i32
    %dma_wait3A_237 = tpu.memref_slice %arg6[%add3A_145, %dma_wait3A_235, %dma_wait3A_236] : memref<1024x20x1000xf32, #tpu.memory_space<hbm>> -> memref<1x20x1000xf32, #tpu.memory_space<hbm>>
    %dma_wait3A_238 = tpu.memref_squeeze %dma_wait3A_237 : memref<1x20x1000xf32, #tpu.memory_space<hbm>> -> memref<20x1000xf32, #tpu.memory_space<hbm>>
    %dma_wait3A_239 = arith.constant 0 : i32
    %dma_wait3A_240 = arith.constant 0 : i32
    %dma_wait3A_241 = tpu.memref_slice %arg6[%add3A_145, %dma_wait3A_239, %dma_wait3A_240] : memref<1024x20x1000xf32, #tpu.memory_space<hbm>> -> memref<1x20x1000xf32, #tpu.memory_space<hbm>>
    %dma_wait3A_242 = tpu.memref_squeeze %dma_wait3A_241 : memref<1x20x1000xf32, #tpu.memory_space<hbm>> -> memref<20x1000xf32, #tpu.memory_space<hbm>>
    %dma_wait3A_243 = arith.constant 0 : i32
    %dma_wait3A_244 = arith.constant 0 : i32
    %dma_wait3A_245 = tpu.memref_slice %arg12[%dma_wait3A_243, %dma_wait3A_244] : memref<40x1000xf32, #tpu.memory_space<vmem>> -> memref<20x1000xf32, #tpu.memory_space<vmem>>
    tpu.wait_dma2 semaphore(%arg17 : memref<!tpu.dma_semaphore, #tpu.memory_space<semaphore_mem>>) src(%dma_wait3A_245 : memref<20x1000xf32, #tpu.memory_space<vmem>>) dst(%dma_wait3A_242 : memref<20x1000xf32, #tpu.memory_space<hbm>>)
    %dma_wait3A_246 = arith.constant 20 : i32
    %dma_wait3A_247 = arith.constant 0 : i32
    %dma_wait3A_248 = tpu.memref_slice %arg12[%dma_wait3A_246, %dma_wait3A_247] : memref<40x1000xf32, #tpu.memory_space<vmem>> -> memref<20x1000xf32, #tpu.memory_space<vmem>>
    %dma_wait3A_249 = arith.constant 0 : i32
    %dma_wait3A_250 = arith.constant 0 : i32
    %dma_wait3A_251 = tpu.memref_slice %arg6[%add3A_163, %dma_wait3A_249, %dma_wait3A_250] : memref<1024x20x1000xf32, #tpu.memory_space<hbm>> -> memref<1x20x1000xf32, #tpu.memory_space<hbm>>
    %dma_wait3A_252 = tpu.memref_squeeze %dma_wait3A_251 : memref<1x20x1000xf32, #tpu.memory_space<hbm>> -> memref<20x1000xf32, #tpu.memory_space<hbm>>
    %dma_wait3A_253 = arith.constant 0 : i32
    %dma_wait3A_254 = arith.constant 0 : i32
    %dma_wait3A_255 = tpu.memref_slice %arg6[%add3A_163, %dma_wait3A_253, %dma_wait3A_254] : memref<1024x20x1000xf32, #tpu.memory_space<hbm>> -> memref<1x20x1000xf32, #tpu.memory_space<hbm>>
    %dma_wait3A_256 = tpu.memref_squeeze %dma_wait3A_255 : memref<1x20x1000xf32, #tpu.memory_space<hbm>> -> memref<20x1000xf32, #tpu.memory_space<hbm>>
    %dma_wait3A_257 = arith.constant 20 : i32
    %dma_wait3A_258 = arith.constant 0 : i32
    %dma_wait3A_259 = tpu.memref_slice %arg12[%dma_wait3A_257, %dma_wait3A_258] : memref<40x1000xf32, #tpu.memory_space<vmem>> -> memref<20x1000xf32, #tpu.memory_space<vmem>>
    tpu.wait_dma2 semaphore(%arg17 : memref<!tpu.dma_semaphore, #tpu.memory_space<semaphore_mem>>) src(%dma_wait3A_259 : memref<20x1000xf32, #tpu.memory_space<vmem>>) dst(%dma_wait3A_256 : memref<20x1000xf32, #tpu.memory_space<hbm>>)
    %dma_start3A_260 = arith.constant 120 : i32
    %dma_start3A_261 = tpu.memref_slice %arg8[%dma_start3A_260] : memref<656xi32, #tpu.memory_space<vmem>> -> memref<40xi32, #tpu.memory_space<vmem>>
    %dma_start3A_262 = arith.constant 0 : i32
    %dma_start3A_263 = arith.constant 0 : i32
    %dma_start3A_264 = tpu.memref_slice %arg2[%dma_start3A_262, %dma_start3A_263] : memref<1000x1000xf32, #tpu.memory_space<hbm>> -> memref<1000x1000xf32, #tpu.memory_space<hbm>>
    tpu.enqueue_indirect_dma source(%dma_start3A_264 : memref<1000x1000xf32, #tpu.memory_space<hbm>>) target(%arg12 : memref<40x1000xf32, #tpu.memory_space<vmem>>) offsets(%dma_start3A_261 : memref<40xi32, #tpu.memory_space<vmem>>) semaphore(%arg15 : memref<!tpu.dma_semaphore, #tpu.memory_space<semaphore_mem>>)
    %dma_wait3A_265 = arith.constant 80 : i32
    %dma_wait3A_266 = tpu.memref_slice %arg8[%dma_wait3A_265] : memref<656xi32, #tpu.memory_space<vmem>> -> memref<40xi32, #tpu.memory_space<vmem>>
    %dma_wait3A_267 = arith.constant 0 : i32
    %dma_wait3A_268 = arith.constant 0 : i32
    %dma_wait3A_269 = tpu.memref_slice %arg2[%dma_wait3A_267, %dma_wait3A_268] : memref<1000x1000xf32, #tpu.memory_space<hbm>> -> memref<1000x1000xf32, #tpu.memory_space<hbm>>
    tpu.wait_indirect_dma semaphore(%arg14 : memref<!tpu.dma_semaphore, #tpu.memory_space<semaphore_mem>>) src(%dma_wait3A_269 : memref<1000x1000xf32, #tpu.memory_space<hbm>>) dst(%arg11 : memref<40x1000xf32, #tpu.memory_space<vmem>>)
    %add3A_270 = arith.constant 4 : i32
    %add3A_271 = arith.addi %mul3A_4, %add3A_270 : i32
    %dma_start3A_272 = arith.constant 0 : i32
    %dma_start3A_273 = arith.constant 0 : i32
    %dma_start3A_274 = tpu.memref_slice %arg11[%dma_start3A_272, %dma_start3A_273] : memref<40x1000xf32, #tpu.memory_space<vmem>> -> memref<20x1000xf32, #tpu.memory_space<vmem>>
    %dma_start3A_275 = arith.constant 0 : i32
    %dma_start3A_276 = arith.constant 0 : i32
    %dma_start3A_277 = tpu.memref_slice %arg6[%add3A_271, %dma_start3A_275, %dma_start3A_276] : memref<1024x20x1000xf32, #tpu.memory_space<hbm>> -> memref<1x20x1000xf32, #tpu.memory_space<hbm>>
    %dma_start3A_278 = tpu.memref_squeeze %dma_start3A_277 : memref<1x20x1000xf32, #tpu.memory_space<hbm>> -> memref<20x1000xf32, #tpu.memory_space<hbm>>
    %dma_start3A_279 = arith.constant 0 : i32
    %dma_start3A_280 = arith.constant 0 : i32
    %dma_start3A_281 = tpu.memref_slice %arg6[%add3A_271, %dma_start3A_279, %dma_start3A_280] : memref<1024x20x1000xf32, #tpu.memory_space<hbm>> -> memref<1x20x1000xf32, #tpu.memory_space<hbm>>
    %dma_start3A_282 = tpu.memref_squeeze %dma_start3A_281 : memref<1x20x1000xf32, #tpu.memory_space<hbm>> -> memref<20x1000xf32, #tpu.memory_space<hbm>>
    %dma_start3A_283 = arith.constant 0 : i32
    %dma_start3A_284 = arith.constant 0 : i32
    %dma_start3A_285 = tpu.memref_slice %arg11[%dma_start3A_283, %dma_start3A_284] : memref<40x1000xf32, #tpu.memory_space<vmem>> -> memref<20x1000xf32, #tpu.memory_space<vmem>>
    tpu.enqueue_dma source(%dma_start3A_285 : memref<20x1000xf32, #tpu.memory_space<vmem>>) target(%dma_start3A_282 : memref<20x1000xf32, #tpu.memory_space<hbm>>) target_semaphore(%arg16 : memref<!tpu.dma_semaphore, #tpu.memory_space<semaphore_mem>>)
    %add3A_286 = arith.constant 4 : i32
    %add3A_287 = arith.addi %mul3A_4, %add3A_286 : i32
    %add3A_288 = arith.constant 1 : i32
    %add3A_289 = arith.addi %add3A_287, %add3A_288 : i32
    %dma_start3A_290 = arith.constant 20 : i32
    %dma_start3A_291 = arith.constant 0 : i32
    %dma_start3A_292 = tpu.memref_slice %arg11[%dma_start3A_290, %dma_start3A_291] : memref<40x1000xf32, #tpu.memory_space<vmem>> -> memref<20x1000xf32, #tpu.memory_space<vmem>>
    %dma_start3A_293 = arith.constant 0 : i32
    %dma_start3A_294 = arith.constant 0 : i32
    %dma_start3A_295 = tpu.memref_slice %arg6[%add3A_289, %dma_start3A_293, %dma_start3A_294] : memref<1024x20x1000xf32, #tpu.memory_space<hbm>> -> memref<1x20x1000xf32, #tpu.memory_space<hbm>>
    %dma_start3A_296 = tpu.memref_squeeze %dma_start3A_295 : memref<1x20x1000xf32, #tpu.memory_space<hbm>> -> memref<20x1000xf32, #tpu.memory_space<hbm>>
    %dma_start3A_297 = arith.constant 0 : i32
    %dma_start3A_298 = arith.constant 0 : i32
    %dma_start3A_299 = tpu.memref_slice %arg6[%add3A_289, %dma_start3A_297, %dma_start3A_298] : memref<1024x20x1000xf32, #tpu.memory_space<hbm>> -> memref<1x20x1000xf32, #tpu.memory_space<hbm>>
    %dma_start3A_300 = tpu.memref_squeeze %dma_start3A_299 : memref<1x20x1000xf32, #tpu.memory_space<hbm>> -> memref<20x1000xf32, #tpu.memory_space<hbm>>
    %dma_start3A_301 = arith.constant 20 : i32
    %dma_start3A_302 = arith.constant 0 : i32
    %dma_start3A_303 = tpu.memref_slice %arg11[%dma_start3A_301, %dma_start3A_302] : memref<40x1000xf32, #tpu.memory_space<vmem>> -> memref<20x1000xf32, #tpu.memory_space<vmem>>
    tpu.enqueue_dma source(%dma_start3A_303 : memref<20x1000xf32, #tpu.memory_space<vmem>>) target(%dma_start3A_300 : memref<20x1000xf32, #tpu.memory_space<hbm>>) target_semaphore(%arg16 : memref<!tpu.dma_semaphore, #tpu.memory_space<semaphore_mem>>)
    %get3A_304 = arith.constant 80 : index
    %get3A_305 = tpu.vector_load %arg8[%get3A_304] {strides = array<i32>} : memref<656xi32, #tpu.memory_space<vmem>>, vector<16xi32>,
    %get3A_306 = arith.constant 80 : index
    %get3A_307 = tpu.vector_load %arg9[%get3A_306] {strides = array<i32>} : memref<656xi32, #tpu.memory_space<vmem>>, vector<16xi32>,
    %add3A_308 = arith.constant 0 : i32
    %add3A_309 = vector.broadcast %add3A_308 : i32 to vector<16xi32>
    %add3A_310 = arith.addi %iota3A, %add3A_309 : vector<16xi32>
    %gather3A_311 = tpu.vector_load_idx %arg11[%add3A_310, %get3A_307] : memref<40x1000xf32, #tpu.memory_space<vmem>>[vector<16xi32>, vector<16xi32>], vector<16xf32>,
    %gather3A_312 = tpu.vector_load_idx %arg10[%get3A_305] : memref<1000xf32, #tpu.memory_space<vmem>>[vector<16xi32>], vector<16xf32>,
    %sub3A_313 = arith.subf %gather3A_312, %gather3A_311 : vector<16xf32>
    %add3A_314 = arith.addf %add3A_231, %sub3A_313 : vector<16xf32>
    %get3A_315 = arith.constant 96 : index
    %get3A_316 = tpu.vector_load %arg8[%get3A_315] {strides = array<i32>} : memref<656xi32, #tpu.memory_space<vmem>>, vector<16xi32>,
    %get3A_317 = arith.constant 96 : index
    %get3A_318 = tpu.vector_load %arg9[%get3A_317] {strides = array<i32>} : memref<656xi32, #tpu.memory_space<vmem>>, vector<16xi32>,
    %add3A_319 = arith.constant 16 : i32
    %add3A_320 = vector.broadcast %add3A_319 : i32 to vector<16xi32>
    %add3A_321 = arith.addi %iota3A, %add3A_320 : vector<16xi32>
    %gather3A_322 = tpu.vector_load_idx %arg11[%add3A_321, %get3A_318] : memref<40x1000xf32, #tpu.memory_space<vmem>>[vector<16xi32>, vector<16xi32>], vector<16xf32>,
    %gather3A_323 = tpu.vector_load_idx %arg10[%get3A_316] : memref<1000xf32, #tpu.memory_space<vmem>>[vector<16xi32>], vector<16xf32>,
    %sub3A_324 = arith.subf %gather3A_323, %gather3A_322 : vector<16xf32>
    %add3A_325 = arith.addf %add3A_314, %sub3A_324 : vector<16xf32>
    %get3A_326 = arith.constant 112 : index
    %get3A_327 = tpu.vector_load %arg8[%get3A_326] {strides = array<i32>} : memref<656xi32, #tpu.memory_space<vmem>>, vector<16xi32>,
    %get3A_328 = arith.constant 112 : index
    %get3A_329 = tpu.vector_load %arg9[%get3A_328] {strides = array<i32>} : memref<656xi32, #tpu.memory_space<vmem>>, vector<16xi32>,
    %add3A_330 = arith.constant 32 : i32
    %add3A_331 = vector.broadcast %add3A_330 : i32 to vector<16xi32>
    %add3A_332 = arith.addi %iota3A, %add3A_331 : vector<16xi32>
    %min3A_333 = arith.constant 39 : i32
    %min3A_334 = vector.broadcast %min3A_333 : i32 to vector<16xi32>
    %min3A_335 = arith.minsi %add3A_332, %min3A_334 : vector<16xi32>
    %jit3A_336 = arith.constant 0 : i32
    %jit3A_337 = arith.constant 999 : i32
    %max3A_338 = vector.broadcast %jit3A_336 : i32 to vector<16xi32>
    %max3A_339 = arith.maxsi %max3A_338, %get3A_327 : vector<16xi32>
    %min3A_340 = vector.broadcast %jit3A_337 : i32 to vector<16xi32>
    %min3A_341 = arith.minsi %min3A_340, %max3A_339 : vector<16xi32>
    %jit3A_342 = arith.constant 0 : i32
    %jit3A_343 = arith.constant 999 : i32
    %max3A_344 = vector.broadcast %jit3A_342 : i32 to vector<16xi32>
    %max3A_345 = arith.maxsi %max3A_344, %get3A_329 : vector<16xi32>
    %min3A_346 = vector.broadcast %jit3A_343 : i32 to vector<16xi32>
    %min3A_347 = arith.minsi %min3A_346, %max3A_345 : vector<16xi32>
    %gather3A_348 = tpu.vector_load_idx %arg11[%min3A_335, %min3A_347] : memref<40x1000xf32, #tpu.memory_space<vmem>>[vector<16xi32>, vector<16xi32>], vector<16xf32>,
    %gather3A_349 = tpu.vector_load_idx %arg10[%min3A_341] : memref<1000xf32, #tpu.memory_space<vmem>>[vector<16xi32>], vector<16xf32>,
    %sub3A_350 = arith.subf %gather3A_349, %gather3A_348 : vector<16xf32>
    %lt3A_351 = arith.constant 8 : i32
    %lt3A_352 = vector.broadcast %lt3A_351 : i32 to vector<16xi32>
    %lt3A_353 = arith.cmpi slt, %iota3A, %lt3A_352 : vector<16xi32>
    %jit3A_354 = arith.constant 0.000000e+00 : f32
    %broadcast_in_dim3A_355 = vector.broadcast %jit3A_354 : f32 to vector<16xf32>
    %select_n3A_356 = arith.select %lt3A_353, %sub3A_350, %broadcast_in_dim3A_355 : vector<16xi1>, vector<16xf32>
    %add3A_357 = arith.addf %add3A_325, %select_n3A_356 : vector<16xf32>
    %dma_wait3A_358 = arith.constant 0 : i32
    %dma_wait3A_359 = arith.constant 0 : i32
    %dma_wait3A_360 = tpu.memref_slice %arg11[%dma_wait3A_358, %dma_wait3A_359] : memref<40x1000xf32, #tpu.memory_space<vmem>> -> memref<20x1000xf32, #tpu.memory_space<vmem>>
    %dma_wait3A_361 = arith.constant 0 : i32
    %dma_wait3A_362 = arith.constant 0 : i32
    %dma_wait3A_363 = tpu.memref_slice %arg6[%add3A_271, %dma_wait3A_361, %dma_wait3A_362] : memref<1024x20x1000xf32, #tpu.memory_space<hbm>> -> memref<1x20x1000xf32, #tpu.memory_space<hbm>>
    %dma_wait3A_364 = tpu.memref_squeeze %dma_wait3A_363 : memref<1x20x1000xf32, #tpu.memory_space<hbm>> -> memref<20x1000xf32, #tpu.memory_space<hbm>>
    %dma_wait3A_365 = arith.constant 0 : i32
    %dma_wait3A_366 = arith.constant 0 : i32
    %dma_wait3A_367 = tpu.memref_slice %arg6[%add3A_271, %dma_wait3A_365, %dma_wait3A_366] : memref<1024x20x1000xf32, #tpu.memory_space<hbm>> -> memref<1x20x1000xf32, #tpu.memory_space<hbm>>
    %dma_wait3A_368 = tpu.memref_squeeze %dma_wait3A_367 : memref<1x20x1000xf32, #tpu.memory_space<hbm>> -> memref<20x1000xf32, #tpu.memory_space<hbm>>
    %dma_wait3A_369 = arith.constant 0 : i32
    %dma_wait3A_370 = arith.constant 0 : i32
    %dma_wait3A_371 = tpu.memref_slice %arg11[%dma_wait3A_369, %dma_wait3A_370] : memref<40x1000xf32, #tpu.memory_space<vmem>> -> memref<20x1000xf32, #tpu.memory_space<vmem>>
    tpu.wait_dma2 semaphore(%arg16 : memref<!tpu.dma_semaphore, #tpu.memory_space<semaphore_mem>>) src(%dma_wait3A_371 : memref<20x1000xf32, #tpu.memory_space<vmem>>) dst(%dma_wait3A_368 : memref<20x1000xf32, #tpu.memory_space<hbm>>)
    %dma_wait3A_372 = arith.constant 20 : i32
    %dma_wait3A_373 = arith.constant 0 : i32
    %dma_wait3A_374 = tpu.memref_slice %arg11[%dma_wait3A_372, %dma_wait3A_373] : memref<40x1000xf32, #tpu.memory_space<vmem>> -> memref<20x1000xf32, #tpu.memory_space<vmem>>
    %dma_wait3A_375 = arith.constant 0 : i32
    %dma_wait3A_376 = arith.constant 0 : i32
    %dma_wait3A_377 = tpu.memref_slice %arg6[%add3A_289, %dma_wait3A_375, %dma_wait3A_376] : memref<1024x20x1000xf32, #tpu.memory_space<hbm>> -> memref<1x20x1000xf32, #tpu.memory_space<hbm>>
    %dma_wait3A_378 = tpu.memref_squeeze %dma_wait3A_377 : memref<1x20x1000xf32, #tpu.memory_space<hbm>> -> memref<20x1000xf32, #tpu.memory_space<hbm>>
    %dma_wait3A_379 = arith.constant 0 : i32
    %dma_wait3A_380 = arith.constant 0 : i32
    %dma_wait3A_381 = tpu.memref_slice %arg6[%add3A_289, %dma_wait3A_379, %dma_wait3A_380] : memref<1024x20x1000xf32, #tpu.memory_space<hbm>> -> memref<1x20x1000xf32, #tpu.memory_space<hbm>>
    %dma_wait3A_382 = tpu.memref_squeeze %dma_wait3A_381 : memref<1x20x1000xf32, #tpu.memory_space<hbm>> -> memref<20x1000xf32, #tpu.memory_space<hbm>>
    %dma_wait3A_383 = arith.constant 20 : i32
    %dma_wait3A_384 = arith.constant 0 : i32
    %dma_wait3A_385 = tpu.memref_slice %arg11[%dma_wait3A_383, %dma_wait3A_384] : memref<40x1000xf32, #tpu.memory_space<vmem>> -> memref<20x1000xf32, #tpu.memory_space<vmem>>
    tpu.wait_dma2 semaphore(%arg16 : memref<!tpu.dma_semaphore, #tpu.memory_space<semaphore_mem>>) src(%dma_wait3A_385 : memref<20x1000xf32, #tpu.memory_space<vmem>>) dst(%dma_wait3A_382 : memref<20x1000xf32, #tpu.memory_space<hbm>>)
    %dma_start3A_386 = arith.constant 160 : i32
    %dma_start3A_387 = tpu.memref_slice %arg8[%dma_start3A_386] : memref<656xi32, #tpu.memory_space<vmem>> -> memref<40xi32, #tpu.memory_space<vmem>>
    %dma_start3A_388 = arith.constant 0 : i32
    %dma_start3A_389 = arith.constant 0 : i32
    %dma_start3A_390 = tpu.memref_slice %arg2[%dma_start3A_388, %dma_start3A_389] : memref<1000x1000xf32, #tpu.memory_space<hbm>> -> memref<1000x1000xf32, #tpu.memory_space<hbm>>
    tpu.enqueue_indirect_dma source(%dma_start3A_390 : memref<1000x1000xf32, #tpu.memory_space<hbm>>) target(%arg11 : memref<40x1000xf32, #tpu.memory_space<vmem>>) offsets(%dma_start3A_387 : memref<40xi32, #tpu.memory_space<vmem>>) semaphore(%arg14 : memref<!tpu.dma_semaphore, #tpu.memory_space<semaphore_mem>>)
    %dma_wait3A_391 = arith.constant 120 : i32
    %dma_wait3A_392 = tpu.memref_slice %arg8[%dma_wait3A_391] : memref<656xi32, #tpu.memory_space<vmem>> -> memref<40xi32, #tpu.memory_space<vmem>>
    %dma_wait3A_393 = arith.constant 0 : i32
    %dma_wait3A_394 = arith.constant 0 : i32
    %dma_wait3A_395 = tpu.memref_slice %arg2[%dma_wait3A_393, %dma_wait3A_394] : memref<1000x1000xf32, #tpu.memory_space<hbm>> -> memref<1000x1000xf32, #tpu.memory_space<hbm>>
    tpu.wait_indirect_dma semaphore(%arg15 : memref<!tpu.dma_semaphore, #tpu.memory_space<semaphore_mem>>) src(%dma_wait3A_395 : memref<1000x1000xf32, #tpu.memory_space<hbm>>) dst(%arg12 : memref<40x1000xf32, #tpu.memory_space<vmem>>)
    %add3A_396 = arith.constant 6 : i32
    %add3A_397 = arith.addi %mul3A_4, %add3A_396 : i32
    %dma_start3A_398 = arith.constant 0 : i32
    %dma_start3A_399 = arith.constant 0 : i32
    %dma_start3A_400 = tpu.memref_slice %arg12[%dma_start3A_398, %dma_start3A_399] : memref<40x1000xf32, #tpu.memory_space<vmem>> -> memref<20x1000xf32, #tpu.memory_space<vmem>>
    %dma_start3A_401 = arith.constant 0 : i32
    %dma_start3A_402 = arith.constant 0 : i32
    %dma_start3A_403 = tpu.memref_slice %arg6[%add3A_397, %dma_start3A_401, %dma_start3A_402] : memref<1024x20x1000xf32, #tpu.memory_space<hbm>> -> memref<1x20x1000xf32, #tpu.memory_space<hbm>>
    %dma_start3A_404 = tpu.memref_squeeze %dma_start3A_403 : memref<1x20x1000xf32, #tpu.memory_space<hbm>> -> memref<20x1000xf32, #tpu.memory_space<hbm>>
    %dma_start3A_405 = arith.constant 0 : i32
    %dma_start3A_406 = arith.constant 0 : i32
    %dma_start3A_407 = tpu.memref_slice %arg6[%add3A_397, %dma_start3A_405, %dma_start3A_406] : memref<1024x20x1000xf32, #tpu.memory_space<hbm>> -> memref<1x20x1000xf32, #tpu.memory_space<hbm>>
    %dma_start3A_408 = tpu.memref_squeeze %dma_start3A_407 : memref<1x20x1000xf32, #tpu.memory_space<hbm>> -> memref<20x1000xf32, #tpu.memory_space<hbm>>
    %dma_start3A_409 = arith.constant 0 : i32
    %dma_start3A_410 = arith.constant 0 : i32
    %dma_start3A_411 = tpu.memref_slice %arg12[%dma_start3A_409, %dma_start3A_410] : memref<40x1000xf32, #tpu.memory_space<vmem>> -> memref<20x1000xf32, #tpu.memory_space<vmem>>
    tpu.enqueue_dma source(%dma_start3A_411 : memref<20x1000xf32, #tpu.memory_space<vmem>>) target(%dma_start3A_408 : memref<20x1000xf32, #tpu.memory_space<hbm>>) target_semaphore(%arg17 : memref<!tpu.dma_semaphore, #tpu.memory_space<semaphore_mem>>)
    %add3A_412 = arith.constant 6 : i32
    %add3A_413 = arith.addi %mul3A_4, %add3A_412 : i32
    %add3A_414 = arith.constant 1 : i32
    %add3A_415 = arith.addi %add3A_413, %add3A_414 : i32
    %dma_start3A_416 = arith.constant 20 : i32
    %dma_start3A_417 = arith.constant 0 : i32
    %dma_start3A_418 = tpu.memref_slice %arg12[%dma_start3A_416, %dma_start3A_417] : memref<40x1000xf32, #tpu.memory_space<vmem>> -> memref<20x1000xf32, #tpu.memory_space<vmem>>
    %dma_start3A_419 = arith.constant 0 : i32
    %dma_start3A_420 = arith.constant 0 : i32
    %dma_start3A_421 = tpu.memref_slice %arg6[%add3A_415, %dma_start3A_419, %dma_start3A_420] : memref<1024x20x1000xf32, #tpu.memory_space<hbm>> -> memref<1x20x1000xf32, #tpu.memory_space<hbm>>
    %dma_start3A_422 = tpu.memref_squeeze %dma_start3A_421 : memref<1x20x1000xf32, #tpu.memory_space<hbm>> -> memref<20x1000xf32, #tpu.memory_space<hbm>>
    %dma_start3A_423 = arith.constant 0 : i32
    %dma_start3A_424 = arith.constant 0 : i32
    %dma_start3A_425 = tpu.memref_slice %arg6[%add3A_415, %dma_start3A_423, %dma_start3A_424] : memref<1024x20x1000xf32, #tpu.memory_space<hbm>> -> memref<1x20x1000xf32, #tpu.memory_space<hbm>>
    %dma_start3A_426 = tpu.memref_squeeze %dma_start3A_425 : memref<1x20x1000xf32, #tpu.memory_space<hbm>> -> memref<20x1000xf32, #tpu.memory_space<hbm>>
    %dma_start3A_427 = arith.constant 20 : i32
    %dma_start3A_428 = arith.constant 0 : i32
    %dma_start3A_429 = tpu.memref_slice %arg12[%dma_start3A_427, %dma_start3A_428] : memref<40x1000xf32, #tpu.memory_space<vmem>> -> memref<20x1000xf32, #tpu.memory_space<vmem>>
    tpu.enqueue_dma source(%dma_start3A_429 : memref<20x1000xf32, #tpu.memory_space<vmem>>) target(%dma_start3A_426 : memref<20x1000xf32, #tpu.memory_space<hbm>>) target_semaphore(%arg17 : memref<!tpu.dma_semaphore, #tpu.memory_space<semaphore_mem>>)
    %get3A_430 = arith.constant 120 : index
    %get3A_431 = tpu.vector_load %arg8[%get3A_430] {strides = array<i32>} : memref<656xi32, #tpu.memory_space<vmem>>, vector<16xi32>,
    %get3A_432 = arith.constant 120 : index
    %get3A_433 = tpu.vector_load %arg9[%get3A_432] {strides = array<i32>} : memref<656xi32, #tpu.memory_space<vmem>>, vector<16xi32>,
    %add3A_434 = arith.constant 0 : i32
    %add3A_435 = vector.broadcast %add3A_434 : i32 to vector<16xi32>
    %add3A_436 = arith.addi %iota3A, %add3A_435 : vector<16xi32>
    %gather3A_437 = tpu.vector_load_idx %arg12[%add3A_436, %get3A_433] : memref<40x1000xf32, #tpu.memory_space<vmem>>[vector<16xi32>, vector<16xi32>], vector<16xf32>,
    %gather3A_438 = tpu.vector_load_idx %arg10[%get3A_431] : memref<1000xf32, #tpu.memory_space<vmem>>[vector<16xi32>], vector<16xf32>,
    %sub3A_439 = arith.subf %gather3A_438, %gather3A_437 : vector<16xf32>
    %add3A_440 = arith.addf %add3A_357, %sub3A_439 : vector<16xf32>
    %get3A_441 = arith.constant 136 : index
    %get3A_442 = tpu.vector_load %arg8[%get3A_441] {strides = array<i32>} : memref<656xi32, #tpu.memory_space<vmem>>, vector<16xi32>,
    %get3A_443 = arith.constant 136 : index
    %get3A_444 = tpu.vector_load %arg9[%get3A_443] {strides = array<i32>} : memref<656xi32, #tpu.memory_space<vmem>>, vector<16xi32>,
    %add3A_445 = arith.constant 16 : i32
    %add3A_446 = vector.broadcast %add3A_445 : i32 to vector<16xi32>
    %add3A_447 = arith.addi %iota3A, %add3A_446 : vector<16xi32>
    %gather3A_448 = tpu.vector_load_idx %arg12[%add3A_447, %get3A_444] : memref<40x1000xf32, #tpu.memory_space<vmem>>[vector<16xi32>, vector<16xi32>], vector<16xf32>,
    %gather3A_449 = tpu.vector_load_idx %arg10[%get3A_442] : memref<1000xf32, #tpu.memory_space<vmem>>[vector<16xi32>], vector<16xf32>,
    %sub3A_450 = arith.subf %gather3A_449, %gather3A_448 : vector<16xf32>
    %add3A_451 = arith.addf %add3A_440, %sub3A_450 : vector<16xf32>
    %get3A_452 = arith.constant 152 : index
    %get3A_453 = tpu.vector_load %arg8[%get3A_452] {strides = array<i32>} : memref<656xi32, #tpu.memory_space<vmem>>, vector<16xi32>,
    %get3A_454 = arith.constant 152 : index
    %get3A_455 = tpu.vector_load %arg9[%get3A_454] {strides = array<i32>} : memref<656xi32, #tpu.memory_space<vmem>>, vector<16xi32>,
    %add3A_456 = arith.constant 32 : i32
    %add3A_457 = vector.broadcast %add3A_456 : i32 to vector<16xi32>
    %add3A_458 = arith.addi %iota3A, %add3A_457 : vector<16xi32>
    %min3A_459 = arith.constant 39 : i32
    %min3A_460 = vector.broadcast %min3A_459 : i32 to vector<16xi32>
    %min3A_461 = arith.minsi %add3A_458, %min3A_460 : vector<16xi32>
    %jit3A_462 = arith.constant 0 : i32
    %jit3A_463 = arith.constant 999 : i32
    %max3A_464 = vector.broadcast %jit3A_462 : i32 to vector<16xi32>
    %max3A_465 = arith.maxsi %max3A_464, %get3A_453 : vector<16xi32>
    %min3A_466 = vector.broadcast %jit3A_463 : i32 to vector<16xi32>
    %min3A_467 = arith.minsi %min3A_466, %max3A_465 : vector<16xi32>
    %jit3A_468 = arith.constant 0 : i32
    %jit3A_469 = arith.constant 999 : i32
    %max3A_470 = vector.broadcast %jit3A_468 : i32 to vector<16xi32>
    %max3A_471 = arith.maxsi %max3A_470, %get3A_455 : vector<16xi32>
    %min3A_472 = vector.broadcast %jit3A_469 : i32 to vector<16xi32>
    %min3A_473 = arith.minsi %min3A_472, %max3A_471 : vector<16xi32>
    %gather3A_474 = tpu.vector_load_idx %arg12[%min3A_461, %min3A_473] : memref<40x1000xf32, #tpu.memory_space<vmem>>[vector<16xi32>, vector<16xi32>], vector<16xf32>,
    %gather3A_475 = tpu.vector_load_idx %arg10[%min3A_467] : memref<1000xf32, #tpu.memory_space<vmem>>[vector<16xi32>], vector<16xf32>,
    %sub3A_476 = arith.subf %gather3A_475, %gather3A_474 : vector<16xf32>
    %lt3A_477 = arith.constant 8 : i32
    %lt3A_478 = vector.broadcast %lt3A_477 : i32 to vector<16xi32>
    %lt3A_479 = arith.cmpi slt, %iota3A, %lt3A_478 : vector<16xi32>
    %jit3A_480 = arith.constant 0.000000e+00 : f32
    %broadcast_in_dim3A_481 = vector.broadcast %jit3A_480 : f32 to vector<16xf32>
    %select_n3A_482 = arith.select %lt3A_479, %sub3A_476, %broadcast_in_dim3A_481 : vector<16xi1>, vector<16xf32>
    %add3A_483 = arith.addf %add3A_451, %select_n3A_482 : vector<16xf32>
    %dma_wait3A_484 = arith.constant 0 : i32
    %dma_wait3A_485 = arith.constant 0 : i32
    %dma_wait3A_486 = tpu.memref_slice %arg12[%dma_wait3A_484, %dma_wait3A_485] : memref<40x1000xf32, #tpu.memory_space<vmem>> -> memref<20x1000xf32, #tpu.memory_space<vmem>>
    %dma_wait3A_487 = arith.constant 0 : i32
    %dma_wait3A_488 = arith.constant 0 : i32
    %dma_wait3A_489 = tpu.memref_slice %arg6[%add3A_397, %dma_wait3A_487, %dma_wait3A_488] : memref<1024x20x1000xf32, #tpu.memory_space<hbm>> -> memref<1x20x1000xf32, #tpu.memory_space<hbm>>
    %dma_wait3A_490 = tpu.memref_squeeze %dma_wait3A_489 : memref<1x20x1000xf32, #tpu.memory_space<hbm>> -> memref<20x1000xf32, #tpu.memory_space<hbm>>
    %dma_wait3A_491 = arith.constant 0 : i32
    %dma_wait3A_492 = arith.constant 0 : i32
    %dma_wait3A_493 = tpu.memref_slice %arg6[%add3A_397, %dma_wait3A_491, %dma_wait3A_492] : memref<1024x20x1000xf32, #tpu.memory_space<hbm>> -> memref<1x20x1000xf32, #tpu.memory_space<hbm>>
    %dma_wait3A_494 = tpu.memref_squeeze %dma_wait3A_493 : memref<1x20x1000xf32, #tpu.memory_space<hbm>> -> memref<20x1000xf32, #tpu.memory_space<hbm>>
    %dma_wait3A_495 = arith.constant 0 : i32
    %dma_wait3A_496 = arith.constant 0 : i32
    %dma_wait3A_497 = tpu.memref_slice %arg12[%dma_wait3A_495, %dma_wait3A_496] : memref<40x1000xf32, #tpu.memory_space<vmem>> -> memref<20x1000xf32, #tpu.memory_space<vmem>>
    tpu.wait_dma2 semaphore(%arg17 : memref<!tpu.dma_semaphore, #tpu.memory_space<semaphore_mem>>) src(%dma_wait3A_497 : memref<20x1000xf32, #tpu.memory_space<vmem>>) dst(%dma_wait3A_494 : memref<20x1000xf32, #tpu.memory_space<hbm>>)
    %dma_wait3A_498 = arith.constant 20 : i32
    %dma_wait3A_499 = arith.constant 0 : i32
    %dma_wait3A_500 = tpu.memref_slice %arg12[%dma_wait3A_498, %dma_wait3A_499] : memref<40x1000xf32, #tpu.memory_space<vmem>> -> memref<20x1000xf32, #tpu.memory_space<vmem>>
    %dma_wait3A_501 = arith.constant 0 : i32
    %dma_wait3A_502 = arith.constant 0 : i32
    %dma_wait3A_503 = tpu.memref_slice %arg6[%add3A_415, %dma_wait3A_501, %dma_wait3A_502] : memref<1024x20x1000xf32, #tpu.memory_space<hbm>> -> memref<1x20x1000xf32, #tpu.memory_space<hbm>>
    %dma_wait3A_504 = tpu.memref_squeeze %dma_wait3A_503 : memref<1x20x1000xf32, #tpu.memory_space<hbm>> -> memref<20x1000xf32, #tpu.memory_space<hbm>>
    %dma_wait3A_505 = arith.constant 0 : i32
    %dma_wait3A_506 = arith.constant 0 : i32
    %dma_wait3A_507 = tpu.memref_slice %arg6[%add3A_415, %dma_wait3A_505, %dma_wait3A_506] : memref<1024x20x1000xf32, #tpu.memory_space<hbm>> -> memref<1x20x1000xf32, #tpu.memory_space<hbm>>
    %dma_wait3A_508 = tpu.memref_squeeze %dma_wait3A_507 : memref<1x20x1000xf32, #tpu.memory_space<hbm>> -> memref<20x1000xf32, #tpu.memory_space<hbm>>
    %dma_wait3A_509 = arith.constant 20 : i32
    %dma_wait3A_510 = arith.constant 0 : i32
    %dma_wait3A_511 = tpu.memref_slice %arg12[%dma_wait3A_509, %dma_wait3A_510] : memref<40x1000xf32, #tpu.memory_space<vmem>> -> memref<20x1000xf32, #tpu.memory_space<vmem>>
    tpu.wait_dma2 semaphore(%arg17 : memref<!tpu.dma_semaphore, #tpu.memory_space<semaphore_mem>>) src(%dma_wait3A_511 : memref<20x1000xf32, #tpu.memory_space<vmem>>) dst(%dma_wait3A_508 : memref<20x1000xf32, #tpu.memory_space<hbm>>)
    %dma_start3A_512 = arith.constant 200 : i32
    %dma_start3A_513 = tpu.memref_slice %arg8[%dma_start3A_512] : memref<656xi32, #tpu.memory_space<vmem>> -> memref<40xi32, #tpu.memory_space<vmem>>
    %dma_start3A_514 = arith.constant 0 : i32
    %dma_start3A_515 = arith.constant 0 : i32
    %dma_start3A_516 = tpu.memref_slice %arg2[%dma_start3A_514, %dma_start3A_515] : memref<1000x1000xf32, #tpu.memory_space<hbm>> -> memref<1000x1000xf32, #tpu.memory_space<hbm>>
    tpu.enqueue_indirect_dma source(%dma_start3A_516 : memref<1000x1000xf32, #tpu.memory_space<hbm>>) target(%arg12 : memref<40x1000xf32, #tpu.memory_space<vmem>>) offsets(%dma_start3A_513 : memref<40xi32, #tpu.memory_space<vmem>>) semaphore(%arg15 : memref<!tpu.dma_semaphore, #tpu.memory_space<semaphore_mem>>)
    %dma_wait3A_517 = arith.constant 160 : i32
    %dma_wait3A_518 = tpu.memref_slice %arg8[%dma_wait3A_517] : memref<656xi32, #tpu.memory_space<vmem>> -> memref<40xi32, #tpu.memory_space<vmem>>
    %dma_wait3A_519 = arith.constant 0 : i32
    %dma_wait3A_520 = arith.constant 0 : i32
    %dma_wait3A_521 = tpu.memref_slice %arg2[%dma_wait3A_519, %dma_wait3A_520] : memref<1000x1000xf32, #tpu.memory_space<hbm>> -> memref<1000x1000xf32, #tpu.memory_space<hbm>>
    tpu.wait_indirect_dma semaphore(%arg14 : memref<!tpu.dma_semaphore, #tpu.memory_space<semaphore_mem>>) src(%dma_wait3A_521 : memref<1000x1000xf32, #tpu.memory_space<hbm>>) dst(%arg11 : memref<40x1000xf32, #tpu.memory_space<vmem>>)
    %add3A_522 = arith.constant 8 : i32
    %add3A_523 = arith.addi %mul3A_4, %add3A_522 : i32
    %dma_start3A_524 = arith.constant 0 : i32
    %dma_start3A_525 = arith.constant 0 : i32
    %dma_start3A_526 = tpu.memref_slice %arg11[%dma_start3A_524, %dma_start3A_525] : memref<40x1000xf32, #tpu.memory_space<vmem>> -> memref<20x1000xf32, #tpu.memory_space<vmem>>
    %dma_start3A_527 = arith.constant 0 : i32
    %dma_start3A_528 = arith.constant 0 : i32
    %dma_start3A_529 = tpu.memref_slice %arg6[%add3A_523, %dma_start3A_527, %dma_start3A_528] : memref<1024x20x1000xf32, #tpu.memory_space<hbm>> -> memref<1x20x1000xf32, #tpu.memory_space<hbm>>
    %dma_start3A_530 = tpu.memref_squeeze %dma_start3A_529 : memref<1x20x1000xf32, #tpu.memory_space<hbm>> -> memref<20x1000xf32, #tpu.memory_space<hbm>>
    %dma_start3A_531 = arith.constant 0 : i32
    %dma_start3A_532 = arith.constant 0 : i32
    %dma_start3A_533 = tpu.memref_slice %arg6[%add3A_523, %dma_start3A_531, %dma_start3A_532] : memref<1024x20x1000xf32, #tpu.memory_space<hbm>> -> memref<1x20x1000xf32, #tpu.memory_space<hbm>>
    %dma_start3A_534 = tpu.memref_squeeze %dma_start3A_533 : memref<1x20x1000xf32, #tpu.memory_space<hbm>> -> memref<20x1000xf32, #tpu.memory_space<hbm>>
    %dma_start3A_535 = arith.constant 0 : i32
    %dma_start3A_536 = arith.constant 0 : i32
    %dma_start3A_537 = tpu.memref_slice %arg11[%dma_start3A_535, %dma_start3A_536] : memref<40x1000xf32, #tpu.memory_space<vmem>> -> memref<20x1000xf32, #tpu.memory_space<vmem>>
    tpu.enqueue_dma source(%dma_start3A_537 : memref<20x1000xf32, #tpu.memory_space<vmem>>) target(%dma_start3A_534 : memref<20x1000xf32, #tpu.memory_space<hbm>>) target_semaphore(%arg16 : memref<!tpu.dma_semaphore, #tpu.memory_space<semaphore_mem>>)
    %add3A_538 = arith.constant 8 : i32
    %add3A_539 = arith.addi %mul3A_4, %add3A_538 : i32
    %add3A_540 = arith.constant 1 : i32
    %add3A_541 = arith.addi %add3A_539, %add3A_540 : i32
    %dma_start3A_542 = arith.constant 20 : i32
    %dma_start3A_543 = arith.constant 0 : i32
    %dma_start3A_544 = tpu.memref_slice %arg11[%dma_start3A_542, %dma_start3A_543] : memref<40x1000xf32, #tpu.memory_space<vmem>> -> memref<20x1000xf32, #tpu.memory_space<vmem>>
    %dma_start3A_545 = arith.constant 0 : i32
    %dma_start3A_546 = arith.constant 0 : i32
    %dma_start3A_547 = tpu.memref_slice %arg6[%add3A_541, %dma_start3A_545, %dma_start3A_546] : memref<1024x20x1000xf32, #tpu.memory_space<hbm>> -> memref<1x20x1000xf32, #tpu.memory_space<hbm>>
    %dma_start3A_548 = tpu.memref_squeeze %dma_start3A_547 : memref<1x20x1000xf32, #tpu.memory_space<hbm>> -> memref<20x1000xf32, #tpu.memory_space<hbm>>
    %dma_start3A_549 = arith.constant 0 : i32
    %dma_start3A_550 = arith.constant 0 : i32
    %dma_start3A_551 = tpu.memref_slice %arg6[%add3A_541, %dma_start3A_549, %dma_start3A_550] : memref<1024x20x1000xf32, #tpu.memory_space<hbm>> -> memref<1x20x1000xf32, #tpu.memory_space<hbm>>
    %dma_start3A_552 = tpu.memref_squeeze %dma_start3A_551 : memref<1x20x1000xf32, #tpu.memory_space<hbm>> -> memref<20x1000xf32, #tpu.memory_space<hbm>>
    %dma_start3A_553 = arith.constant 20 : i32
    %dma_start3A_554 = arith.constant 0 : i32
    %dma_start3A_555 = tpu.memref_slice %arg11[%dma_start3A_553, %dma_start3A_554] : memref<40x1000xf32, #tpu.memory_space<vmem>> -> memref<20x1000xf32, #tpu.memory_space<vmem>>
    tpu.enqueue_dma source(%dma_start3A_555 : memref<20x1000xf32, #tpu.memory_space<vmem>>) target(%dma_start3A_552 : memref<20x1000xf32, #tpu.memory_space<hbm>>) target_semaphore(%arg16 : memref<!tpu.dma_semaphore, #tpu.memory_space<semaphore_mem>>)
    %get3A_556 = arith.constant 160 : index
    %get3A_557 = tpu.vector_load %arg8[%get3A_556] {strides = array<i32>} : memref<656xi32, #tpu.memory_space<vmem>>, vector<16xi32>,
    %get3A_558 = arith.constant 160 : index
    %get3A_559 = tpu.vector_load %arg9[%get3A_558] {strides = array<i32>} : memref<656xi32, #tpu.memory_space<vmem>>, vector<16xi32>,
    %add3A_560 = arith.constant 0 : i32
    %add3A_561 = vector.broadcast %add3A_560 : i32 to vector<16xi32>
    %add3A_562 = arith.addi %iota3A, %add3A_561 : vector<16xi32>
    %gather3A_563 = tpu.vector_load_idx %arg11[%add3A_562, %get3A_559] : memref<40x1000xf32, #tpu.memory_space<vmem>>[vector<16xi32>, vector<16xi32>], vector<16xf32>,
    %gather3A_564 = tpu.vector_load_idx %arg10[%get3A_557] : memref<1000xf32, #tpu.memory_space<vmem>>[vector<16xi32>], vector<16xf32>,
    %sub3A_565 = arith.subf %gather3A_564, %gather3A_563 : vector<16xf32>
    %add3A_566 = arith.addf %add3A_483, %sub3A_565 : vector<16xf32>
    %get3A_567 = arith.constant 176 : index
    %get3A_568 = tpu.vector_load %arg8[%get3A_567] {strides = array<i32>} : memref<656xi32, #tpu.memory_space<vmem>>, vector<16xi32>,
    %get3A_569 = arith.constant 176 : index
    %get3A_570 = tpu.vector_load %arg9[%get3A_569] {strides = array<i32>} : memref<656xi32, #tpu.memory_space<vmem>>, vector<16xi32>,
    %add3A_571 = arith.constant 16 : i32
    %add3A_572 = vector.broadcast %add3A_571 : i32 to vector<16xi32>
    %add3A_573 = arith.addi %iota3A, %add3A_572 : vector<16xi32>
    %gather3A_574 = tpu.vector_load_idx %arg11[%add3A_573, %get3A_570] : memref<40x1000xf32, #tpu.memory_space<vmem>>[vector<16xi32>, vector<16xi32>], vector<16xf32>,
    %gather3A_575 = tpu.vector_load_idx %arg10[%get3A_568] : memref<1000xf32, #tpu.memory_space<vmem>>[vector<16xi32>], vector<16xf32>,
    %sub3A_576 = arith.subf %gather3A_575, %gather3A_574 : vector<16xf32>
    %add3A_577 = arith.addf %add3A_566, %sub3A_576 : vector<16xf32>
    %get3A_578 = arith.constant 192 : index
    %get3A_579 = tpu.vector_load %arg8[%get3A_578] {strides = array<i32>} : memref<656xi32, #tpu.memory_space<vmem>>, vector<16xi32>,
    %get3A_580 = arith.constant 192 : index
    %get3A_581 = tpu.vector_load %arg9[%get3A_580] {strides = array<i32>} : memref<656xi32, #tpu.memory_space<vmem>>, vector<16xi32>,
    %add3A_582 = arith.constant 32 : i32
    %add3A_583 = vector.broadcast %add3A_582 : i32 to vector<16xi32>
    %add3A_584 = arith.addi %iota3A, %add3A_583 : vector<16xi32>
    %min3A_585 = arith.constant 39 : i32
    %min3A_586 = vector.broadcast %min3A_585 : i32 to vector<16xi32>
    %min3A_587 = arith.minsi %add3A_584, %min3A_586 : vector<16xi32>
    %jit3A_588 = arith.constant 0 : i32
    %jit3A_589 = arith.constant 999 : i32
    %max3A_590 = vector.broadcast %jit3A_588 : i32 to vector<16xi32>
    %max3A_591 = arith.maxsi %max3A_590, %get3A_579 : vector<16xi32>
    %min3A_592 = vector.broadcast %jit3A_589 : i32 to vector<16xi32>
    %min3A_593 = arith.minsi %min3A_592, %max3A_591 : vector<16xi32>
    %jit3A_594 = arith.constant 0 : i32
    %jit3A_595 = arith.constant 999 : i32
    %max3A_596 = vector.broadcast %jit3A_594 : i32 to vector<16xi32>
    %max3A_597 = arith.maxsi %max3A_596, %get3A_581 : vector<16xi32>
    %min3A_598 = vector.broadcast %jit3A_595 : i32 to vector<16xi32>
    %min3A_599 = arith.minsi %min3A_598, %max3A_597 : vector<16xi32>
    %gather3A_600 = tpu.vector_load_idx %arg11[%min3A_587, %min3A_599] : memref<40x1000xf32, #tpu.memory_space<vmem>>[vector<16xi32>, vector<16xi32>], vector<16xf32>,
    %gather3A_601 = tpu.vector_load_idx %arg10[%min3A_593] : memref<1000xf32, #tpu.memory_space<vmem>>[vector<16xi32>], vector<16xf32>,
    %sub3A_602 = arith.subf %gather3A_601, %gather3A_600 : vector<16xf32>
    %lt3A_603 = arith.constant 8 : i32
    %lt3A_604 = vector.broadcast %lt3A_603 : i32 to vector<16xi32>
    %lt3A_605 = arith.cmpi slt, %iota3A, %lt3A_604 : vector<16xi32>
    %jit3A_606 = arith.constant 0.000000e+00 : f32
    %broadcast_in_dim3A_607 = vector.broadcast %jit3A_606 : f32 to vector<16xf32>
    %select_n3A_608 = arith.select %lt3A_605, %sub3A_602, %broadcast_in_dim3A_607 : vector<16xi1>, vector<16xf32>
    %add3A_609 = arith.addf %add3A_577, %select_n3A_608 : vector<16xf32>
    %dma_wait3A_610 = arith.constant 0 : i32
    %dma_wait3A_611 = arith.constant 0 : i32
    %dma_wait3A_612 = tpu.memref_slice %arg11[%dma_wait3A_610, %dma_wait3A_611] : memref<40x1000xf32, #tpu.memory_space<vmem>> -> memref<20x1000xf32, #tpu.memory_space<vmem>>
    %dma_wait3A_613 = arith.constant 0 : i32
    %dma_wait3A_614 = arith.constant 0 : i32
    %dma_wait3A_615 = tpu.memref_slice %arg6[%add3A_523, %dma_wait3A_613, %dma_wait3A_614] : memref<1024x20x1000xf32, #tpu.memory_space<hbm>> -> memref<1x20x1000xf32, #tpu.memory_space<hbm>>
    %dma_wait3A_616 = tpu.memref_squeeze %dma_wait3A_615 : memref<1x20x1000xf32, #tpu.memory_space<hbm>> -> memref<20x1000xf32, #tpu.memory_space<hbm>>
    %dma_wait3A_617 = arith.constant 0 : i32
    %dma_wait3A_618 = arith.constant 0 : i32
    %dma_wait3A_619 = tpu.memref_slice %arg6[%add3A_523, %dma_wait3A_617, %dma_wait3A_618] : memref<1024x20x1000xf32, #tpu.memory_space<hbm>> -> memref<1x20x1000xf32, #tpu.memory_space<hbm>>
    %dma_wait3A_620 = tpu.memref_squeeze %dma_wait3A_619 : memref<1x20x1000xf32, #tpu.memory_space<hbm>> -> memref<20x1000xf32, #tpu.memory_space<hbm>>
    %dma_wait3A_621 = arith.constant 0 : i32
    %dma_wait3A_622 = arith.constant 0 : i32
    %dma_wait3A_623 = tpu.memref_slice %arg11[%dma_wait3A_621, %dma_wait3A_622] : memref<40x1000xf32, #tpu.memory_space<vmem>> -> memref<20x1000xf32, #tpu.memory_space<vmem>>
    tpu.wait_dma2 semaphore(%arg16 : memref<!tpu.dma_semaphore, #tpu.memory_space<semaphore_mem>>) src(%dma_wait3A_623 : memref<20x1000xf32, #tpu.memory_space<vmem>>) dst(%dma_wait3A_620 : memref<20x1000xf32, #tpu.memory_space<hbm>>)
    %dma_wait3A_624 = arith.constant 20 : i32
    %dma_wait3A_625 = arith.constant 0 : i32
    %dma_wait3A_626 = tpu.memref_slice %arg11[%dma_wait3A_624, %dma_wait3A_625] : memref<40x1000xf32, #tpu.memory_space<vmem>> -> memref<20x1000xf32, #tpu.memory_space<vmem>>
    %dma_wait3A_627 = arith.constant 0 : i32
    %dma_wait3A_628 = arith.constant 0 : i32
    %dma_wait3A_629 = tpu.memref_slice %arg6[%add3A_541, %dma_wait3A_627, %dma_wait3A_628] : memref<1024x20x1000xf32, #tpu.memory_space<hbm>> -> memref<1x20x1000xf32, #tpu.memory_space<hbm>>
    %dma_wait3A_630 = tpu.memref_squeeze %dma_wait3A_629 : memref<1x20x1000xf32, #tpu.memory_space<hbm>> -> memref<20x1000xf32, #tpu.memory_space<hbm>>
    %dma_wait3A_631 = arith.constant 0 : i32
    %dma_wait3A_632 = arith.constant 0 : i32
    %dma_wait3A_633 = tpu.memref_slice %arg6[%add3A_541, %dma_wait3A_631, %dma_wait3A_632] : memref<1024x20x1000xf32, #tpu.memory_space<hbm>> -> memref<1x20x1000xf32, #tpu.memory_space<hbm>>
    %dma_wait3A_634 = tpu.memref_squeeze %dma_wait3A_633 : memref<1x20x1000xf32, #tpu.memory_space<hbm>> -> memref<20x1000xf32, #tpu.memory_space<hbm>>
    %dma_wait3A_635 = arith.constant 20 : i32
    %dma_wait3A_636 = arith.constant 0 : i32
    %dma_wait3A_637 = tpu.memref_slice %arg11[%dma_wait3A_635, %dma_wait3A_636] : memref<40x1000xf32, #tpu.memory_space<vmem>> -> memref<20x1000xf32, #tpu.memory_space<vmem>>
    tpu.wait_dma2 semaphore(%arg16 : memref<!tpu.dma_semaphore, #tpu.memory_space<semaphore_mem>>) src(%dma_wait3A_637 : memref<20x1000xf32, #tpu.memory_space<vmem>>) dst(%dma_wait3A_634 : memref<20x1000xf32, #tpu.memory_space<hbm>>)
    %dma_start3A_638 = arith.constant 240 : i32
    %dma_start3A_639 = tpu.memref_slice %arg8[%dma_start3A_638] : memref<656xi32, #tpu.memory_space<vmem>> -> memref<40xi32, #tpu.memory_space<vmem>>
    %dma_start3A_640 = arith.constant 0 : i32
    %dma_start3A_641 = arith.constant 0 : i32
    %dma_start3A_642 = tpu.memref_slice %arg2[%dma_start3A_640, %dma_start3A_641] : memref<1000x1000xf32, #tpu.memory_space<hbm>> -> memref<1000x1000xf32, #tpu.memory_space<hbm>>
    tpu.enqueue_indirect_dma source(%dma_start3A_642 : memref<1000x1000xf32, #tpu.memory_space<hbm>>) target(%arg11 : memref<40x1000xf32, #tpu.memory_space<vmem>>) offsets(%dma_start3A_639 : memref<40xi32, #tpu.memory_space<vmem>>) semaphore(%arg14 : memref<!tpu.dma_semaphore, #tpu.memory_space<semaphore_mem>>)
    %dma_wait3A_643 = arith.constant 200 : i32
    %dma_wait3A_644 = tpu.memref_slice %arg8[%dma_wait3A_643] : memref<656xi32, #tpu.memory_space<vmem>> -> memref<40xi32, #tpu.memory_space<vmem>>
    %dma_wait3A_645 = arith.constant 0 : i32
    %dma_wait3A_646 = arith.constant 0 : i32
    %dma_wait3A_647 = tpu.memref_slice %arg2[%dma_wait3A_645, %dma_wait3A_646] : memref<1000x1000xf32, #tpu.memory_space<hbm>> -> memref<1000x1000xf32, #tpu.memory_space<hbm>>
    tpu.wait_indirect_dma semaphore(%arg15 : memref<!tpu.dma_semaphore, #tpu.memory_space<semaphore_mem>>) src(%dma_wait3A_647 : memref<1000x1000xf32, #tpu.memory_space<hbm>>) dst(%arg12 : memref<40x1000xf32, #tpu.memory_space<vmem>>)
    %add3A_648 = arith.constant 10 : i32
    %add3A_649 = arith.addi %mul3A_4, %add3A_648 : i32
    %dma_start3A_650 = arith.constant 0 : i32
    %dma_start3A_651 = arith.constant 0 : i32
    %dma_start3A_652 = tpu.memref_slice %arg12[%dma_start3A_650, %dma_start3A_651] : memref<40x1000xf32, #tpu.memory_space<vmem>> -> memref<20x1000xf32, #tpu.memory_space<vmem>>
    %dma_start3A_653 = arith.constant 0 : i32
    %dma_start3A_654 = arith.constant 0 : i32
    %dma_start3A_655 = tpu.memref_slice %arg6[%add3A_649, %dma_start3A_653, %dma_start3A_654] : memref<1024x20x1000xf32, #tpu.memory_space<hbm>> -> memref<1x20x1000xf32, #tpu.memory_space<hbm>>
    %dma_start3A_656 = tpu.memref_squeeze %dma_start3A_655 : memref<1x20x1000xf32, #tpu.memory_space<hbm>> -> memref<20x1000xf32, #tpu.memory_space<hbm>>
    %dma_start3A_657 = arith.constant 0 : i32
    %dma_start3A_658 = arith.constant 0 : i32
    %dma_start3A_659 = tpu.memref_slice %arg6[%add3A_649, %dma_start3A_657, %dma_start3A_658] : memref<1024x20x1000xf32, #tpu.memory_space<hbm>> -> memref<1x20x1000xf32, #tpu.memory_space<hbm>>
    %dma_start3A_660 = tpu.memref_squeeze %dma_start3A_659 : memref<1x20x1000xf32, #tpu.memory_space<hbm>> -> memref<20x1000xf32, #tpu.memory_space<hbm>>
    %dma_start3A_661 = arith.constant 0 : i32
    %dma_start3A_662 = arith.constant 0 : i32
    %dma_start3A_663 = tpu.memref_slice %arg12[%dma_start3A_661, %dma_start3A_662] : memref<40x1000xf32, #tpu.memory_space<vmem>> -> memref<20x1000xf32, #tpu.memory_space<vmem>>
    tpu.enqueue_dma source(%dma_start3A_663 : memref<20x1000xf32, #tpu.memory_space<vmem>>) target(%dma_start3A_660 : memref<20x1000xf32, #tpu.memory_space<hbm>>) target_semaphore(%arg17 : memref<!tpu.dma_semaphore, #tpu.memory_space<semaphore_mem>>)
    %add3A_664 = arith.constant 10 : i32
    %add3A_665 = arith.addi %mul3A_4, %add3A_664 : i32
    %add3A_666 = arith.constant 1 : i32
    %add3A_667 = arith.addi %add3A_665, %add3A_666 : i32
    %dma_start3A_668 = arith.constant 20 : i32
    %dma_start3A_669 = arith.constant 0 : i32
    %dma_start3A_670 = tpu.memref_slice %arg12[%dma_start3A_668, %dma_start3A_669] : memref<40x1000xf32, #tpu.memory_space<vmem>> -> memref<20x1000xf32, #tpu.memory_space<vmem>>
    %dma_start3A_671 = arith.constant 0 : i32
    %dma_start3A_672 = arith.constant 0 : i32
    %dma_start3A_673 = tpu.memref_slice %arg6[%add3A_667, %dma_start3A_671, %dma_start3A_672] : memref<1024x20x1000xf32, #tpu.memory_space<hbm>> -> memref<1x20x1000xf32, #tpu.memory_space<hbm>>
    %dma_start3A_674 = tpu.memref_squeeze %dma_start3A_673 : memref<1x20x1000xf32, #tpu.memory_space<hbm>> -> memref<20x1000xf32, #tpu.memory_space<hbm>>
    %dma_start3A_675 = arith.constant 0 : i32
    %dma_start3A_676 = arith.constant 0 : i32
    %dma_start3A_677 = tpu.memref_slice %arg6[%add3A_667, %dma_start3A_675, %dma_start3A_676] : memref<1024x20x1000xf32, #tpu.memory_space<hbm>> -> memref<1x20x1000xf32, #tpu.memory_space<hbm>>
    %dma_start3A_678 = tpu.memref_squeeze %dma_start3A_677 : memref<1x20x1000xf32, #tpu.memory_space<hbm>> -> memref<20x1000xf32, #tpu.memory_space<hbm>>
    %dma_start3A_679 = arith.constant 20 : i32
    %dma_start3A_680 = arith.constant 0 : i32
    %dma_start3A_681 = tpu.memref_slice %arg12[%dma_start3A_679, %dma_start3A_680] : memref<40x1000xf32, #tpu.memory_space<vmem>> -> memref<20x1000xf32, #tpu.memory_space<vmem>>
    tpu.enqueue_dma source(%dma_start3A_681 : memref<20x1000xf32, #tpu.memory_space<vmem>>) target(%dma_start3A_678 : memref<20x1000xf32, #tpu.memory_space<hbm>>) target_semaphore(%arg17 : memref<!tpu.dma_semaphore, #tpu.memory_space<semaphore_mem>>)
    %get3A_682 = arith.constant 200 : index
    %get3A_683 = tpu.vector_load %arg8[%get3A_682] {strides = array<i32>} : memref<656xi32, #tpu.memory_space<vmem>>, vector<16xi32>,
    %get3A_684 = arith.constant 200 : index
    %get3A_685 = tpu.vector_load %arg9[%get3A_684] {strides = array<i32>} : memref<656xi32, #tpu.memory_space<vmem>>, vector<16xi32>,
    %add3A_686 = arith.constant 0 : i32
    %add3A_687 = vector.broadcast %add3A_686 : i32 to vector<16xi32>
    %add3A_688 = arith.addi %iota3A, %add3A_687 : vector<16xi32>
    %gather3A_689 = tpu.vector_load_idx %arg12[%add3A_688, %get3A_685] : memref<40x1000xf32, #tpu.memory_space<vmem>>[vector<16xi32>, vector<16xi32>], vector<16xf32>,
    %gather3A_690 = tpu.vector_load_idx %arg10[%get3A_683] : memref<1000xf32, #tpu.memory_space<vmem>>[vector<16xi32>], vector<16xf32>,
    %sub3A_691 = arith.subf %gather3A_690, %gather3A_689 : vector<16xf32>
    %add3A_692 = arith.addf %add3A_609, %sub3A_691 : vector<16xf32>
    %get3A_693 = arith.constant 216 : index
    %get3A_694 = tpu.vector_load %arg8[%get3A_693] {strides = array<i32>} : memref<656xi32, #tpu.memory_space<vmem>>, vector<16xi32>,
    %get3A_695 = arith.constant 216 : index
    %get3A_696 = tpu.vector_load %arg9[%get3A_695] {strides = array<i32>} : memref<656xi32, #tpu.memory_space<vmem>>, vector<16xi32>,
    %add3A_697 = arith.constant 16 : i32
    %add3A_698 = vector.broadcast %add3A_697 : i32 to vector<16xi32>
    %add3A_699 = arith.addi %iota3A, %add3A_698 : vector<16xi32>
    %gather3A_700 = tpu.vector_load_idx %arg12[%add3A_699, %get3A_696] : memref<40x1000xf32, #tpu.memory_space<vmem>>[vector<16xi32>, vector<16xi32>], vector<16xf32>,
    %gather3A_701 = tpu.vector_load_idx %arg10[%get3A_694] : memref<1000xf32, #tpu.memory_space<vmem>>[vector<16xi32>], vector<16xf32>,
    %sub3A_702 = arith.subf %gather3A_701, %gather3A_700 : vector<16xf32>
    %add3A_703 = arith.addf %add3A_692, %sub3A_702 : vector<16xf32>
    %get3A_704 = arith.constant 232 : index
    %get3A_705 = tpu.vector_load %arg8[%get3A_704] {strides = array<i32>} : memref<656xi32, #tpu.memory_space<vmem>>, vector<16xi32>,
    %get3A_706 = arith.constant 232 : index
    %get3A_707 = tpu.vector_load %arg9[%get3A_706] {strides = array<i32>} : memref<656xi32, #tpu.memory_space<vmem>>, vector<16xi32>,
    %add3A_708 = arith.constant 32 : i32
    %add3A_709 = vector.broadcast %add3A_708 : i32 to vector<16xi32>
    %add3A_710 = arith.addi %iota3A, %add3A_709 : vector<16xi32>
    %min3A_711 = arith.constant 39 : i32
    %min3A_712 = vector.broadcast %min3A_711 : i32 to vector<16xi32>
    %min3A_713 = arith.minsi %add3A_710, %min3A_712 : vector<16xi32>
    %jit3A_714 = arith.constant 0 : i32
    %jit3A_715 = arith.constant 999 : i32
    %max3A_716 = vector.broadcast %jit3A_714 : i32 to vector<16xi32>
    %max3A_717 = arith.maxsi %max3A_716, %get3A_705 : vector<16xi32>
    %min3A_718 = vector.broadcast %jit3A_715 : i32 to vector<16xi32>
    %min3A_719 = arith.minsi %min3A_718, %max3A_717 : vector<16xi32>
    %jit3A_720 = arith.constant 0 : i32
    %jit3A_721 = arith.constant 999 : i32
    %max3A_722 = vector.broadcast %jit3A_720 : i32 to vector<16xi32>
    %max3A_723 = arith.maxsi %max3A_722, %get3A_707 : vector<16xi32>
    %min3A_724 = vector.broadcast %jit3A_721 : i32 to vector<16xi32>
    %min3A_725 = arith.minsi %min3A_724, %max3A_723 : vector<16xi32>
    %gather3A_726 = tpu.vector_load_idx %arg12[%min3A_713, %min3A_725] : memref<40x1000xf32, #tpu.memory_space<vmem>>[vector<16xi32>, vector<16xi32>], vector<16xf32>,
    %gather3A_727 = tpu.vector_load_idx %arg10[%min3A_719] : memref<1000xf32, #tpu.memory_space<vmem>>[vector<16xi32>], vector<16xf32>,
    %sub3A_728 = arith.subf %gather3A_727, %gather3A_726 : vector<16xf32>
    %lt3A_729 = arith.constant 8 : i32
    %lt3A_730 = vector.broadcast %lt3A_729 : i32 to vector<16xi32>
    %lt3A_731 = arith.cmpi slt, %iota3A, %lt3A_730 : vector<16xi32>
    %jit3A_732 = arith.constant 0.000000e+00 : f32
    %broadcast_in_dim3A_733 = vector.broadcast %jit3A_732 : f32 to vector<16xf32>
    %select_n3A_734 = arith.select %lt3A_731, %sub3A_728, %broadcast_in_dim3A_733 : vector<16xi1>, vector<16xf32>
    %add3A_735 = arith.addf %add3A_703, %select_n3A_734 : vector<16xf32>
    %dma_wait3A_736 = arith.constant 0 : i32
    %dma_wait3A_737 = arith.constant 0 : i32
    %dma_wait3A_738 = tpu.memref_slice %arg12[%dma_wait3A_736, %dma_wait3A_737] : memref<40x1000xf32, #tpu.memory_space<vmem>> -> memref<20x1000xf32, #tpu.memory_space<vmem>>
    %dma_wait3A_739 = arith.constant 0 : i32
    %dma_wait3A_740 = arith.constant 0 : i32
    %dma_wait3A_741 = tpu.memref_slice %arg6[%add3A_649, %dma_wait3A_739, %dma_wait3A_740] : memref<1024x20x1000xf32, #tpu.memory_space<hbm>> -> memref<1x20x1000xf32, #tpu.memory_space<hbm>>
    %dma_wait3A_742 = tpu.memref_squeeze %dma_wait3A_741 : memref<1x20x1000xf32, #tpu.memory_space<hbm>> -> memref<20x1000xf32, #tpu.memory_space<hbm>>
    %dma_wait3A_743 = arith.constant 0 : i32
    %dma_wait3A_744 = arith.constant 0 : i32
    %dma_wait3A_745 = tpu.memref_slice %arg6[%add3A_649, %dma_wait3A_743, %dma_wait3A_744] : memref<1024x20x1000xf32, #tpu.memory_space<hbm>> -> memref<1x20x1000xf32, #tpu.memory_space<hbm>>
    %dma_wait3A_746 = tpu.memref_squeeze %dma_wait3A_745 : memref<1x20x1000xf32, #tpu.memory_space<hbm>> -> memref<20x1000xf32, #tpu.memory_space<hbm>>
    %dma_wait3A_747 = arith.constant 0 : i32
    %dma_wait3A_748 = arith.constant 0 : i32
    %dma_wait3A_749 = tpu.memref_slice %arg12[%dma_wait3A_747, %dma_wait3A_748] : memref<40x1000xf32, #tpu.memory_space<vmem>> -> memref<20x1000xf32, #tpu.memory_space<vmem>>
    tpu.wait_dma2 semaphore(%arg17 : memref<!tpu.dma_semaphore, #tpu.memory_space<semaphore_mem>>) src(%dma_wait3A_749 : memref<20x1000xf32, #tpu.memory_space<vmem>>) dst(%dma_wait3A_746 : memref<20x1000xf32, #tpu.memory_space<hbm>>)
    %dma_wait3A_750 = arith.constant 20 : i32
    %dma_wait3A_751 = arith.constant 0 : i32
    %dma_wait3A_752 = tpu.memref_slice %arg12[%dma_wait3A_750, %dma_wait3A_751] : memref<40x1000xf32, #tpu.memory_space<vmem>> -> memref<20x1000xf32, #tpu.memory_space<vmem>>
    %dma_wait3A_753 = arith.constant 0 : i32
    %dma_wait3A_754 = arith.constant 0 : i32
    %dma_wait3A_755 = tpu.memref_slice %arg6[%add3A_667, %dma_wait3A_753, %dma_wait3A_754] : memref<1024x20x1000xf32, #tpu.memory_space<hbm>> -> memref<1x20x1000xf32, #tpu.memory_space<hbm>>
    %dma_wait3A_756 = tpu.memref_squeeze %dma_wait3A_755 : memref<1x20x1000xf32, #tpu.memory_space<hbm>> -> memref<20x1000xf32, #tpu.memory_space<hbm>>
    %dma_wait3A_757 = arith.constant 0 : i32
    %dma_wait3A_758 = arith.constant 0 : i32
    %dma_wait3A_759 = tpu.memref_slice %arg6[%add3A_667, %dma_wait3A_757, %dma_wait3A_758] : memref<1024x20x1000xf32, #tpu.memory_space<hbm>> -> memref<1x20x1000xf32, #tpu.memory_space<hbm>>
    %dma_wait3A_760 = tpu.memref_squeeze %dma_wait3A_759 : memref<1x20x1000xf32, #tpu.memory_space<hbm>> -> memref<20x1000xf32, #tpu.memory_space<hbm>>
    %dma_wait3A_761 = arith.constant 20 : i32
    %dma_wait3A_762 = arith.constant 0 : i32
    %dma_wait3A_763 = tpu.memref_slice %arg12[%dma_wait3A_761, %dma_wait3A_762] : memref<40x1000xf32, #tpu.memory_space<vmem>> -> memref<20x1000xf32, #tpu.memory_space<vmem>>
    tpu.wait_dma2 semaphore(%arg17 : memref<!tpu.dma_semaphore, #tpu.memory_space<semaphore_mem>>) src(%dma_wait3A_763 : memref<20x1000xf32, #tpu.memory_space<vmem>>) dst(%dma_wait3A_760 : memref<20x1000xf32, #tpu.memory_space<hbm>>)
    %dma_start3A_764 = arith.constant 280 : i32
    %dma_start3A_765 = tpu.memref_slice %arg8[%dma_start3A_764] : memref<656xi32, #tpu.memory_space<vmem>> -> memref<40xi32, #tpu.memory_space<vmem>>
    %dma_start3A_766 = arith.constant 0 : i32
    %dma_start3A_767 = arith.constant 0 : i32
    %dma_start3A_768 = tpu.memref_slice %arg2[%dma_start3A_766, %dma_start3A_767] : memref<1000x1000xf32, #tpu.memory_space<hbm>> -> memref<1000x1000xf32, #tpu.memory_space<hbm>>
    tpu.enqueue_indirect_dma source(%dma_start3A_768 : memref<1000x1000xf32, #tpu.memory_space<hbm>>) target(%arg12 : memref<40x1000xf32, #tpu.memory_space<vmem>>) offsets(%dma_start3A_765 : memref<40xi32, #tpu.memory_space<vmem>>) semaphore(%arg15 : memref<!tpu.dma_semaphore, #tpu.memory_space<semaphore_mem>>)
    %dma_wait3A_769 = arith.constant 240 : i32
    %dma_wait3A_770 = tpu.memref_slice %arg8[%dma_wait3A_769] : memref<656xi32, #tpu.memory_space<vmem>> -> memref<40xi32, #tpu.memory_space<vmem>>
    %dma_wait3A_771 = arith.constant 0 : i32
    %dma_wait3A_772 = arith.constant 0 : i32
    %dma_wait3A_773 = tpu.memref_slice %arg2[%dma_wait3A_771, %dma_wait3A_772] : memref<1000x1000xf32, #tpu.memory_space<hbm>> -> memref<1000x1000xf32, #tpu.memory_space<hbm>>
    tpu.wait_indirect_dma semaphore(%arg14 : memref<!tpu.dma_semaphore, #tpu.memory_space<semaphore_mem>>) src(%dma_wait3A_773 : memref<1000x1000xf32, #tpu.memory_space<hbm>>) dst(%arg11 : memref<40x1000xf32, #tpu.memory_space<vmem>>)
    %add3A_774 = arith.constant 12 : i32
    %add3A_775 = arith.addi %mul3A_4, %add3A_774 : i32
    %dma_start3A_776 = arith.constant 0 : i32
    %dma_start3A_777 = arith.constant 0 : i32
    %dma_start3A_778 = tpu.memref_slice %arg11[%dma_start3A_776, %dma_start3A_777] : memref<40x1000xf32, #tpu.memory_space<vmem>> -> memref<20x1000xf32, #tpu.memory_space<vmem>>
    %dma_start3A_779 = arith.constant 0 : i32
    %dma_start3A_780 = arith.constant 0 : i32
    %dma_start3A_781 = tpu.memref_slice %arg6[%add3A_775, %dma_start3A_779, %dma_start3A_780] : memref<1024x20x1000xf32, #tpu.memory_space<hbm>> -> memref<1x20x1000xf32, #tpu.memory_space<hbm>>
    %dma_start3A_782 = tpu.memref_squeeze %dma_start3A_781 : memref<1x20x1000xf32, #tpu.memory_space<hbm>> -> memref<20x1000xf32, #tpu.memory_space<hbm>>
    %dma_start3A_783 = arith.constant 0 : i32
    %dma_start3A_784 = arith.constant 0 : i32
    %dma_start3A_785 = tpu.memref_slice %arg6[%add3A_775, %dma_start3A_783, %dma_start3A_784] : memref<1024x20x1000xf32, #tpu.memory_space<hbm>> -> memref<1x20x1000xf32, #tpu.memory_space<hbm>>
    %dma_start3A_786 = tpu.memref_squeeze %dma_start3A_785 : memref<1x20x1000xf32, #tpu.memory_space<hbm>> -> memref<20x1000xf32, #tpu.memory_space<hbm>>
    %dma_start3A_787 = arith.constant 0 : i32
    %dma_start3A_788 = arith.constant 0 : i32
    %dma_start3A_789 = tpu.memref_slice %arg11[%dma_start3A_787, %dma_start3A_788] : memref<40x1000xf32, #tpu.memory_space<vmem>> -> memref<20x1000xf32, #tpu.memory_space<vmem>>
    tpu.enqueue_dma source(%dma_start3A_789 : memref<20x1000xf32, #tpu.memory_space<vmem>>) target(%dma_start3A_786 : memref<20x1000xf32, #tpu.memory_space<hbm>>) target_semaphore(%arg16 : memref<!tpu.dma_semaphore, #tpu.memory_space<semaphore_mem>>)
    %add3A_790 = arith.constant 12 : i32
    %add3A_791 = arith.addi %mul3A_4, %add3A_790 : i32
    %add3A_792 = arith.constant 1 : i32
    %add3A_793 = arith.addi %add3A_791, %add3A_792 : i32
    %dma_start3A_794 = arith.constant 20 : i32
    %dma_start3A_795 = arith.constant 0 : i32
    %dma_start3A_796 = tpu.memref_slice %arg11[%dma_start3A_794, %dma_start3A_795] : memref<40x1000xf32, #tpu.memory_space<vmem>> -> memref<20x1000xf32, #tpu.memory_space<vmem>>
    %dma_start3A_797 = arith.constant 0 : i32
    %dma_start3A_798 = arith.constant 0 : i32
    %dma_start3A_799 = tpu.memref_slice %arg6[%add3A_793, %dma_start3A_797, %dma_start3A_798] : memref<1024x20x1000xf32, #tpu.memory_space<hbm>> -> memref<1x20x1000xf32, #tpu.memory_space<hbm>>
    %dma_start3A_800 = tpu.memref_squeeze %dma_start3A_799 : memref<1x20x1000xf32, #tpu.memory_space<hbm>> -> memref<20x1000xf32, #tpu.memory_space<hbm>>
    %dma_start3A_801 = arith.constant 0 : i32
    %dma_start3A_802 = arith.constant 0 : i32
    %dma_start3A_803 = tpu.memref_slice %arg6[%add3A_793, %dma_start3A_801, %dma_start3A_802] : memref<1024x20x1000xf32, #tpu.memory_space<hbm>> -> memref<1x20x1000xf32, #tpu.memory_space<hbm>>
    %dma_start3A_804 = tpu.memref_squeeze %dma_start3A_803 : memref<1x20x1000xf32, #tpu.memory_space<hbm>> -> memref<20x1000xf32, #tpu.memory_space<hbm>>
    %dma_start3A_805 = arith.constant 20 : i32
    %dma_start3A_806 = arith.constant 0 : i32
    %dma_start3A_807 = tpu.memref_slice %arg11[%dma_start3A_805, %dma_start3A_806] : memref<40x1000xf32, #tpu.memory_space<vmem>> -> memref<20x1000xf32, #tpu.memory_space<vmem>>
    tpu.enqueue_dma source(%dma_start3A_807 : memref<20x1000xf32, #tpu.memory_space<vmem>>) target(%dma_start3A_804 : memref<20x1000xf32, #tpu.memory_space<hbm>>) target_semaphore(%arg16 : memref<!tpu.dma_semaphore, #tpu.memory_space<semaphore_mem>>)
    %get3A_808 = arith.constant 240 : index
    %get3A_809 = tpu.vector_load %arg8[%get3A_808] {strides = array<i32>} : memref<656xi32, #tpu.memory_space<vmem>>, vector<16xi32>,
    %get3A_810 = arith.constant 240 : index
    %get3A_811 = tpu.vector_load %arg9[%get3A_810] {strides = array<i32>} : memref<656xi32, #tpu.memory_space<vmem>>, vector<16xi32>,
    %add3A_812 = arith.constant 0 : i32
    %add3A_813 = vector.broadcast %add3A_812 : i32 to vector<16xi32>
    %add3A_814 = arith.addi %iota3A, %add3A_813 : vector<16xi32>
    %gather3A_815 = tpu.vector_load_idx %arg11[%add3A_814, %get3A_811] : memref<40x1000xf32, #tpu.memory_space<vmem>>[vector<16xi32>, vector<16xi32>], vector<16xf32>,
    %gather3A_816 = tpu.vector_load_idx %arg10[%get3A_809] : memref<1000xf32, #tpu.memory_space<vmem>>[vector<16xi32>], vector<16xf32>,
    %sub3A_817 = arith.subf %gather3A_816, %gather3A_815 : vector<16xf32>
    %add3A_818 = arith.addf %add3A_735, %sub3A_817 : vector<16xf32>
    %get3A_819 = arith.constant 256 : index
    %get3A_820 = tpu.vector_load %arg8[%get3A_819] {strides = array<i32>} : memref<656xi32, #tpu.memory_space<vmem>>, vector<16xi32>,
    %get3A_821 = arith.constant 256 : index
    %get3A_822 = tpu.vector_load %arg9[%get3A_821] {strides = array<i32>} : memref<656xi32, #tpu.memory_space<vmem>>, vector<16xi32>,
    %add3A_823 = arith.constant 16 : i32
    %add3A_824 = vector.broadcast %add3A_823 : i32 to vector<16xi32>
    %add3A_825 = arith.addi %iota3A, %add3A_824 : vector<16xi32>
    %gather3A_826 = tpu.vector_load_idx %arg11[%add3A_825, %get3A_822] : memref<40x1000xf32, #tpu.memory_space<vmem>>[vector<16xi32>, vector<16xi32>], vector<16xf32>,
    %gather3A_827 = tpu.vector_load_idx %arg10[%get3A_820] : memref<1000xf32, #tpu.memory_space<vmem>>[vector<16xi32>], vector<16xf32>,
    %sub3A_828 = arith.subf %gather3A_827, %gather3A_826 : vector<16xf32>
    %add3A_829 = arith.addf %add3A_818, %sub3A_828 : vector<16xf32>
    %get3A_830 = arith.constant 272 : index
    %get3A_831 = tpu.vector_load %arg8[%get3A_830] {strides = array<i32>} : memref<656xi32, #tpu.memory_space<vmem>>, vector<16xi32>,
    %get3A_832 = arith.constant 272 : index
    %get3A_833 = tpu.vector_load %arg9[%get3A_832] {strides = array<i32>} : memref<656xi32, #tpu.memory_space<vmem>>, vector<16xi32>,
    %add3A_834 = arith.constant 32 : i32
    %add3A_835 = vector.broadcast %add3A_834 : i32 to vector<16xi32>
    %add3A_836 = arith.addi %iota3A, %add3A_835 : vector<16xi32>
    %min3A_837 = arith.constant 39 : i32
    %min3A_838 = vector.broadcast %min3A_837 : i32 to vector<16xi32>
    %min3A_839 = arith.minsi %add3A_836, %min3A_838 : vector<16xi32>
    %jit3A_840 = arith.constant 0 : i32
    %jit3A_841 = arith.constant 999 : i32
    %max3A_842 = vector.broadcast %jit3A_840 : i32 to vector<16xi32>
    %max3A_843 = arith.maxsi %max3A_842, %get3A_831 : vector<16xi32>
    %min3A_844 = vector.broadcast %jit3A_841 : i32 to vector<16xi32>
    %min3A_845 = arith.minsi %min3A_844, %max3A_843 : vector<16xi32>
    %jit3A_846 = arith.constant 0 : i32
    %jit3A_847 = arith.constant 999 : i32
    %max3A_848 = vector.broadcast %jit3A_846 : i32 to vector<16xi32>
    %max3A_849 = arith.maxsi %max3A_848, %get3A_833 : vector<16xi32>
    %min3A_850 = vector.broadcast %jit3A_847 : i32 to vector<16xi32>
    %min3A_851 = arith.minsi %min3A_850, %max3A_849 : vector<16xi32>
    %gather3A_852 = tpu.vector_load_idx %arg11[%min3A_839, %min3A_851] : memref<40x1000xf32, #tpu.memory_space<vmem>>[vector<16xi32>, vector<16xi32>], vector<16xf32>,
    %gather3A_853 = tpu.vector_load_idx %arg10[%min3A_845] : memref<1000xf32, #tpu.memory_space<vmem>>[vector<16xi32>], vector<16xf32>,
    %sub3A_854 = arith.subf %gather3A_853, %gather3A_852 : vector<16xf32>
    %lt3A_855 = arith.constant 8 : i32
    %lt3A_856 = vector.broadcast %lt3A_855 : i32 to vector<16xi32>
    %lt3A_857 = arith.cmpi slt, %iota3A, %lt3A_856 : vector<16xi32>
    %jit3A_858 = arith.constant 0.000000e+00 : f32
    %broadcast_in_dim3A_859 = vector.broadcast %jit3A_858 : f32 to vector<16xf32>
    %select_n3A_860 = arith.select %lt3A_857, %sub3A_854, %broadcast_in_dim3A_859 : vector<16xi1>, vector<16xf32>
    %add3A_861 = arith.addf %add3A_829, %select_n3A_860 : vector<16xf32>
    %dma_wait3A_862 = arith.constant 0 : i32
    %dma_wait3A_863 = arith.constant 0 : i32
    %dma_wait3A_864 = tpu.memref_slice %arg11[%dma_wait3A_862, %dma_wait3A_863] : memref<40x1000xf32, #tpu.memory_space<vmem>> -> memref<20x1000xf32, #tpu.memory_space<vmem>>
    %dma_wait3A_865 = arith.constant 0 : i32
    %dma_wait3A_866 = arith.constant 0 : i32
    %dma_wait3A_867 = tpu.memref_slice %arg6[%add3A_775, %dma_wait3A_865, %dma_wait3A_866] : memref<1024x20x1000xf32, #tpu.memory_space<hbm>> -> memref<1x20x1000xf32, #tpu.memory_space<hbm>>
    %dma_wait3A_868 = tpu.memref_squeeze %dma_wait3A_867 : memref<1x20x1000xf32, #tpu.memory_space<hbm>> -> memref<20x1000xf32, #tpu.memory_space<hbm>>
    %dma_wait3A_869 = arith.constant 0 : i32
    %dma_wait3A_870 = arith.constant 0 : i32
    %dma_wait3A_871 = tpu.memref_slice %arg6[%add3A_775, %dma_wait3A_869, %dma_wait3A_870] : memref<1024x20x1000xf32, #tpu.memory_space<hbm>> -> memref<1x20x1000xf32, #tpu.memory_space<hbm>>
    %dma_wait3A_872 = tpu.memref_squeeze %dma_wait3A_871 : memref<1x20x1000xf32, #tpu.memory_space<hbm>> -> memref<20x1000xf32, #tpu.memory_space<hbm>>
    %dma_wait3A_873 = arith.constant 0 : i32
    %dma_wait3A_874 = arith.constant 0 : i32
    %dma_wait3A_875 = tpu.memref_slice %arg11[%dma_wait3A_873, %dma_wait3A_874] : memref<40x1000xf32, #tpu.memory_space<vmem>> -> memref<20x1000xf32, #tpu.memory_space<vmem>>
    tpu.wait_dma2 semaphore(%arg16 : memref<!tpu.dma_semaphore, #tpu.memory_space<semaphore_mem>>) src(%dma_wait3A_875 : memref<20x1000xf32, #tpu.memory_space<vmem>>) dst(%dma_wait3A_872 : memref<20x1000xf32, #tpu.memory_space<hbm>>)
    %dma_wait3A_876 = arith.constant 20 : i32
    %dma_wait3A_877 = arith.constant 0 : i32
    %dma_wait3A_878 = tpu.memref_slice %arg11[%dma_wait3A_876, %dma_wait3A_877] : memref<40x1000xf32, #tpu.memory_space<vmem>> -> memref<20x1000xf32, #tpu.memory_space<vmem>>
    %dma_wait3A_879 = arith.constant 0 : i32
    %dma_wait3A_880 = arith.constant 0 : i32
    %dma_wait3A_881 = tpu.memref_slice %arg6[%add3A_793, %dma_wait3A_879, %dma_wait3A_880] : memref<1024x20x1000xf32, #tpu.memory_space<hbm>> -> memref<1x20x1000xf32, #tpu.memory_space<hbm>>
    %dma_wait3A_882 = tpu.memref_squeeze %dma_wait3A_881 : memref<1x20x1000xf32, #tpu.memory_space<hbm>> -> memref<20x1000xf32, #tpu.memory_space<hbm>>
    %dma_wait3A_883 = arith.constant 0 : i32
    %dma_wait3A_884 = arith.constant 0 : i32
    %dma_wait3A_885 = tpu.memref_slice %arg6[%add3A_793, %dma_wait3A_883, %dma_wait3A_884] : memref<1024x20x1000xf32, #tpu.memory_space<hbm>> -> memref<1x20x1000xf32, #tpu.memory_space<hbm>>
    %dma_wait3A_886 = tpu.memref_squeeze %dma_wait3A_885 : memref<1x20x1000xf32, #tpu.memory_space<hbm>> -> memref<20x1000xf32, #tpu.memory_space<hbm>>
    %dma_wait3A_887 = arith.constant 20 : i32
    %dma_wait3A_888 = arith.constant 0 : i32
    %dma_wait3A_889 = tpu.memref_slice %arg11[%dma_wait3A_887, %dma_wait3A_888] : memref<40x1000xf32, #tpu.memory_space<vmem>> -> memref<20x1000xf32, #tpu.memory_space<vmem>>
    tpu.wait_dma2 semaphore(%arg16 : memref<!tpu.dma_semaphore, #tpu.memory_space<semaphore_mem>>) src(%dma_wait3A_889 : memref<20x1000xf32, #tpu.memory_space<vmem>>) dst(%dma_wait3A_886 : memref<20x1000xf32, #tpu.memory_space<hbm>>)
    %dma_start3A_890 = arith.constant 320 : i32
    %dma_start3A_891 = tpu.memref_slice %arg8[%dma_start3A_890] : memref<656xi32, #tpu.memory_space<vmem>> -> memref<40xi32, #tpu.memory_space<vmem>>
    %dma_start3A_892 = arith.constant 0 : i32
    %dma_start3A_893 = arith.constant 0 : i32
    %dma_start3A_894 = tpu.memref_slice %arg2[%dma_start3A_892, %dma_start3A_893] : memref<1000x1000xf32, #tpu.memory_space<hbm>> -> memref<1000x1000xf32, #tpu.memory_space<hbm>>
    tpu.enqueue_indirect_dma source(%dma_start3A_894 : memref<1000x1000xf32, #tpu.memory_space<hbm>>) target(%arg11 : memref<40x1000xf32, #tpu.memory_space<vmem>>) offsets(%dma_start3A_891 : memref<40xi32, #tpu.memory_space<vmem>>) semaphore(%arg14 : memref<!tpu.dma_semaphore, #tpu.memory_space<semaphore_mem>>)
    %dma_wait3A_895 = arith.constant 280 : i32
    %dma_wait3A_896 = tpu.memref_slice %arg8[%dma_wait3A_895] : memref<656xi32, #tpu.memory_space<vmem>> -> memref<40xi32, #tpu.memory_space<vmem>>
    %dma_wait3A_897 = arith.constant 0 : i32
    %dma_wait3A_898 = arith.constant 0 : i32
    %dma_wait3A_899 = tpu.memref_slice %arg2[%dma_wait3A_897, %dma_wait3A_898] : memref<1000x1000xf32, #tpu.memory_space<hbm>> -> memref<1000x1000xf32, #tpu.memory_space<hbm>>
    tpu.wait_indirect_dma semaphore(%arg15 : memref<!tpu.dma_semaphore, #tpu.memory_space<semaphore_mem>>) src(%dma_wait3A_899 : memref<1000x1000xf32, #tpu.memory_space<hbm>>) dst(%arg12 : memref<40x1000xf32, #tpu.memory_space<vmem>>)
    %add3A_900 = arith.constant 14 : i32
    %add3A_901 = arith.addi %mul3A_4, %add3A_900 : i32
    %dma_start3A_902 = arith.constant 0 : i32
    %dma_start3A_903 = arith.constant 0 : i32
    %dma_start3A_904 = tpu.memref_slice %arg12[%dma_start3A_902, %dma_start3A_903] : memref<40x1000xf32, #tpu.memory_space<vmem>> -> memref<20x1000xf32, #tpu.memory_space<vmem>>
    %dma_start3A_905 = arith.constant 0 : i32
    %dma_start3A_906 = arith.constant 0 : i32
    %dma_start3A_907 = tpu.memref_slice %arg6[%add3A_901, %dma_start3A_905, %dma_start3A_906] : memref<1024x20x1000xf32, #tpu.memory_space<hbm>> -> memref<1x20x1000xf32, #tpu.memory_space<hbm>>
    %dma_start3A_908 = tpu.memref_squeeze %dma_start3A_907 : memref<1x20x1000xf32, #tpu.memory_space<hbm>> -> memref<20x1000xf32, #tpu.memory_space<hbm>>
    %dma_start3A_909 = arith.constant 0 : i32
    %dma_start3A_910 = arith.constant 0 : i32
    %dma_start3A_911 = tpu.memref_slice %arg6[%add3A_901, %dma_start3A_909, %dma_start3A_910] : memref<1024x20x1000xf32, #tpu.memory_space<hbm>> -> memref<1x20x1000xf32, #tpu.memory_space<hbm>>
    %dma_start3A_912 = tpu.memref_squeeze %dma_start3A_911 : memref<1x20x1000xf32, #tpu.memory_space<hbm>> -> memref<20x1000xf32, #tpu.memory_space<hbm>>
    %dma_start3A_913 = arith.constant 0 : i32
    %dma_start3A_914 = arith.constant 0 : i32
    %dma_start3A_915 = tpu.memref_slice %arg12[%dma_start3A_913, %dma_start3A_914] : memref<40x1000xf32, #tpu.memory_space<vmem>> -> memref<20x1000xf32, #tpu.memory_space<vmem>>
    tpu.enqueue_dma source(%dma_start3A_915 : memref<20x1000xf32, #tpu.memory_space<vmem>>) target(%dma_start3A_912 : memref<20x1000xf32, #tpu.memory_space<hbm>>) target_semaphore(%arg17 : memref<!tpu.dma_semaphore, #tpu.memory_space<semaphore_mem>>)
    %add3A_916 = arith.constant 14 : i32
    %add3A_917 = arith.addi %mul3A_4, %add3A_916 : i32
    %add3A_918 = arith.constant 1 : i32
    %add3A_919 = arith.addi %add3A_917, %add3A_918 : i32
    %dma_start3A_920 = arith.constant 20 : i32
    %dma_start3A_921 = arith.constant 0 : i32
    %dma_start3A_922 = tpu.memref_slice %arg12[%dma_start3A_920, %dma_start3A_921] : memref<40x1000xf32, #tpu.memory_space<vmem>> -> memref<20x1000xf32, #tpu.memory_space<vmem>>
    %dma_start3A_923 = arith.constant 0 : i32
    %dma_start3A_924 = arith.constant 0 : i32
    %dma_start3A_925 = tpu.memref_slice %arg6[%add3A_919, %dma_start3A_923, %dma_start3A_924] : memref<1024x20x1000xf32, #tpu.memory_space<hbm>> -> memref<1x20x1000xf32, #tpu.memory_space<hbm>>
    %dma_start3A_926 = tpu.memref_squeeze %dma_start3A_925 : memref<1x20x1000xf32, #tpu.memory_space<hbm>> -> memref<20x1000xf32, #tpu.memory_space<hbm>>
    %dma_start3A_927 = arith.constant 0 : i32
    %dma_start3A_928 = arith.constant 0 : i32
    %dma_start3A_929 = tpu.memref_slice %arg6[%add3A_919, %dma_start3A_927, %dma_start3A_928] : memref<1024x20x1000xf32, #tpu.memory_space<hbm>> -> memref<1x20x1000xf32, #tpu.memory_space<hbm>>
    %dma_start3A_930 = tpu.memref_squeeze %dma_start3A_929 : memref<1x20x1000xf32, #tpu.memory_space<hbm>> -> memref<20x1000xf32, #tpu.memory_space<hbm>>
    %dma_start3A_931 = arith.constant 20 : i32
    %dma_start3A_932 = arith.constant 0 : i32
    %dma_start3A_933 = tpu.memref_slice %arg12[%dma_start3A_931, %dma_start3A_932] : memref<40x1000xf32, #tpu.memory_space<vmem>> -> memref<20x1000xf32, #tpu.memory_space<vmem>>
    tpu.enqueue_dma source(%dma_start3A_933 : memref<20x1000xf32, #tpu.memory_space<vmem>>) target(%dma_start3A_930 : memref<20x1000xf32, #tpu.memory_space<hbm>>) target_semaphore(%arg17 : memref<!tpu.dma_semaphore, #tpu.memory_space<semaphore_mem>>)
    %get3A_934 = arith.constant 280 : index
    %get3A_935 = tpu.vector_load %arg8[%get3A_934] {strides = array<i32>} : memref<656xi32, #tpu.memory_space<vmem>>, vector<16xi32>,
    %get3A_936 = arith.constant 280 : index
    %get3A_937 = tpu.vector_load %arg9[%get3A_936] {strides = array<i32>} : memref<656xi32, #tpu.memory_space<vmem>>, vector<16xi32>,
    %add3A_938 = arith.constant 0 : i32
    %add3A_939 = vector.broadcast %add3A_938 : i32 to vector<16xi32>
    %add3A_940 = arith.addi %iota3A, %add3A_939 : vector<16xi32>
    %gather3A_941 = tpu.vector_load_idx %arg12[%add3A_940, %get3A_937] : memref<40x1000xf32, #tpu.memory_space<vmem>>[vector<16xi32>, vector<16xi32>], vector<16xf32>,
    %gather3A_942 = tpu.vector_load_idx %arg10[%get3A_935] : memref<1000xf32, #tpu.memory_space<vmem>>[vector<16xi32>], vector<16xf32>,
    %sub3A_943 = arith.subf %gather3A_942, %gather3A_941 : vector<16xf32>
    %add3A_944 = arith.addf %add3A_861, %sub3A_943 : vector<16xf32>
    %get3A_945 = arith.constant 296 : index
    %get3A_946 = tpu.vector_load %arg8[%get3A_945] {strides = array<i32>} : memref<656xi32, #tpu.memory_space<vmem>>, vector<16xi32>,
    %get3A_947 = arith.constant 296 : index
    %get3A_948 = tpu.vector_load %arg9[%get3A_947] {strides = array<i32>} : memref<656xi32, #tpu.memory_space<vmem>>, vector<16xi32>,
    %add3A_949 = arith.constant 16 : i32
    %add3A_950 = vector.broadcast %add3A_949 : i32 to vector<16xi32>
    %add3A_951 = arith.addi %iota3A, %add3A_950 : vector<16xi32>
    %gather3A_952 = tpu.vector_load_idx %arg12[%add3A_951, %get3A_948] : memref<40x1000xf32, #tpu.memory_space<vmem>>[vector<16xi32>, vector<16xi32>], vector<16xf32>,
    %gather3A_953 = tpu.vector_load_idx %arg10[%get3A_946] : memref<1000xf32, #tpu.memory_space<vmem>>[vector<16xi32>], vector<16xf32>,
    %sub3A_954 = arith.subf %gather3A_953, %gather3A_952 : vector<16xf32>
    %add3A_955 = arith.addf %add3A_944, %sub3A_954 : vector<16xf32>
    %get3A_956 = arith.constant 312 : index
    %get3A_957 = tpu.vector_load %arg8[%get3A_956] {strides = array<i32>} : memref<656xi32, #tpu.memory_space<vmem>>, vector<16xi32>,
    %get3A_958 = arith.constant 312 : index
    %get3A_959 = tpu.vector_load %arg9[%get3A_958] {strides = array<i32>} : memref<656xi32, #tpu.memory_space<vmem>>, vector<16xi32>,
    %add3A_960 = arith.constant 32 : i32
    %add3A_961 = vector.broadcast %add3A_960 : i32 to vector<16xi32>
    %add3A_962 = arith.addi %iota3A, %add3A_961 : vector<16xi32>
    %min3A_963 = arith.constant 39 : i32
    %min3A_964 = vector.broadcast %min3A_963 : i32 to vector<16xi32>
    %min3A_965 = arith.minsi %add3A_962, %min3A_964 : vector<16xi32>
    %jit3A_966 = arith.constant 0 : i32
    %jit3A_967 = arith.constant 999 : i32
    %max3A_968 = vector.broadcast %jit3A_966 : i32 to vector<16xi32>
    %max3A_969 = arith.maxsi %max3A_968, %get3A_957 : vector<16xi32>
    %min3A_970 = vector.broadcast %jit3A_967 : i32 to vector<16xi32>
    %min3A_971 = arith.minsi %min3A_970, %max3A_969 : vector<16xi32>
    %jit3A_972 = arith.constant 0 : i32
    %jit3A_973 = arith.constant 999 : i32
    %max3A_974 = vector.broadcast %jit3A_972 : i32 to vector<16xi32>
    %max3A_975 = arith.maxsi %max3A_974, %get3A_959 : vector<16xi32>
    %min3A_976 = vector.broadcast %jit3A_973 : i32 to vector<16xi32>
    %min3A_977 = arith.minsi %min3A_976, %max3A_975 : vector<16xi32>
    %gather3A_978 = tpu.vector_load_idx %arg12[%min3A_965, %min3A_977] : memref<40x1000xf32, #tpu.memory_space<vmem>>[vector<16xi32>, vector<16xi32>], vector<16xf32>,
    %gather3A_979 = tpu.vector_load_idx %arg10[%min3A_971] : memref<1000xf32, #tpu.memory_space<vmem>>[vector<16xi32>], vector<16xf32>,
    %sub3A_980 = arith.subf %gather3A_979, %gather3A_978 : vector<16xf32>
    %lt3A_981 = arith.constant 8 : i32
    %lt3A_982 = vector.broadcast %lt3A_981 : i32 to vector<16xi32>
    %lt3A_983 = arith.cmpi slt, %iota3A, %lt3A_982 : vector<16xi32>
    %jit3A_984 = arith.constant 0.000000e+00 : f32
    %broadcast_in_dim3A_985 = vector.broadcast %jit3A_984 : f32 to vector<16xf32>
    %select_n3A_986 = arith.select %lt3A_983, %sub3A_980, %broadcast_in_dim3A_985 : vector<16xi1>, vector<16xf32>
    %add3A_987 = arith.addf %add3A_955, %select_n3A_986 : vector<16xf32>
    %dma_wait3A_988 = arith.constant 0 : i32
    %dma_wait3A_989 = arith.constant 0 : i32
    %dma_wait3A_990 = tpu.memref_slice %arg12[%dma_wait3A_988, %dma_wait3A_989] : memref<40x1000xf32, #tpu.memory_space<vmem>> -> memref<20x1000xf32, #tpu.memory_space<vmem>>
    %dma_wait3A_991 = arith.constant 0 : i32
    %dma_wait3A_992 = arith.constant 0 : i32
    %dma_wait3A_993 = tpu.memref_slice %arg6[%add3A_901, %dma_wait3A_991, %dma_wait3A_992] : memref<1024x20x1000xf32, #tpu.memory_space<hbm>> -> memref<1x20x1000xf32, #tpu.memory_space<hbm>>
    %dma_wait3A_994 = tpu.memref_squeeze %dma_wait3A_993 : memref<1x20x1000xf32, #tpu.memory_space<hbm>> -> memref<20x1000xf32, #tpu.memory_space<hbm>>
    %dma_wait3A_995 = arith.constant 0 : i32
    %dma_wait3A_996 = arith.constant 0 : i32
    %dma_wait3A_997 = tpu.memref_slice %arg6[%add3A_901, %dma_wait3A_995, %dma_wait3A_996] : memref<1024x20x1000xf32, #tpu.memory_space<hbm>> -> memref<1x20x1000xf32, #tpu.memory_space<hbm>>
    %dma_wait3A_998 = tpu.memref_squeeze %dma_wait3A_997 : memref<1x20x1000xf32, #tpu.memory_space<hbm>> -> memref<20x1000xf32, #tpu.memory_space<hbm>>
    %dma_wait3A_999 = arith.constant 0 : i32
    %dma_wait3A_1000 = arith.constant 0 : i32
    %dma_wait3A_1001 = tpu.memref_slice %arg12[%dma_wait3A_999, %dma_wait3A_1000] : memref<40x1000xf32, #tpu.memory_space<vmem>> -> memref<20x1000xf32, #tpu.memory_space<vmem>>
    tpu.wait_dma2 semaphore(%arg17 : memref<!tpu.dma_semaphore, #tpu.memory_space<semaphore_mem>>) src(%dma_wait3A_1001 : memref<20x1000xf32, #tpu.memory_space<vmem>>) dst(%dma_wait3A_998 : memref<20x1000xf32, #tpu.memory_space<hbm>>)
    %dma_wait3A_1002 = arith.constant 20 : i32
    %dma_wait3A_1003 = arith.constant 0 : i32
    %dma_wait3A_1004 = tpu.memref_slice %arg12[%dma_wait3A_1002, %dma_wait3A_1003] : memref<40x1000xf32, #tpu.memory_space<vmem>> -> memref<20x1000xf32, #tpu.memory_space<vmem>>
    %dma_wait3A_1005 = arith.constant 0 : i32
    %dma_wait3A_1006 = arith.constant 0 : i32
    %dma_wait3A_1007 = tpu.memref_slice %arg6[%add3A_919, %dma_wait3A_1005, %dma_wait3A_1006] : memref<1024x20x1000xf32, #tpu.memory_space<hbm>> -> memref<1x20x1000xf32, #tpu.memory_space<hbm>>
    %dma_wait3A_1008 = tpu.memref_squeeze %dma_wait3A_1007 : memref<1x20x1000xf32, #tpu.memory_space<hbm>> -> memref<20x1000xf32, #tpu.memory_space<hbm>>
    %dma_wait3A_1009 = arith.constant 0 : i32
    %dma_wait3A_1010 = arith.constant 0 : i32
    %dma_wait3A_1011 = tpu.memref_slice %arg6[%add3A_919, %dma_wait3A_1009, %dma_wait3A_1010] : memref<1024x20x1000xf32, #tpu.memory_space<hbm>> -> memref<1x20x1000xf32, #tpu.memory_space<hbm>>
    %dma_wait3A_1012 = tpu.memref_squeeze %dma_wait3A_1011 : memref<1x20x1000xf32, #tpu.memory_space<hbm>> -> memref<20x1000xf32, #tpu.memory_space<hbm>>
    %dma_wait3A_1013 = arith.constant 20 : i32
    %dma_wait3A_1014 = arith.constant 0 : i32
    %dma_wait3A_1015 = tpu.memref_slice %arg12[%dma_wait3A_1013, %dma_wait3A_1014] : memref<40x1000xf32, #tpu.memory_space<vmem>> -> memref<20x1000xf32, #tpu.memory_space<vmem>>
    tpu.wait_dma2 semaphore(%arg17 : memref<!tpu.dma_semaphore, #tpu.memory_space<semaphore_mem>>) src(%dma_wait3A_1015 : memref<20x1000xf32, #tpu.memory_space<vmem>>) dst(%dma_wait3A_1012 : memref<20x1000xf32, #tpu.memory_space<hbm>>)
    %dma_start3A_1016 = arith.constant 360 : i32
    %dma_start3A_1017 = tpu.memref_slice %arg8[%dma_start3A_1016] : memref<656xi32, #tpu.memory_space<vmem>> -> memref<40xi32, #tpu.memory_space<vmem>>
    %dma_start3A_1018 = arith.constant 0 : i32
    %dma_start3A_1019 = arith.constant 0 : i32
    %dma_start3A_1020 = tpu.memref_slice %arg2[%dma_start3A_1018, %dma_start3A_1019] : memref<1000x1000xf32, #tpu.memory_space<hbm>> -> memref<1000x1000xf32, #tpu.memory_space<hbm>>
    tpu.enqueue_indirect_dma source(%dma_start3A_1020 : memref<1000x1000xf32, #tpu.memory_space<hbm>>) target(%arg12 : memref<40x1000xf32, #tpu.memory_space<vmem>>) offsets(%dma_start3A_1017 : memref<40xi32, #tpu.memory_space<vmem>>) semaphore(%arg15 : memref<!tpu.dma_semaphore, #tpu.memory_space<semaphore_mem>>)
    %dma_wait3A_1021 = arith.constant 320 : i32
    %dma_wait3A_1022 = tpu.memref_slice %arg8[%dma_wait3A_1021] : memref<656xi32, #tpu.memory_space<vmem>> -> memref<40xi32, #tpu.memory_space<vmem>>
    %dma_wait3A_1023 = arith.constant 0 : i32
    %dma_wait3A_1024 = arith.constant 0 : i32
    %dma_wait3A_1025 = tpu.memref_slice %arg2[%dma_wait3A_1023, %dma_wait3A_1024] : memref<1000x1000xf32, #tpu.memory_space<hbm>> -> memref<1000x1000xf32, #tpu.memory_space<hbm>>
    tpu.wait_indirect_dma semaphore(%arg14 : memref<!tpu.dma_semaphore, #tpu.memory_space<semaphore_mem>>) src(%dma_wait3A_1025 : memref<1000x1000xf32, #tpu.memory_space<hbm>>) dst(%arg11 : memref<40x1000xf32, #tpu.memory_space<vmem>>)
    %add3A_1026 = arith.constant 16 : i32
    %add3A_1027 = arith.addi %mul3A_4, %add3A_1026 : i32
    %dma_start3A_1028 = arith.constant 0 : i32
    %dma_start3A_1029 = arith.constant 0 : i32
    %dma_start3A_1030 = tpu.memref_slice %arg11[%dma_start3A_1028, %dma_start3A_1029] : memref<40x1000xf32, #tpu.memory_space<vmem>> -> memref<20x1000xf32, #tpu.memory_space<vmem>>
    %dma_start3A_1031 = arith.constant 0 : i32
    %dma_start3A_1032 = arith.constant 0 : i32
    %dma_start3A_1033 = tpu.memref_slice %arg6[%add3A_1027, %dma_start3A_1031, %dma_start3A_1032] : memref<1024x20x1000xf32, #tpu.memory_space<hbm>> -> memref<1x20x1000xf32, #tpu.memory_space<hbm>>
    %dma_start3A_1034 = tpu.memref_squeeze %dma_start3A_1033 : memref<1x20x1000xf32, #tpu.memory_space<hbm>> -> memref<20x1000xf32, #tpu.memory_space<hbm>>
    %dma_start3A_1035 = arith.constant 0 : i32
    %dma_start3A_1036 = arith.constant 0 : i32
    %dma_start3A_1037 = tpu.memref_slice %arg6[%add3A_1027, %dma_start3A_1035, %dma_start3A_1036] : memref<1024x20x1000xf32, #tpu.memory_space<hbm>> -> memref<1x20x1000xf32, #tpu.memory_space<hbm>>
    %dma_start3A_1038 = tpu.memref_squeeze %dma_start3A_1037 : memref<1x20x1000xf32, #tpu.memory_space<hbm>> -> memref<20x1000xf32, #tpu.memory_space<hbm>>
    %dma_start3A_1039 = arith.constant 0 : i32
    %dma_start3A_1040 = arith.constant 0 : i32
    %dma_start3A_1041 = tpu.memref_slice %arg11[%dma_start3A_1039, %dma_start3A_1040] : memref<40x1000xf32, #tpu.memory_space<vmem>> -> memref<20x1000xf32, #tpu.memory_space<vmem>>
    tpu.enqueue_dma source(%dma_start3A_1041 : memref<20x1000xf32, #tpu.memory_space<vmem>>) target(%dma_start3A_1038 : memref<20x1000xf32, #tpu.memory_space<hbm>>) target_semaphore(%arg16 : memref<!tpu.dma_semaphore, #tpu.memory_space<semaphore_mem>>)
    %add3A_1042 = arith.constant 16 : i32
    %add3A_1043 = arith.addi %mul3A_4, %add3A_1042 : i32
    %add3A_1044 = arith.constant 1 : i32
    %add3A_1045 = arith.addi %add3A_1043, %add3A_1044 : i32
    %dma_start3A_1046 = arith.constant 20 : i32
    %dma_start3A_1047 = arith.constant 0 : i32
    %dma_start3A_1048 = tpu.memref_slice %arg11[%dma_start3A_1046, %dma_start3A_1047] : memref<40x1000xf32, #tpu.memory_space<vmem>> -> memref<20x1000xf32, #tpu.memory_space<vmem>>
    %dma_start3A_1049 = arith.constant 0 : i32
    %dma_start3A_1050 = arith.constant 0 : i32
    %dma_start3A_1051 = tpu.memref_slice %arg6[%add3A_1045, %dma_start3A_1049, %dma_start3A_1050] : memref<1024x20x1000xf32, #tpu.memory_space<hbm>> -> memref<1x20x1000xf32, #tpu.memory_space<hbm>>
    %dma_start3A_1052 = tpu.memref_squeeze %dma_start3A_1051 : memref<1x20x1000xf32, #tpu.memory_space<hbm>> -> memref<20x1000xf32, #tpu.memory_space<hbm>>
    %dma_start3A_1053 = arith.constant 0 : i32
    %dma_start3A_1054 = arith.constant 0 : i32
    %dma_start3A_1055 = tpu.memref_slice %arg6[%add3A_1045, %dma_start3A_1053, %dma_start3A_1054] : memref<1024x20x1000xf32, #tpu.memory_space<hbm>> -> memref<1x20x1000xf32, #tpu.memory_space<hbm>>
    %dma_start3A_1056 = tpu.memref_squeeze %dma_start3A_1055 : memref<1x20x1000xf32, #tpu.memory_space<hbm>> -> memref<20x1000xf32, #tpu.memory_space<hbm>>
    %dma_start3A_1057 = arith.constant 20 : i32
    %dma_start3A_1058 = arith.constant 0 : i32
    %dma_start3A_1059 = tpu.memref_slice %arg11[%dma_start3A_1057, %dma_start3A_1058] : memref<40x1000xf32, #tpu.memory_space<vmem>> -> memref<20x1000xf32, #tpu.memory_space<vmem>>
    tpu.enqueue_dma source(%dma_start3A_1059 : memref<20x1000xf32, #tpu.memory_space<vmem>>) target(%dma_start3A_1056 : memref<20x1000xf32, #tpu.memory_space<hbm>>) target_semaphore(%arg16 : memref<!tpu.dma_semaphore, #tpu.memory_space<semaphore_mem>>)
    %get3A_1060 = arith.constant 320 : index
    %get3A_1061 = tpu.vector_load %arg8[%get3A_1060] {strides = array<i32>} : memref<656xi32, #tpu.memory_space<vmem>>, vector<16xi32>,
    %get3A_1062 = arith.constant 320 : index
    %get3A_1063 = tpu.vector_load %arg9[%get3A_1062] {strides = array<i32>} : memref<656xi32, #tpu.memory_space<vmem>>, vector<16xi32>,
    %add3A_1064 = arith.constant 0 : i32
    %add3A_1065 = vector.broadcast %add3A_1064 : i32 to vector<16xi32>
    %add3A_1066 = arith.addi %iota3A, %add3A_1065 : vector<16xi32>
    %gather3A_1067 = tpu.vector_load_idx %arg11[%add3A_1066, %get3A_1063] : memref<40x1000xf32, #tpu.memory_space<vmem>>[vector<16xi32>, vector<16xi32>], vector<16xf32>,
    %gather3A_1068 = tpu.vector_load_idx %arg10[%get3A_1061] : memref<1000xf32, #tpu.memory_space<vmem>>[vector<16xi32>], vector<16xf32>,
    %sub3A_1069 = arith.subf %gather3A_1068, %gather3A_1067 : vector<16xf32>
    %add3A_1070 = arith.addf %add3A_987, %sub3A_1069 : vector<16xf32>
    %get3A_1071 = arith.constant 336 : index
    %get3A_1072 = tpu.vector_load %arg8[%get3A_1071] {strides = array<i32>} : memref<656xi32, #tpu.memory_space<vmem>>, vector<16xi32>,
    %get3A_1073 = arith.constant 336 : index
    %get3A_1074 = tpu.vector_load %arg9[%get3A_1073] {strides = array<i32>} : memref<656xi32, #tpu.memory_space<vmem>>, vector<16xi32>,
    %add3A_1075 = arith.constant 16 : i32
    %add3A_1076 = vector.broadcast %add3A_1075 : i32 to vector<16xi32>
    %add3A_1077 = arith.addi %iota3A, %add3A_1076 : vector<16xi32>
    %gather3A_1078 = tpu.vector_load_idx %arg11[%add3A_1077, %get3A_1074] : memref<40x1000xf32, #tpu.memory_space<vmem>>[vector<16xi32>, vector<16xi32>], vector<16xf32>,
    %gather3A_1079 = tpu.vector_load_idx %arg10[%get3A_1072] : memref<1000xf32, #tpu.memory_space<vmem>>[vector<16xi32>], vector<16xf32>,
    %sub3A_1080 = arith.subf %gather3A_1079, %gather3A_1078 : vector<16xf32>
    %add3A_1081 = arith.addf %add3A_1070, %sub3A_1080 : vector<16xf32>
    %get3A_1082 = arith.constant 352 : index
    %get3A_1083 = tpu.vector_load %arg8[%get3A_1082] {strides = array<i32>} : memref<656xi32, #tpu.memory_space<vmem>>, vector<16xi32>,
    %get3A_1084 = arith.constant 352 : index
    %get3A_1085 = tpu.vector_load %arg9[%get3A_1084] {strides = array<i32>} : memref<656xi32, #tpu.memory_space<vmem>>, vector<16xi32>,
    %add3A_1086 = arith.constant 32 : i32
    %add3A_1087 = vector.broadcast %add3A_1086 : i32 to vector<16xi32>
    %add3A_1088 = arith.addi %iota3A, %add3A_1087 : vector<16xi32>
    %min3A_1089 = arith.constant 39 : i32
    %min3A_1090 = vector.broadcast %min3A_1089 : i32 to vector<16xi32>
    %min3A_1091 = arith.minsi %add3A_1088, %min3A_1090 : vector<16xi32>
    %jit3A_1092 = arith.constant 0 : i32
    %jit3A_1093 = arith.constant 999 : i32
    %max3A_1094 = vector.broadcast %jit3A_1092 : i32 to vector<16xi32>
    %max3A_1095 = arith.maxsi %max3A_1094, %get3A_1083 : vector<16xi32>
    %min3A_1096 = vector.broadcast %jit3A_1093 : i32 to vector<16xi32>
    %min3A_1097 = arith.minsi %min3A_1096, %max3A_1095 : vector<16xi32>
    %jit3A_1098 = arith.constant 0 : i32
    %jit3A_1099 = arith.constant 999 : i32
    %max3A_1100 = vector.broadcast %jit3A_1098 : i32 to vector<16xi32>
    %max3A_1101 = arith.maxsi %max3A_1100, %get3A_1085 : vector<16xi32>
    %min3A_1102 = vector.broadcast %jit3A_1099 : i32 to vector<16xi32>
    %min3A_1103 = arith.minsi %min3A_1102, %max3A_1101 : vector<16xi32>
    %gather3A_1104 = tpu.vector_load_idx %arg11[%min3A_1091, %min3A_1103] : memref<40x1000xf32, #tpu.memory_space<vmem>>[vector<16xi32>, vector<16xi32>], vector<16xf32>,
    %gather3A_1105 = tpu.vector_load_idx %arg10[%min3A_1097] : memref<1000xf32, #tpu.memory_space<vmem>>[vector<16xi32>], vector<16xf32>,
    %sub3A_1106 = arith.subf %gather3A_1105, %gather3A_1104 : vector<16xf32>
    %lt3A_1107 = arith.constant 8 : i32
    %lt3A_1108 = vector.broadcast %lt3A_1107 : i32 to vector<16xi32>
    %lt3A_1109 = arith.cmpi slt, %iota3A, %lt3A_1108 : vector<16xi32>
    %jit3A_1110 = arith.constant 0.000000e+00 : f32
    %broadcast_in_dim3A_1111 = vector.broadcast %jit3A_1110 : f32 to vector<16xf32>
    %select_n3A_1112 = arith.select %lt3A_1109, %sub3A_1106, %broadcast_in_dim3A_1111 : vector<16xi1>, vector<16xf32>
    %add3A_1113 = arith.addf %add3A_1081, %select_n3A_1112 : vector<16xf32>
    %dma_wait3A_1114 = arith.constant 0 : i32
    %dma_wait3A_1115 = arith.constant 0 : i32
    %dma_wait3A_1116 = tpu.memref_slice %arg11[%dma_wait3A_1114, %dma_wait3A_1115] : memref<40x1000xf32, #tpu.memory_space<vmem>> -> memref<20x1000xf32, #tpu.memory_space<vmem>>
    %dma_wait3A_1117 = arith.constant 0 : i32
    %dma_wait3A_1118 = arith.constant 0 : i32
    %dma_wait3A_1119 = tpu.memref_slice %arg6[%add3A_1027, %dma_wait3A_1117, %dma_wait3A_1118] : memref<1024x20x1000xf32, #tpu.memory_space<hbm>> -> memref<1x20x1000xf32, #tpu.memory_space<hbm>>
    %dma_wait3A_1120 = tpu.memref_squeeze %dma_wait3A_1119 : memref<1x20x1000xf32, #tpu.memory_space<hbm>> -> memref<20x1000xf32, #tpu.memory_space<hbm>>
    %dma_wait3A_1121 = arith.constant 0 : i32
    %dma_wait3A_1122 = arith.constant 0 : i32
    %dma_wait3A_1123 = tpu.memref_slice %arg6[%add3A_1027, %dma_wait3A_1121, %dma_wait3A_1122] : memref<1024x20x1000xf32, #tpu.memory_space<hbm>> -> memref<1x20x1000xf32, #tpu.memory_space<hbm>>
    %dma_wait3A_1124 = tpu.memref_squeeze %dma_wait3A_1123 : memref<1x20x1000xf32, #tpu.memory_space<hbm>> -> memref<20x1000xf32, #tpu.memory_space<hbm>>
    %dma_wait3A_1125 = arith.constant 0 : i32
    %dma_wait3A_1126 = arith.constant 0 : i32
    %dma_wait3A_1127 = tpu.memref_slice %arg11[%dma_wait3A_1125, %dma_wait3A_1126] : memref<40x1000xf32, #tpu.memory_space<vmem>> -> memref<20x1000xf32, #tpu.memory_space<vmem>>
    tpu.wait_dma2 semaphore(%arg16 : memref<!tpu.dma_semaphore, #tpu.memory_space<semaphore_mem>>) src(%dma_wait3A_1127 : memref<20x1000xf32, #tpu.memory_space<vmem>>) dst(%dma_wait3A_1124 : memref<20x1000xf32, #tpu.memory_space<hbm>>)
    %dma_wait3A_1128 = arith.constant 20 : i32
    %dma_wait3A_1129 = arith.constant 0 : i32
    %dma_wait3A_1130 = tpu.memref_slice %arg11[%dma_wait3A_1128, %dma_wait3A_1129] : memref<40x1000xf32, #tpu.memory_space<vmem>> -> memref<20x1000xf32, #tpu.memory_space<vmem>>
    %dma_wait3A_1131 = arith.constant 0 : i32
    %dma_wait3A_1132 = arith.constant 0 : i32
    %dma_wait3A_1133 = tpu.memref_slice %arg6[%add3A_1045, %dma_wait3A_1131, %dma_wait3A_1132] : memref<1024x20x1000xf32, #tpu.memory_space<hbm>> -> memref<1x20x1000xf32, #tpu.memory_space<hbm>>
    %dma_wait3A_1134 = tpu.memref_squeeze %dma_wait3A_1133 : memref<1x20x1000xf32, #tpu.memory_space<hbm>> -> memref<20x1000xf32, #tpu.memory_space<hbm>>
    %dma_wait3A_1135 = arith.constant 0 : i32
    %dma_wait3A_1136 = arith.constant 0 : i32
    %dma_wait3A_1137 = tpu.memref_slice %arg6[%add3A_1045, %dma_wait3A_1135, %dma_wait3A_1136] : memref<1024x20x1000xf32, #tpu.memory_space<hbm>> -> memref<1x20x1000xf32, #tpu.memory_space<hbm>>
    %dma_wait3A_1138 = tpu.memref_squeeze %dma_wait3A_1137 : memref<1x20x1000xf32, #tpu.memory_space<hbm>> -> memref<20x1000xf32, #tpu.memory_space<hbm>>
    %dma_wait3A_1139 = arith.constant 20 : i32
    %dma_wait3A_1140 = arith.constant 0 : i32
    %dma_wait3A_1141 = tpu.memref_slice %arg11[%dma_wait3A_1139, %dma_wait3A_1140] : memref<40x1000xf32, #tpu.memory_space<vmem>> -> memref<20x1000xf32, #tpu.memory_space<vmem>>
    tpu.wait_dma2 semaphore(%arg16 : memref<!tpu.dma_semaphore, #tpu.memory_space<semaphore_mem>>) src(%dma_wait3A_1141 : memref<20x1000xf32, #tpu.memory_space<vmem>>) dst(%dma_wait3A_1138 : memref<20x1000xf32, #tpu.memory_space<hbm>>)
    %dma_start3A_1142 = arith.constant 400 : i32
    %dma_start3A_1143 = tpu.memref_slice %arg8[%dma_start3A_1142] : memref<656xi32, #tpu.memory_space<vmem>> -> memref<40xi32, #tpu.memory_space<vmem>>
    %dma_start3A_1144 = arith.constant 0 : i32
    %dma_start3A_1145 = arith.constant 0 : i32
    %dma_start3A_1146 = tpu.memref_slice %arg2[%dma_start3A_1144, %dma_start3A_1145] : memref<1000x1000xf32, #tpu.memory_space<hbm>> -> memref<1000x1000xf32, #tpu.memory_space<hbm>>
    tpu.enqueue_indirect_dma source(%dma_start3A_1146 : memref<1000x1000xf32, #tpu.memory_space<hbm>>) target(%arg11 : memref<40x1000xf32, #tpu.memory_space<vmem>>) offsets(%dma_start3A_1143 : memref<40xi32, #tpu.memory_space<vmem>>) semaphore(%arg14 : memref<!tpu.dma_semaphore, #tpu.memory_space<semaphore_mem>>)
    %dma_wait3A_1147 = arith.constant 360 : i32
    %dma_wait3A_1148 = tpu.memref_slice %arg8[%dma_wait3A_1147] : memref<656xi32, #tpu.memory_space<vmem>> -> memref<40xi32, #tpu.memory_space<vmem>>
    %dma_wait3A_1149 = arith.constant 0 : i32
    %dma_wait3A_1150 = arith.constant 0 : i32
    %dma_wait3A_1151 = tpu.memref_slice %arg2[%dma_wait3A_1149, %dma_wait3A_1150] : memref<1000x1000xf32, #tpu.memory_space<hbm>> -> memref<1000x1000xf32, #tpu.memory_space<hbm>>
    tpu.wait_indirect_dma semaphore(%arg15 : memref<!tpu.dma_semaphore, #tpu.memory_space<semaphore_mem>>) src(%dma_wait3A_1151 : memref<1000x1000xf32, #tpu.memory_space<hbm>>) dst(%arg12 : memref<40x1000xf32, #tpu.memory_space<vmem>>)
    %add3A_1152 = arith.constant 18 : i32
    %add3A_1153 = arith.addi %mul3A_4, %add3A_1152 : i32
    %dma_start3A_1154 = arith.constant 0 : i32
    %dma_start3A_1155 = arith.constant 0 : i32
    %dma_start3A_1156 = tpu.memref_slice %arg12[%dma_start3A_1154, %dma_start3A_1155] : memref<40x1000xf32, #tpu.memory_space<vmem>> -> memref<20x1000xf32, #tpu.memory_space<vmem>>
    %dma_start3A_1157 = arith.constant 0 : i32
    %dma_start3A_1158 = arith.constant 0 : i32
    %dma_start3A_1159 = tpu.memref_slice %arg6[%add3A_1153, %dma_start3A_1157, %dma_start3A_1158] : memref<1024x20x1000xf32, #tpu.memory_space<hbm>> -> memref<1x20x1000xf32, #tpu.memory_space<hbm>>
    %dma_start3A_1160 = tpu.memref_squeeze %dma_start3A_1159 : memref<1x20x1000xf32, #tpu.memory_space<hbm>> -> memref<20x1000xf32, #tpu.memory_space<hbm>>
    %dma_start3A_1161 = arith.constant 0 : i32
    %dma_start3A_1162 = arith.constant 0 : i32
    %dma_start3A_1163 = tpu.memref_slice %arg6[%add3A_1153, %dma_start3A_1161, %dma_start3A_1162] : memref<1024x20x1000xf32, #tpu.memory_space<hbm>> -> memref<1x20x1000xf32, #tpu.memory_space<hbm>>
    %dma_start3A_1164 = tpu.memref_squeeze %dma_start3A_1163 : memref<1x20x1000xf32, #tpu.memory_space<hbm>> -> memref<20x1000xf32, #tpu.memory_space<hbm>>
    %dma_start3A_1165 = arith.constant 0 : i32
    %dma_start3A_1166 = arith.constant 0 : i32
    %dma_start3A_1167 = tpu.memref_slice %arg12[%dma_start3A_1165, %dma_start3A_1166] : memref<40x1000xf32, #tpu.memory_space<vmem>> -> memref<20x1000xf32, #tpu.memory_space<vmem>>
    tpu.enqueue_dma source(%dma_start3A_1167 : memref<20x1000xf32, #tpu.memory_space<vmem>>) target(%dma_start3A_1164 : memref<20x1000xf32, #tpu.memory_space<hbm>>) target_semaphore(%arg17 : memref<!tpu.dma_semaphore, #tpu.memory_space<semaphore_mem>>)
    %add3A_1168 = arith.constant 18 : i32
    %add3A_1169 = arith.addi %mul3A_4, %add3A_1168 : i32
    %add3A_1170 = arith.constant 1 : i32
    %add3A_1171 = arith.addi %add3A_1169, %add3A_1170 : i32
    %dma_start3A_1172 = arith.constant 20 : i32
    %dma_start3A_1173 = arith.constant 0 : i32
    %dma_start3A_1174 = tpu.memref_slice %arg12[%dma_start3A_1172, %dma_start3A_1173] : memref<40x1000xf32, #tpu.memory_space<vmem>> -> memref<20x1000xf32, #tpu.memory_space<vmem>>
    %dma_start3A_1175 = arith.constant 0 : i32
    %dma_start3A_1176 = arith.constant 0 : i32
    %dma_start3A_1177 = tpu.memref_slice %arg6[%add3A_1171, %dma_start3A_1175, %dma_start3A_1176] : memref<1024x20x1000xf32, #tpu.memory_space<hbm>> -> memref<1x20x1000xf32, #tpu.memory_space<hbm>>
    %dma_start3A_1178 = tpu.memref_squeeze %dma_start3A_1177 : memref<1x20x1000xf32, #tpu.memory_space<hbm>> -> memref<20x1000xf32, #tpu.memory_space<hbm>>
    %dma_start3A_1179 = arith.constant 0 : i32
    %dma_start3A_1180 = arith.constant 0 : i32
    %dma_start3A_1181 = tpu.memref_slice %arg6[%add3A_1171, %dma_start3A_1179, %dma_start3A_1180] : memref<1024x20x1000xf32, #tpu.memory_space<hbm>> -> memref<1x20x1000xf32, #tpu.memory_space<hbm>>
    %dma_start3A_1182 = tpu.memref_squeeze %dma_start3A_1181 : memref<1x20x1000xf32, #tpu.memory_space<hbm>> -> memref<20x1000xf32, #tpu.memory_space<hbm>>
    %dma_start3A_1183 = arith.constant 20 : i32
    %dma_start3A_1184 = arith.constant 0 : i32
    %dma_start3A_1185 = tpu.memref_slice %arg12[%dma_start3A_1183, %dma_start3A_1184] : memref<40x1000xf32, #tpu.memory_space<vmem>> -> memref<20x1000xf32, #tpu.memory_space<vmem>>
    tpu.enqueue_dma source(%dma_start3A_1185 : memref<20x1000xf32, #tpu.memory_space<vmem>>) target(%dma_start3A_1182 : memref<20x1000xf32, #tpu.memory_space<hbm>>) target_semaphore(%arg17 : memref<!tpu.dma_semaphore, #tpu.memory_space<semaphore_mem>>)
    %get3A_1186 = arith.constant 360 : index
    %get3A_1187 = tpu.vector_load %arg8[%get3A_1186] {strides = array<i32>} : memref<656xi32, #tpu.memory_space<vmem>>, vector<16xi32>,
    %get3A_1188 = arith.constant 360 : index
    %get3A_1189 = tpu.vector_load %arg9[%get3A_1188] {strides = array<i32>} : memref<656xi32, #tpu.memory_space<vmem>>, vector<16xi32>,
    %add3A_1190 = arith.constant 0 : i32
    %add3A_1191 = vector.broadcast %add3A_1190 : i32 to vector<16xi32>
    %add3A_1192 = arith.addi %iota3A, %add3A_1191 : vector<16xi32>
    %gather3A_1193 = tpu.vector_load_idx %arg12[%add3A_1192, %get3A_1189] : memref<40x1000xf32, #tpu.memory_space<vmem>>[vector<16xi32>, vector<16xi32>], vector<16xf32>,
    %gather3A_1194 = tpu.vector_load_idx %arg10[%get3A_1187] : memref<1000xf32, #tpu.memory_space<vmem>>[vector<16xi32>], vector<16xf32>,
    %sub3A_1195 = arith.subf %gather3A_1194, %gather3A_1193 : vector<16xf32>
    %add3A_1196 = arith.addf %add3A_1113, %sub3A_1195 : vector<16xf32>
    %get3A_1197 = arith.constant 376 : index
    %get3A_1198 = tpu.vector_load %arg8[%get3A_1197] {strides = array<i32>} : memref<656xi32, #tpu.memory_space<vmem>>, vector<16xi32>,
    %get3A_1199 = arith.constant 376 : index
    %get3A_1200 = tpu.vector_load %arg9[%get3A_1199] {strides = array<i32>} : memref<656xi32, #tpu.memory_space<vmem>>, vector<16xi32>,
    %add3A_1201 = arith.constant 16 : i32
    %add3A_1202 = vector.broadcast %add3A_1201 : i32 to vector<16xi32>
    %add3A_1203 = arith.addi %iota3A, %add3A_1202 : vector<16xi32>
    %gather3A_1204 = tpu.vector_load_idx %arg12[%add3A_1203, %get3A_1200] : memref<40x1000xf32, #tpu.memory_space<vmem>>[vector<16xi32>, vector<16xi32>], vector<16xf32>,
    %gather3A_1205 = tpu.vector_load_idx %arg10[%get3A_1198] : memref<1000xf32, #tpu.memory_space<vmem>>[vector<16xi32>], vector<16xf32>,
    %sub3A_1206 = arith.subf %gather3A_1205, %gather3A_1204 : vector<16xf32>
    %add3A_1207 = arith.addf %add3A_1196, %sub3A_1206 : vector<16xf32>
    %get3A_1208 = arith.constant 392 : index
    %get3A_1209 = tpu.vector_load %arg8[%get3A_1208] {strides = array<i32>} : memref<656xi32, #tpu.memory_space<vmem>>, vector<16xi32>,
    %get3A_1210 = arith.constant 392 : index
    %get3A_1211 = tpu.vector_load %arg9[%get3A_1210] {strides = array<i32>} : memref<656xi32, #tpu.memory_space<vmem>>, vector<16xi32>,
    %add3A_1212 = arith.constant 32 : i32
    %add3A_1213 = vector.broadcast %add3A_1212 : i32 to vector<16xi32>
    %add3A_1214 = arith.addi %iota3A, %add3A_1213 : vector<16xi32>
    %min3A_1215 = arith.constant 39 : i32
    %min3A_1216 = vector.broadcast %min3A_1215 : i32 to vector<16xi32>
    %min3A_1217 = arith.minsi %add3A_1214, %min3A_1216 : vector<16xi32>
    %jit3A_1218 = arith.constant 0 : i32
    %jit3A_1219 = arith.constant 999 : i32
    %max3A_1220 = vector.broadcast %jit3A_1218 : i32 to vector<16xi32>
    %max3A_1221 = arith.maxsi %max3A_1220, %get3A_1209 : vector<16xi32>
    %min3A_1222 = vector.broadcast %jit3A_1219 : i32 to vector<16xi32>
    %min3A_1223 = arith.minsi %min3A_1222, %max3A_1221 : vector<16xi32>
    %jit3A_1224 = arith.constant 0 : i32
    %jit3A_1225 = arith.constant 999 : i32
    %max3A_1226 = vector.broadcast %jit3A_1224 : i32 to vector<16xi32>
    %max3A_1227 = arith.maxsi %max3A_1226, %get3A_1211 : vector<16xi32>
    %min3A_1228 = vector.broadcast %jit3A_1225 : i32 to vector<16xi32>
    %min3A_1229 = arith.minsi %min3A_1228, %max3A_1227 : vector<16xi32>
    %gather3A_1230 = tpu.vector_load_idx %arg12[%min3A_1217, %min3A_1229] : memref<40x1000xf32, #tpu.memory_space<vmem>>[vector<16xi32>, vector<16xi32>], vector<16xf32>,
    %gather3A_1231 = tpu.vector_load_idx %arg10[%min3A_1223] : memref<1000xf32, #tpu.memory_space<vmem>>[vector<16xi32>], vector<16xf32>,
    %sub3A_1232 = arith.subf %gather3A_1231, %gather3A_1230 : vector<16xf32>
    %lt3A_1233 = arith.constant 8 : i32
    %lt3A_1234 = vector.broadcast %lt3A_1233 : i32 to vector<16xi32>
    %lt3A_1235 = arith.cmpi slt, %iota3A, %lt3A_1234 : vector<16xi32>
    %jit3A_1236 = arith.constant 0.000000e+00 : f32
    %broadcast_in_dim3A_1237 = vector.broadcast %jit3A_1236 : f32 to vector<16xf32>
    %select_n3A_1238 = arith.select %lt3A_1235, %sub3A_1232, %broadcast_in_dim3A_1237 : vector<16xi1>, vector<16xf32>
    %add3A_1239 = arith.addf %add3A_1207, %select_n3A_1238 : vector<16xf32>
    %dma_wait3A_1240 = arith.constant 0 : i32
    %dma_wait3A_1241 = arith.constant 0 : i32
    %dma_wait3A_1242 = tpu.memref_slice %arg12[%dma_wait3A_1240, %dma_wait3A_1241] : memref<40x1000xf32, #tpu.memory_space<vmem>> -> memref<20x1000xf32, #tpu.memory_space<vmem>>
    %dma_wait3A_1243 = arith.constant 0 : i32
    %dma_wait3A_1244 = arith.constant 0 : i32
    %dma_wait3A_1245 = tpu.memref_slice %arg6[%add3A_1153, %dma_wait3A_1243, %dma_wait3A_1244] : memref<1024x20x1000xf32, #tpu.memory_space<hbm>> -> memref<1x20x1000xf32, #tpu.memory_space<hbm>>
    %dma_wait3A_1246 = tpu.memref_squeeze %dma_wait3A_1245 : memref<1x20x1000xf32, #tpu.memory_space<hbm>> -> memref<20x1000xf32, #tpu.memory_space<hbm>>
    %dma_wait3A_1247 = arith.constant 0 : i32
    %dma_wait3A_1248 = arith.constant 0 : i32
    %dma_wait3A_1249 = tpu.memref_slice %arg6[%add3A_1153, %dma_wait3A_1247, %dma_wait3A_1248] : memref<1024x20x1000xf32, #tpu.memory_space<hbm>> -> memref<1x20x1000xf32, #tpu.memory_space<hbm>>
    %dma_wait3A_1250 = tpu.memref_squeeze %dma_wait3A_1249 : memref<1x20x1000xf32, #tpu.memory_space<hbm>> -> memref<20x1000xf32, #tpu.memory_space<hbm>>
    %dma_wait3A_1251 = arith.constant 0 : i32
    %dma_wait3A_1252 = arith.constant 0 : i32
    %dma_wait3A_1253 = tpu.memref_slice %arg12[%dma_wait3A_1251, %dma_wait3A_1252] : memref<40x1000xf32, #tpu.memory_space<vmem>> -> memref<20x1000xf32, #tpu.memory_space<vmem>>
    tpu.wait_dma2 semaphore(%arg17 : memref<!tpu.dma_semaphore, #tpu.memory_space<semaphore_mem>>) src(%dma_wait3A_1253 : memref<20x1000xf32, #tpu.memory_space<vmem>>) dst(%dma_wait3A_1250 : memref<20x1000xf32, #tpu.memory_space<hbm>>)
    %dma_wait3A_1254 = arith.constant 20 : i32
    %dma_wait3A_1255 = arith.constant 0 : i32
    %dma_wait3A_1256 = tpu.memref_slice %arg12[%dma_wait3A_1254, %dma_wait3A_1255] : memref<40x1000xf32, #tpu.memory_space<vmem>> -> memref<20x1000xf32, #tpu.memory_space<vmem>>
    %dma_wait3A_1257 = arith.constant 0 : i32
    %dma_wait3A_1258 = arith.constant 0 : i32
    %dma_wait3A_1259 = tpu.memref_slice %arg6[%add3A_1171, %dma_wait3A_1257, %dma_wait3A_1258] : memref<1024x20x1000xf32, #tpu.memory_space<hbm>> -> memref<1x20x1000xf32, #tpu.memory_space<hbm>>
    %dma_wait3A_1260 = tpu.memref_squeeze %dma_wait3A_1259 : memref<1x20x1000xf32, #tpu.memory_space<hbm>> -> memref<20x1000xf32, #tpu.memory_space<hbm>>
    %dma_wait3A_1261 = arith.constant 0 : i32
    %dma_wait3A_1262 = arith.constant 0 : i32
    %dma_wait3A_1263 = tpu.memref_slice %arg6[%add3A_1171, %dma_wait3A_1261, %dma_wait3A_1262] : memref<1024x20x1000xf32, #tpu.memory_space<hbm>> -> memref<1x20x1000xf32, #tpu.memory_space<hbm>>
    %dma_wait3A_1264 = tpu.memref_squeeze %dma_wait3A_1263 : memref<1x20x1000xf32, #tpu.memory_space<hbm>> -> memref<20x1000xf32, #tpu.memory_space<hbm>>
    %dma_wait3A_1265 = arith.constant 20 : i32
    %dma_wait3A_1266 = arith.constant 0 : i32
    %dma_wait3A_1267 = tpu.memref_slice %arg12[%dma_wait3A_1265, %dma_wait3A_1266] : memref<40x1000xf32, #tpu.memory_space<vmem>> -> memref<20x1000xf32, #tpu.memory_space<vmem>>
    tpu.wait_dma2 semaphore(%arg17 : memref<!tpu.dma_semaphore, #tpu.memory_space<semaphore_mem>>) src(%dma_wait3A_1267 : memref<20x1000xf32, #tpu.memory_space<vmem>>) dst(%dma_wait3A_1264 : memref<20x1000xf32, #tpu.memory_space<hbm>>)
    %dma_start3A_1268 = arith.constant 440 : i32
    %dma_start3A_1269 = tpu.memref_slice %arg8[%dma_start3A_1268] : memref<656xi32, #tpu.memory_space<vmem>> -> memref<40xi32, #tpu.memory_space<vmem>>
    %dma_start3A_1270 = arith.constant 0 : i32
    %dma_start3A_1271 = arith.constant 0 : i32
    %dma_start3A_1272 = tpu.memref_slice %arg2[%dma_start3A_1270, %dma_start3A_1271] : memref<1000x1000xf32, #tpu.memory_space<hbm>> -> memref<1000x1000xf32, #tpu.memory_space<hbm>>
    tpu.enqueue_indirect_dma source(%dma_start3A_1272 : memref<1000x1000xf32, #tpu.memory_space<hbm>>) target(%arg12 : memref<40x1000xf32, #tpu.memory_space<vmem>>) offsets(%dma_start3A_1269 : memref<40xi32, #tpu.memory_space<vmem>>) semaphore(%arg15 : memref<!tpu.dma_semaphore, #tpu.memory_space<semaphore_mem>>)
    %dma_wait3A_1273 = arith.constant 400 : i32
    %dma_wait3A_1274 = tpu.memref_slice %arg8[%dma_wait3A_1273] : memref<656xi32, #tpu.memory_space<vmem>> -> memref<40xi32, #tpu.memory_space<vmem>>
    %dma_wait3A_1275 = arith.constant 0 : i32
    %dma_wait3A_1276 = arith.constant 0 : i32
    %dma_wait3A_1277 = tpu.memref_slice %arg2[%dma_wait3A_1275, %dma_wait3A_1276] : memref<1000x1000xf32, #tpu.memory_space<hbm>> -> memref<1000x1000xf32, #tpu.memory_space<hbm>>
    tpu.wait_indirect_dma semaphore(%arg14 : memref<!tpu.dma_semaphore, #tpu.memory_space<semaphore_mem>>) src(%dma_wait3A_1277 : memref<1000x1000xf32, #tpu.memory_space<hbm>>) dst(%arg11 : memref<40x1000xf32, #tpu.memory_space<vmem>>)
    %add3A_1278 = arith.constant 20 : i32
    %add3A_1279 = arith.addi %mul3A_4, %add3A_1278 : i32
    %dma_start3A_1280 = arith.constant 0 : i32
    %dma_start3A_1281 = arith.constant 0 : i32
    %dma_start3A_1282 = tpu.memref_slice %arg11[%dma_start3A_1280, %dma_start3A_1281] : memref<40x1000xf32, #tpu.memory_space<vmem>> -> memref<20x1000xf32, #tpu.memory_space<vmem>>
    %dma_start3A_1283 = arith.constant 0 : i32
    %dma_start3A_1284 = arith.constant 0 : i32
    %dma_start3A_1285 = tpu.memref_slice %arg6[%add3A_1279, %dma_start3A_1283, %dma_start3A_1284] : memref<1024x20x1000xf32, #tpu.memory_space<hbm>> -> memref<1x20x1000xf32, #tpu.memory_space<hbm>>
    %dma_start3A_1286 = tpu.memref_squeeze %dma_start3A_1285 : memref<1x20x1000xf32, #tpu.memory_space<hbm>> -> memref<20x1000xf32, #tpu.memory_space<hbm>>
    %dma_start3A_1287 = arith.constant 0 : i32
    %dma_start3A_1288 = arith.constant 0 : i32
    %dma_start3A_1289 = tpu.memref_slice %arg6[%add3A_1279, %dma_start3A_1287, %dma_start3A_1288] : memref<1024x20x1000xf32, #tpu.memory_space<hbm>> -> memref<1x20x1000xf32, #tpu.memory_space<hbm>>
    %dma_start3A_1290 = tpu.memref_squeeze %dma_start3A_1289 : memref<1x20x1000xf32, #tpu.memory_space<hbm>> -> memref<20x1000xf32, #tpu.memory_space<hbm>>
    %dma_start3A_1291 = arith.constant 0 : i32
    %dma_start3A_1292 = arith.constant 0 : i32
    %dma_start3A_1293 = tpu.memref_slice %arg11[%dma_start3A_1291, %dma_start3A_1292] : memref<40x1000xf32, #tpu.memory_space<vmem>> -> memref<20x1000xf32, #tpu.memory_space<vmem>>
    tpu.enqueue_dma source(%dma_start3A_1293 : memref<20x1000xf32, #tpu.memory_space<vmem>>) target(%dma_start3A_1290 : memref<20x1000xf32, #tpu.memory_space<hbm>>) target_semaphore(%arg16 : memref<!tpu.dma_semaphore, #tpu.memory_space<semaphore_mem>>)
    %add3A_1294 = arith.constant 20 : i32
    %add3A_1295 = arith.addi %mul3A_4, %add3A_1294 : i32
    %add3A_1296 = arith.constant 1 : i32
    %add3A_1297 = arith.addi %add3A_1295, %add3A_1296 : i32
    %dma_start3A_1298 = arith.constant 20 : i32
    %dma_start3A_1299 = arith.constant 0 : i32
    %dma_start3A_1300 = tpu.memref_slice %arg11[%dma_start3A_1298, %dma_start3A_1299] : memref<40x1000xf32, #tpu.memory_space<vmem>> -> memref<20x1000xf32, #tpu.memory_space<vmem>>
    %dma_start3A_1301 = arith.constant 0 : i32
    %dma_start3A_1302 = arith.constant 0 : i32
    %dma_start3A_1303 = tpu.memref_slice %arg6[%add3A_1297, %dma_start3A_1301, %dma_start3A_1302] : memref<1024x20x1000xf32, #tpu.memory_space<hbm>> -> memref<1x20x1000xf32, #tpu.memory_space<hbm>>
    %dma_start3A_1304 = tpu.memref_squeeze %dma_start3A_1303 : memref<1x20x1000xf32, #tpu.memory_space<hbm>> -> memref<20x1000xf32, #tpu.memory_space<hbm>>
    %dma_start3A_1305 = arith.constant 0 : i32
    %dma_start3A_1306 = arith.constant 0 : i32
    %dma_start3A_1307 = tpu.memref_slice %arg6[%add3A_1297, %dma_start3A_1305, %dma_start3A_1306] : memref<1024x20x1000xf32, #tpu.memory_space<hbm>> -> memref<1x20x1000xf32, #tpu.memory_space<hbm>>
    %dma_start3A_1308 = tpu.memref_squeeze %dma_start3A_1307 : memref<1x20x1000xf32, #tpu.memory_space<hbm>> -> memref<20x1000xf32, #tpu.memory_space<hbm>>
    %dma_start3A_1309 = arith.constant 20 : i32
    %dma_start3A_1310 = arith.constant 0 : i32
    %dma_start3A_1311 = tpu.memref_slice %arg11[%dma_start3A_1309, %dma_start3A_1310] : memref<40x1000xf32, #tpu.memory_space<vmem>> -> memref<20x1000xf32, #tpu.memory_space<vmem>>
    tpu.enqueue_dma source(%dma_start3A_1311 : memref<20x1000xf32, #tpu.memory_space<vmem>>) target(%dma_start3A_1308 : memref<20x1000xf32, #tpu.memory_space<hbm>>) target_semaphore(%arg16 : memref<!tpu.dma_semaphore, #tpu.memory_space<semaphore_mem>>)
    %get3A_1312 = arith.constant 400 : index
    %get3A_1313 = tpu.vector_load %arg8[%get3A_1312] {strides = array<i32>} : memref<656xi32, #tpu.memory_space<vmem>>, vector<16xi32>,
    %get3A_1314 = arith.constant 400 : index
    %get3A_1315 = tpu.vector_load %arg9[%get3A_1314] {strides = array<i32>} : memref<656xi32, #tpu.memory_space<vmem>>, vector<16xi32>,
    %add3A_1316 = arith.constant 0 : i32
    %add3A_1317 = vector.broadcast %add3A_1316 : i32 to vector<16xi32>
    %add3A_1318 = arith.addi %iota3A, %add3A_1317 : vector<16xi32>
    %gather3A_1319 = tpu.vector_load_idx %arg11[%add3A_1318, %get3A_1315] : memref<40x1000xf32, #tpu.memory_space<vmem>>[vector<16xi32>, vector<16xi32>], vector<16xf32>,
    %gather3A_1320 = tpu.vector_load_idx %arg10[%get3A_1313] : memref<1000xf32, #tpu.memory_space<vmem>>[vector<16xi32>], vector<16xf32>,
    %sub3A_1321 = arith.subf %gather3A_1320, %gather3A_1319 : vector<16xf32>
    %add3A_1322 = arith.addf %add3A_1239, %sub3A_1321 : vector<16xf32>
    %get3A_1323 = arith.constant 416 : index
    %get3A_1324 = tpu.vector_load %arg8[%get3A_1323] {strides = array<i32>} : memref<656xi32, #tpu.memory_space<vmem>>, vector<16xi32>,
    %get3A_1325 = arith.constant 416 : index
    %get3A_1326 = tpu.vector_load %arg9[%get3A_1325] {strides = array<i32>} : memref<656xi32, #tpu.memory_space<vmem>>, vector<16xi32>,
    %add3A_1327 = arith.constant 16 : i32
    %add3A_1328 = vector.broadcast %add3A_1327 : i32 to vector<16xi32>
    %add3A_1329 = arith.addi %iota3A, %add3A_1328 : vector<16xi32>
    %gather3A_1330 = tpu.vector_load_idx %arg11[%add3A_1329, %get3A_1326] : memref<40x1000xf32, #tpu.memory_space<vmem>>[vector<16xi32>, vector<16xi32>], vector<16xf32>,
    %gather3A_1331 = tpu.vector_load_idx %arg10[%get3A_1324] : memref<1000xf32, #tpu.memory_space<vmem>>[vector<16xi32>], vector<16xf32>,
    %sub3A_1332 = arith.subf %gather3A_1331, %gather3A_1330 : vector<16xf32>
    %add3A_1333 = arith.addf %add3A_1322, %sub3A_1332 : vector<16xf32>
    %get3A_1334 = arith.constant 432 : index
    %get3A_1335 = tpu.vector_load %arg8[%get3A_1334] {strides = array<i32>} : memref<656xi32, #tpu.memory_space<vmem>>, vector<16xi32>,
    %get3A_1336 = arith.constant 432 : index
    %get3A_1337 = tpu.vector_load %arg9[%get3A_1336] {strides = array<i32>} : memref<656xi32, #tpu.memory_space<vmem>>, vector<16xi32>,
    %add3A_1338 = arith.constant 32 : i32
    %add3A_1339 = vector.broadcast %add3A_1338 : i32 to vector<16xi32>
    %add3A_1340 = arith.addi %iota3A, %add3A_1339 : vector<16xi32>
    %min3A_1341 = arith.constant 39 : i32
    %min3A_1342 = vector.broadcast %min3A_1341 : i32 to vector<16xi32>
    %min3A_1343 = arith.minsi %add3A_1340, %min3A_1342 : vector<16xi32>
    %jit3A_1344 = arith.constant 0 : i32
    %jit3A_1345 = arith.constant 999 : i32
    %max3A_1346 = vector.broadcast %jit3A_1344 : i32 to vector<16xi32>
    %max3A_1347 = arith.maxsi %max3A_1346, %get3A_1335 : vector<16xi32>
    %min3A_1348 = vector.broadcast %jit3A_1345 : i32 to vector<16xi32>
    %min3A_1349 = arith.minsi %min3A_1348, %max3A_1347 : vector<16xi32>
    %jit3A_1350 = arith.constant 0 : i32
    %jit3A_1351 = arith.constant 999 : i32
    %max3A_1352 = vector.broadcast %jit3A_1350 : i32 to vector<16xi32>
    %max3A_1353 = arith.maxsi %max3A_1352, %get3A_1337 : vector<16xi32>
    %min3A_1354 = vector.broadcast %jit3A_1351 : i32 to vector<16xi32>
    %min3A_1355 = arith.minsi %min3A_1354, %max3A_1353 : vector<16xi32>
    %gather3A_1356 = tpu.vector_load_idx %arg11[%min3A_1343, %min3A_1355] : memref<40x1000xf32, #tpu.memory_space<vmem>>[vector<16xi32>, vector<16xi32>], vector<16xf32>,
    %gather3A_1357 = tpu.vector_load_idx %arg10[%min3A_1349] : memref<1000xf32, #tpu.memory_space<vmem>>[vector<16xi32>], vector<16xf32>,
    %sub3A_1358 = arith.subf %gather3A_1357, %gather3A_1356 : vector<16xf32>
    %lt3A_1359 = arith.constant 8 : i32
    %lt3A_1360 = vector.broadcast %lt3A_1359 : i32 to vector<16xi32>
    %lt3A_1361 = arith.cmpi slt, %iota3A, %lt3A_1360 : vector<16xi32>
    %jit3A_1362 = arith.constant 0.000000e+00 : f32
    %broadcast_in_dim3A_1363 = vector.broadcast %jit3A_1362 : f32 to vector<16xf32>
    %select_n3A_1364 = arith.select %lt3A_1361, %sub3A_1358, %broadcast_in_dim3A_1363 : vector<16xi1>, vector<16xf32>
    %add3A_1365 = arith.addf %add3A_1333, %select_n3A_1364 : vector<16xf32>
    %dma_wait3A_1366 = arith.constant 0 : i32
    %dma_wait3A_1367 = arith.constant 0 : i32
    %dma_wait3A_1368 = tpu.memref_slice %arg11[%dma_wait3A_1366, %dma_wait3A_1367] : memref<40x1000xf32, #tpu.memory_space<vmem>> -> memref<20x1000xf32, #tpu.memory_space<vmem>>
    %dma_wait3A_1369 = arith.constant 0 : i32
    %dma_wait3A_1370 = arith.constant 0 : i32
    %dma_wait3A_1371 = tpu.memref_slice %arg6[%add3A_1279, %dma_wait3A_1369, %dma_wait3A_1370] : memref<1024x20x1000xf32, #tpu.memory_space<hbm>> -> memref<1x20x1000xf32, #tpu.memory_space<hbm>>
    %dma_wait3A_1372 = tpu.memref_squeeze %dma_wait3A_1371 : memref<1x20x1000xf32, #tpu.memory_space<hbm>> -> memref<20x1000xf32, #tpu.memory_space<hbm>>
    %dma_wait3A_1373 = arith.constant 0 : i32
    %dma_wait3A_1374 = arith.constant 0 : i32
    %dma_wait3A_1375 = tpu.memref_slice %arg6[%add3A_1279, %dma_wait3A_1373, %dma_wait3A_1374] : memref<1024x20x1000xf32, #tpu.memory_space<hbm>> -> memref<1x20x1000xf32, #tpu.memory_space<hbm>>
    %dma_wait3A_1376 = tpu.memref_squeeze %dma_wait3A_1375 : memref<1x20x1000xf32, #tpu.memory_space<hbm>> -> memref<20x1000xf32, #tpu.memory_space<hbm>>
    %dma_wait3A_1377 = arith.constant 0 : i32
    %dma_wait3A_1378 = arith.constant 0 : i32
    %dma_wait3A_1379 = tpu.memref_slice %arg11[%dma_wait3A_1377, %dma_wait3A_1378] : memref<40x1000xf32, #tpu.memory_space<vmem>> -> memref<20x1000xf32, #tpu.memory_space<vmem>>
    tpu.wait_dma2 semaphore(%arg16 : memref<!tpu.dma_semaphore, #tpu.memory_space<semaphore_mem>>) src(%dma_wait3A_1379 : memref<20x1000xf32, #tpu.memory_space<vmem>>) dst(%dma_wait3A_1376 : memref<20x1000xf32, #tpu.memory_space<hbm>>)
    %dma_wait3A_1380 = arith.constant 20 : i32
    %dma_wait3A_1381 = arith.constant 0 : i32
    %dma_wait3A_1382 = tpu.memref_slice %arg11[%dma_wait3A_1380, %dma_wait3A_1381] : memref<40x1000xf32, #tpu.memory_space<vmem>> -> memref<20x1000xf32, #tpu.memory_space<vmem>>
    %dma_wait3A_1383 = arith.constant 0 : i32
    %dma_wait3A_1384 = arith.constant 0 : i32
    %dma_wait3A_1385 = tpu.memref_slice %arg6[%add3A_1297, %dma_wait3A_1383, %dma_wait3A_1384] : memref<1024x20x1000xf32, #tpu.memory_space<hbm>> -> memref<1x20x1000xf32, #tpu.memory_space<hbm>>
    %dma_wait3A_1386 = tpu.memref_squeeze %dma_wait3A_1385 : memref<1x20x1000xf32, #tpu.memory_space<hbm>> -> memref<20x1000xf32, #tpu.memory_space<hbm>>
    %dma_wait3A_1387 = arith.constant 0 : i32
    %dma_wait3A_1388 = arith.constant 0 : i32
    %dma_wait3A_1389 = tpu.memref_slice %arg6[%add3A_1297, %dma_wait3A_1387, %dma_wait3A_1388] : memref<1024x20x1000xf32, #tpu.memory_space<hbm>> -> memref<1x20x1000xf32, #tpu.memory_space<hbm>>
    %dma_wait3A_1390 = tpu.memref_squeeze %dma_wait3A_1389 : memref<1x20x1000xf32, #tpu.memory_space<hbm>> -> memref<20x1000xf32, #tpu.memory_space<hbm>>
    %dma_wait3A_1391 = arith.constant 20 : i32
    %dma_wait3A_1392 = arith.constant 0 : i32
    %dma_wait3A_1393 = tpu.memref_slice %arg11[%dma_wait3A_1391, %dma_wait3A_1392] : memref<40x1000xf32, #tpu.memory_space<vmem>> -> memref<20x1000xf32, #tpu.memory_space<vmem>>
    tpu.wait_dma2 semaphore(%arg16 : memref<!tpu.dma_semaphore, #tpu.memory_space<semaphore_mem>>) src(%dma_wait3A_1393 : memref<20x1000xf32, #tpu.memory_space<vmem>>) dst(%dma_wait3A_1390 : memref<20x1000xf32, #tpu.memory_space<hbm>>)
    %dma_start3A_1394 = arith.constant 480 : i32
    %dma_start3A_1395 = tpu.memref_slice %arg8[%dma_start3A_1394] : memref<656xi32, #tpu.memory_space<vmem>> -> memref<40xi32, #tpu.memory_space<vmem>>
    %dma_start3A_1396 = arith.constant 0 : i32
    %dma_start3A_1397 = arith.constant 0 : i32
    %dma_start3A_1398 = tpu.memref_slice %arg2[%dma_start3A_1396, %dma_start3A_1397] : memref<1000x1000xf32, #tpu.memory_space<hbm>> -> memref<1000x1000xf32, #tpu.memory_space<hbm>>
    tpu.enqueue_indirect_dma source(%dma_start3A_1398 : memref<1000x1000xf32, #tpu.memory_space<hbm>>) target(%arg11 : memref<40x1000xf32, #tpu.memory_space<vmem>>) offsets(%dma_start3A_1395 : memref<40xi32, #tpu.memory_space<vmem>>) semaphore(%arg14 : memref<!tpu.dma_semaphore, #tpu.memory_space<semaphore_mem>>)
    %dma_wait3A_1399 = arith.constant 440 : i32
    %dma_wait3A_1400 = tpu.memref_slice %arg8[%dma_wait3A_1399] : memref<656xi32, #tpu.memory_space<vmem>> -> memref<40xi32, #tpu.memory_space<vmem>>
    %dma_wait3A_1401 = arith.constant 0 : i32
    %dma_wait3A_1402 = arith.constant 0 : i32
    %dma_wait3A_1403 = tpu.memref_slice %arg2[%dma_wait3A_1401, %dma_wait3A_1402] : memref<1000x1000xf32, #tpu.memory_space<hbm>> -> memref<1000x1000xf32, #tpu.memory_space<hbm>>
    tpu.wait_indirect_dma semaphore(%arg15 : memref<!tpu.dma_semaphore, #tpu.memory_space<semaphore_mem>>) src(%dma_wait3A_1403 : memref<1000x1000xf32, #tpu.memory_space<hbm>>) dst(%arg12 : memref<40x1000xf32, #tpu.memory_space<vmem>>)
    %add3A_1404 = arith.constant 22 : i32
    %add3A_1405 = arith.addi %mul3A_4, %add3A_1404 : i32
    %dma_start3A_1406 = arith.constant 0 : i32
    %dma_start3A_1407 = arith.constant 0 : i32
    %dma_start3A_1408 = tpu.memref_slice %arg12[%dma_start3A_1406, %dma_start3A_1407] : memref<40x1000xf32, #tpu.memory_space<vmem>> -> memref<20x1000xf32, #tpu.memory_space<vmem>>
    %dma_start3A_1409 = arith.constant 0 : i32
    %dma_start3A_1410 = arith.constant 0 : i32
    %dma_start3A_1411 = tpu.memref_slice %arg6[%add3A_1405, %dma_start3A_1409, %dma_start3A_1410] : memref<1024x20x1000xf32, #tpu.memory_space<hbm>> -> memref<1x20x1000xf32, #tpu.memory_space<hbm>>
    %dma_start3A_1412 = tpu.memref_squeeze %dma_start3A_1411 : memref<1x20x1000xf32, #tpu.memory_space<hbm>> -> memref<20x1000xf32, #tpu.memory_space<hbm>>
    %dma_start3A_1413 = arith.constant 0 : i32
    %dma_start3A_1414 = arith.constant 0 : i32
    %dma_start3A_1415 = tpu.memref_slice %arg6[%add3A_1405, %dma_start3A_1413, %dma_start3A_1414] : memref<1024x20x1000xf32, #tpu.memory_space<hbm>> -> memref<1x20x1000xf32, #tpu.memory_space<hbm>>
    %dma_start3A_1416 = tpu.memref_squeeze %dma_start3A_1415 : memref<1x20x1000xf32, #tpu.memory_space<hbm>> -> memref<20x1000xf32, #tpu.memory_space<hbm>>
    %dma_start3A_1417 = arith.constant 0 : i32
    %dma_start3A_1418 = arith.constant 0 : i32
    %dma_start3A_1419 = tpu.memref_slice %arg12[%dma_start3A_1417, %dma_start3A_1418] : memref<40x1000xf32, #tpu.memory_space<vmem>> -> memref<20x1000xf32, #tpu.memory_space<vmem>>
    tpu.enqueue_dma source(%dma_start3A_1419 : memref<20x1000xf32, #tpu.memory_space<vmem>>) target(%dma_start3A_1416 : memref<20x1000xf32, #tpu.memory_space<hbm>>) target_semaphore(%arg17 : memref<!tpu.dma_semaphore, #tpu.memory_space<semaphore_mem>>)
    %add3A_1420 = arith.constant 22 : i32
    %add3A_1421 = arith.addi %mul3A_4, %add3A_1420 : i32
    %add3A_1422 = arith.constant 1 : i32
    %add3A_1423 = arith.addi %add3A_1421, %add3A_1422 : i32
    %dma_start3A_1424 = arith.constant 20 : i32
    %dma_start3A_1425 = arith.constant 0 : i32
    %dma_start3A_1426 = tpu.memref_slice %arg12[%dma_start3A_1424, %dma_start3A_1425] : memref<40x1000xf32, #tpu.memory_space<vmem>> -> memref<20x1000xf32, #tpu.memory_space<vmem>>
    %dma_start3A_1427 = arith.constant 0 : i32
    %dma_start3A_1428 = arith.constant 0 : i32
    %dma_start3A_1429 = tpu.memref_slice %arg6[%add3A_1423, %dma_start3A_1427, %dma_start3A_1428] : memref<1024x20x1000xf32, #tpu.memory_space<hbm>> -> memref<1x20x1000xf32, #tpu.memory_space<hbm>>
    %dma_start3A_1430 = tpu.memref_squeeze %dma_start3A_1429 : memref<1x20x1000xf32, #tpu.memory_space<hbm>> -> memref<20x1000xf32, #tpu.memory_space<hbm>>
    %dma_start3A_1431 = arith.constant 0 : i32
    %dma_start3A_1432 = arith.constant 0 : i32
    %dma_start3A_1433 = tpu.memref_slice %arg6[%add3A_1423, %dma_start3A_1431, %dma_start3A_1432] : memref<1024x20x1000xf32, #tpu.memory_space<hbm>> -> memref<1x20x1000xf32, #tpu.memory_space<hbm>>
    %dma_start3A_1434 = tpu.memref_squeeze %dma_start3A_1433 : memref<1x20x1000xf32, #tpu.memory_space<hbm>> -> memref<20x1000xf32, #tpu.memory_space<hbm>>
    %dma_start3A_1435 = arith.constant 20 : i32
    %dma_start3A_1436 = arith.constant 0 : i32
    %dma_start3A_1437 = tpu.memref_slice %arg12[%dma_start3A_1435, %dma_start3A_1436] : memref<40x1000xf32, #tpu.memory_space<vmem>> -> memref<20x1000xf32, #tpu.memory_space<vmem>>
    tpu.enqueue_dma source(%dma_start3A_1437 : memref<20x1000xf32, #tpu.memory_space<vmem>>) target(%dma_start3A_1434 : memref<20x1000xf32, #tpu.memory_space<hbm>>) target_semaphore(%arg17 : memref<!tpu.dma_semaphore, #tpu.memory_space<semaphore_mem>>)
    %get3A_1438 = arith.constant 440 : index
    %get3A_1439 = tpu.vector_load %arg8[%get3A_1438] {strides = array<i32>} : memref<656xi32, #tpu.memory_space<vmem>>, vector<16xi32>,
    %get3A_1440 = arith.constant 440 : index
    %get3A_1441 = tpu.vector_load %arg9[%get3A_1440] {strides = array<i32>} : memref<656xi32, #tpu.memory_space<vmem>>, vector<16xi32>,
    %add3A_1442 = arith.constant 0 : i32
    %add3A_1443 = vector.broadcast %add3A_1442 : i32 to vector<16xi32>
    %add3A_1444 = arith.addi %iota3A, %add3A_1443 : vector<16xi32>
    %gather3A_1445 = tpu.vector_load_idx %arg12[%add3A_1444, %get3A_1441] : memref<40x1000xf32, #tpu.memory_space<vmem>>[vector<16xi32>, vector<16xi32>], vector<16xf32>,
    %gather3A_1446 = tpu.vector_load_idx %arg10[%get3A_1439] : memref<1000xf32, #tpu.memory_space<vmem>>[vector<16xi32>], vector<16xf32>,
    %sub3A_1447 = arith.subf %gather3A_1446, %gather3A_1445 : vector<16xf32>
    %add3A_1448 = arith.addf %add3A_1365, %sub3A_1447 : vector<16xf32>
    %get3A_1449 = arith.constant 456 : index
    %get3A_1450 = tpu.vector_load %arg8[%get3A_1449] {strides = array<i32>} : memref<656xi32, #tpu.memory_space<vmem>>, vector<16xi32>,
    %get3A_1451 = arith.constant 456 : index
    %get3A_1452 = tpu.vector_load %arg9[%get3A_1451] {strides = array<i32>} : memref<656xi32, #tpu.memory_space<vmem>>, vector<16xi32>,
    %add3A_1453 = arith.constant 16 : i32
    %add3A_1454 = vector.broadcast %add3A_1453 : i32 to vector<16xi32>
    %add3A_1455 = arith.addi %iota3A, %add3A_1454 : vector<16xi32>
    %gather3A_1456 = tpu.vector_load_idx %arg12[%add3A_1455, %get3A_1452] : memref<40x1000xf32, #tpu.memory_space<vmem>>[vector<16xi32>, vector<16xi32>], vector<16xf32>,
    %gather3A_1457 = tpu.vector_load_idx %arg10[%get3A_1450] : memref<1000xf32, #tpu.memory_space<vmem>>[vector<16xi32>], vector<16xf32>,
    %sub3A_1458 = arith.subf %gather3A_1457, %gather3A_1456 : vector<16xf32>
    %add3A_1459 = arith.addf %add3A_1448, %sub3A_1458 : vector<16xf32>
    %get3A_1460 = arith.constant 472 : index
    %get3A_1461 = tpu.vector_load %arg8[%get3A_1460] {strides = array<i32>} : memref<656xi32, #tpu.memory_space<vmem>>, vector<16xi32>,
    %get3A_1462 = arith.constant 472 : index
    %get3A_1463 = tpu.vector_load %arg9[%get3A_1462] {strides = array<i32>} : memref<656xi32, #tpu.memory_space<vmem>>, vector<16xi32>,
    %add3A_1464 = arith.constant 32 : i32
    %add3A_1465 = vector.broadcast %add3A_1464 : i32 to vector<16xi32>
    %add3A_1466 = arith.addi %iota3A, %add3A_1465 : vector<16xi32>
    %min3A_1467 = arith.constant 39 : i32
    %min3A_1468 = vector.broadcast %min3A_1467 : i32 to vector<16xi32>
    %min3A_1469 = arith.minsi %add3A_1466, %min3A_1468 : vector<16xi32>
    %jit3A_1470 = arith.constant 0 : i32
    %jit3A_1471 = arith.constant 999 : i32
    %max3A_1472 = vector.broadcast %jit3A_1470 : i32 to vector<16xi32>
    %max3A_1473 = arith.maxsi %max3A_1472, %get3A_1461 : vector<16xi32>
    %min3A_1474 = vector.broadcast %jit3A_1471 : i32 to vector<16xi32>
    %min3A_1475 = arith.minsi %min3A_1474, %max3A_1473 : vector<16xi32>
    %jit3A_1476 = arith.constant 0 : i32
    %jit3A_1477 = arith.constant 999 : i32
    %max3A_1478 = vector.broadcast %jit3A_1476 : i32 to vector<16xi32>
    %max3A_1479 = arith.maxsi %max3A_1478, %get3A_1463 : vector<16xi32>
    %min3A_1480 = vector.broadcast %jit3A_1477 : i32 to vector<16xi32>
    %min3A_1481 = arith.minsi %min3A_1480, %max3A_1479 : vector<16xi32>
    %gather3A_1482 = tpu.vector_load_idx %arg12[%min3A_1469, %min3A_1481] : memref<40x1000xf32, #tpu.memory_space<vmem>>[vector<16xi32>, vector<16xi32>], vector<16xf32>,
    %gather3A_1483 = tpu.vector_load_idx %arg10[%min3A_1475] : memref<1000xf32, #tpu.memory_space<vmem>>[vector<16xi32>], vector<16xf32>,
    %sub3A_1484 = arith.subf %gather3A_1483, %gather3A_1482 : vector<16xf32>
    %lt3A_1485 = arith.constant 8 : i32
    %lt3A_1486 = vector.broadcast %lt3A_1485 : i32 to vector<16xi32>
    %lt3A_1487 = arith.cmpi slt, %iota3A, %lt3A_1486 : vector<16xi32>
    %jit3A_1488 = arith.constant 0.000000e+00 : f32
    %broadcast_in_dim3A_1489 = vector.broadcast %jit3A_1488 : f32 to vector<16xf32>
    %select_n3A_1490 = arith.select %lt3A_1487, %sub3A_1484, %broadcast_in_dim3A_1489 : vector<16xi1>, vector<16xf32>
    %add3A_1491 = arith.addf %add3A_1459, %select_n3A_1490 : vector<16xf32>
    %dma_wait3A_1492 = arith.constant 0 : i32
    %dma_wait3A_1493 = arith.constant 0 : i32
    %dma_wait3A_1494 = tpu.memref_slice %arg12[%dma_wait3A_1492, %dma_wait3A_1493] : memref<40x1000xf32, #tpu.memory_space<vmem>> -> memref<20x1000xf32, #tpu.memory_space<vmem>>
    %dma_wait3A_1495 = arith.constant 0 : i32
    %dma_wait3A_1496 = arith.constant 0 : i32
    %dma_wait3A_1497 = tpu.memref_slice %arg6[%add3A_1405, %dma_wait3A_1495, %dma_wait3A_1496] : memref<1024x20x1000xf32, #tpu.memory_space<hbm>> -> memref<1x20x1000xf32, #tpu.memory_space<hbm>>
    %dma_wait3A_1498 = tpu.memref_squeeze %dma_wait3A_1497 : memref<1x20x1000xf32, #tpu.memory_space<hbm>> -> memref<20x1000xf32, #tpu.memory_space<hbm>>
    %dma_wait3A_1499 = arith.constant 0 : i32
    %dma_wait3A_1500 = arith.constant 0 : i32
    %dma_wait3A_1501 = tpu.memref_slice %arg6[%add3A_1405, %dma_wait3A_1499, %dma_wait3A_1500] : memref<1024x20x1000xf32, #tpu.memory_space<hbm>> -> memref<1x20x1000xf32, #tpu.memory_space<hbm>>
    %dma_wait3A_1502 = tpu.memref_squeeze %dma_wait3A_1501 : memref<1x20x1000xf32, #tpu.memory_space<hbm>> -> memref<20x1000xf32, #tpu.memory_space<hbm>>
    %dma_wait3A_1503 = arith.constant 0 : i32
    %dma_wait3A_1504 = arith.constant 0 : i32
    %dma_wait3A_1505 = tpu.memref_slice %arg12[%dma_wait3A_1503, %dma_wait3A_1504] : memref<40x1000xf32, #tpu.memory_space<vmem>> -> memref<20x1000xf32, #tpu.memory_space<vmem>>
    tpu.wait_dma2 semaphore(%arg17 : memref<!tpu.dma_semaphore, #tpu.memory_space<semaphore_mem>>) src(%dma_wait3A_1505 : memref<20x1000xf32, #tpu.memory_space<vmem>>) dst(%dma_wait3A_1502 : memref<20x1000xf32, #tpu.memory_space<hbm>>)
    %dma_wait3A_1506 = arith.constant 20 : i32
    %dma_wait3A_1507 = arith.constant 0 : i32
    %dma_wait3A_1508 = tpu.memref_slice %arg12[%dma_wait3A_1506, %dma_wait3A_1507] : memref<40x1000xf32, #tpu.memory_space<vmem>> -> memref<20x1000xf32, #tpu.memory_space<vmem>>
    %dma_wait3A_1509 = arith.constant 0 : i32
    %dma_wait3A_1510 = arith.constant 0 : i32
    %dma_wait3A_1511 = tpu.memref_slice %arg6[%add3A_1423, %dma_wait3A_1509, %dma_wait3A_1510] : memref<1024x20x1000xf32, #tpu.memory_space<hbm>> -> memref<1x20x1000xf32, #tpu.memory_space<hbm>>
    %dma_wait3A_1512 = tpu.memref_squeeze %dma_wait3A_1511 : memref<1x20x1000xf32, #tpu.memory_space<hbm>> -> memref<20x1000xf32, #tpu.memory_space<hbm>>
    %dma_wait3A_1513 = arith.constant 0 : i32
    %dma_wait3A_1514 = arith.constant 0 : i32
    %dma_wait3A_1515 = tpu.memref_slice %arg6[%add3A_1423, %dma_wait3A_1513, %dma_wait3A_1514] : memref<1024x20x1000xf32, #tpu.memory_space<hbm>> -> memref<1x20x1000xf32, #tpu.memory_space<hbm>>
    %dma_wait3A_1516 = tpu.memref_squeeze %dma_wait3A_1515 : memref<1x20x1000xf32, #tpu.memory_space<hbm>> -> memref<20x1000xf32, #tpu.memory_space<hbm>>
    %dma_wait3A_1517 = arith.constant 20 : i32
    %dma_wait3A_1518 = arith.constant 0 : i32
    %dma_wait3A_1519 = tpu.memref_slice %arg12[%dma_wait3A_1517, %dma_wait3A_1518] : memref<40x1000xf32, #tpu.memory_space<vmem>> -> memref<20x1000xf32, #tpu.memory_space<vmem>>
    tpu.wait_dma2 semaphore(%arg17 : memref<!tpu.dma_semaphore, #tpu.memory_space<semaphore_mem>>) src(%dma_wait3A_1519 : memref<20x1000xf32, #tpu.memory_space<vmem>>) dst(%dma_wait3A_1516 : memref<20x1000xf32, #tpu.memory_space<hbm>>)
    %dma_start3A_1520 = arith.constant 520 : i32
    %dma_start3A_1521 = tpu.memref_slice %arg8[%dma_start3A_1520] : memref<656xi32, #tpu.memory_space<vmem>> -> memref<40xi32, #tpu.memory_space<vmem>>
    %dma_start3A_1522 = arith.constant 0 : i32
    %dma_start3A_1523 = arith.constant 0 : i32
    %dma_start3A_1524 = tpu.memref_slice %arg2[%dma_start3A_1522, %dma_start3A_1523] : memref<1000x1000xf32, #tpu.memory_space<hbm>> -> memref<1000x1000xf32, #tpu.memory_space<hbm>>
    tpu.enqueue_indirect_dma source(%dma_start3A_1524 : memref<1000x1000xf32, #tpu.memory_space<hbm>>) target(%arg12 : memref<40x1000xf32, #tpu.memory_space<vmem>>) offsets(%dma_start3A_1521 : memref<40xi32, #tpu.memory_space<vmem>>) semaphore(%arg15 : memref<!tpu.dma_semaphore, #tpu.memory_space<semaphore_mem>>)
    %dma_wait3A_1525 = arith.constant 480 : i32
    %dma_wait3A_1526 = tpu.memref_slice %arg8[%dma_wait3A_1525] : memref<656xi32, #tpu.memory_space<vmem>> -> memref<40xi32, #tpu.memory_space<vmem>>
    %dma_wait3A_1527 = arith.constant 0 : i32
    %dma_wait3A_1528 = arith.constant 0 : i32
    %dma_wait3A_1529 = tpu.memref_slice %arg2[%dma_wait3A_1527, %dma_wait3A_1528] : memref<1000x1000xf32, #tpu.memory_space<hbm>> -> memref<1000x1000xf32, #tpu.memory_space<hbm>>
    tpu.wait_indirect_dma semaphore(%arg14 : memref<!tpu.dma_semaphore, #tpu.memory_space<semaphore_mem>>) src(%dma_wait3A_1529 : memref<1000x1000xf32, #tpu.memory_space<hbm>>) dst(%arg11 : memref<40x1000xf32, #tpu.memory_space<vmem>>)
    %add3A_1530 = arith.constant 24 : i32
    %add3A_1531 = arith.addi %mul3A_4, %add3A_1530 : i32
    %dma_start3A_1532 = arith.constant 0 : i32
    %dma_start3A_1533 = arith.constant 0 : i32
    %dma_start3A_1534 = tpu.memref_slice %arg11[%dma_start3A_1532, %dma_start3A_1533] : memref<40x1000xf32, #tpu.memory_space<vmem>> -> memref<20x1000xf32, #tpu.memory_space<vmem>>
    %dma_start3A_1535 = arith.constant 0 : i32
    %dma_start3A_1536 = arith.constant 0 : i32
    %dma_start3A_1537 = tpu.memref_slice %arg6[%add3A_1531, %dma_start3A_1535, %dma_start3A_1536] : memref<1024x20x1000xf32, #tpu.memory_space<hbm>> -> memref<1x20x1000xf32, #tpu.memory_space<hbm>>
    %dma_start3A_1538 = tpu.memref_squeeze %dma_start3A_1537 : memref<1x20x1000xf32, #tpu.memory_space<hbm>> -> memref<20x1000xf32, #tpu.memory_space<hbm>>
    %dma_start3A_1539 = arith.constant 0 : i32
    %dma_start3A_1540 = arith.constant 0 : i32
    %dma_start3A_1541 = tpu.memref_slice %arg6[%add3A_1531, %dma_start3A_1539, %dma_start3A_1540] : memref<1024x20x1000xf32, #tpu.memory_space<hbm>> -> memref<1x20x1000xf32, #tpu.memory_space<hbm>>
    %dma_start3A_1542 = tpu.memref_squeeze %dma_start3A_1541 : memref<1x20x1000xf32, #tpu.memory_space<hbm>> -> memref<20x1000xf32, #tpu.memory_space<hbm>>
    %dma_start3A_1543 = arith.constant 0 : i32
    %dma_start3A_1544 = arith.constant 0 : i32
    %dma_start3A_1545 = tpu.memref_slice %arg11[%dma_start3A_1543, %dma_start3A_1544] : memref<40x1000xf32, #tpu.memory_space<vmem>> -> memref<20x1000xf32, #tpu.memory_space<vmem>>
    tpu.enqueue_dma source(%dma_start3A_1545 : memref<20x1000xf32, #tpu.memory_space<vmem>>) target(%dma_start3A_1542 : memref<20x1000xf32, #tpu.memory_space<hbm>>) target_semaphore(%arg16 : memref<!tpu.dma_semaphore, #tpu.memory_space<semaphore_mem>>)
    %add3A_1546 = arith.constant 24 : i32
    %add3A_1547 = arith.addi %mul3A_4, %add3A_1546 : i32
    %add3A_1548 = arith.constant 1 : i32
    %add3A_1549 = arith.addi %add3A_1547, %add3A_1548 : i32
    %dma_start3A_1550 = arith.constant 20 : i32
    %dma_start3A_1551 = arith.constant 0 : i32
    %dma_start3A_1552 = tpu.memref_slice %arg11[%dma_start3A_1550, %dma_start3A_1551] : memref<40x1000xf32, #tpu.memory_space<vmem>> -> memref<20x1000xf32, #tpu.memory_space<vmem>>
    %dma_start3A_1553 = arith.constant 0 : i32
    %dma_start3A_1554 = arith.constant 0 : i32
    %dma_start3A_1555 = tpu.memref_slice %arg6[%add3A_1549, %dma_start3A_1553, %dma_start3A_1554] : memref<1024x20x1000xf32, #tpu.memory_space<hbm>> -> memref<1x20x1000xf32, #tpu.memory_space<hbm>>
    %dma_start3A_1556 = tpu.memref_squeeze %dma_start3A_1555 : memref<1x20x1000xf32, #tpu.memory_space<hbm>> -> memref<20x1000xf32, #tpu.memory_space<hbm>>
    %dma_start3A_1557 = arith.constant 0 : i32
    %dma_start3A_1558 = arith.constant 0 : i32
    %dma_start3A_1559 = tpu.memref_slice %arg6[%add3A_1549, %dma_start3A_1557, %dma_start3A_1558] : memref<1024x20x1000xf32, #tpu.memory_space<hbm>> -> memref<1x20x1000xf32, #tpu.memory_space<hbm>>
    %dma_start3A_1560 = tpu.memref_squeeze %dma_start3A_1559 : memref<1x20x1000xf32, #tpu.memory_space<hbm>> -> memref<20x1000xf32, #tpu.memory_space<hbm>>
    %dma_start3A_1561 = arith.constant 20 : i32
    %dma_start3A_1562 = arith.constant 0 : i32
    %dma_start3A_1563 = tpu.memref_slice %arg11[%dma_start3A_1561, %dma_start3A_1562] : memref<40x1000xf32, #tpu.memory_space<vmem>> -> memref<20x1000xf32, #tpu.memory_space<vmem>>
    tpu.enqueue_dma source(%dma_start3A_1563 : memref<20x1000xf32, #tpu.memory_space<vmem>>) target(%dma_start3A_1560 : memref<20x1000xf32, #tpu.memory_space<hbm>>) target_semaphore(%arg16 : memref<!tpu.dma_semaphore, #tpu.memory_space<semaphore_mem>>)
    %get3A_1564 = arith.constant 480 : index
    %get3A_1565 = tpu.vector_load %arg8[%get3A_1564] {strides = array<i32>} : memref<656xi32, #tpu.memory_space<vmem>>, vector<16xi32>,
    %get3A_1566 = arith.constant 480 : index
    %get3A_1567 = tpu.vector_load %arg9[%get3A_1566] {strides = array<i32>} : memref<656xi32, #tpu.memory_space<vmem>>, vector<16xi32>,
    %add3A_1568 = arith.constant 0 : i32
    %add3A_1569 = vector.broadcast %add3A_1568 : i32 to vector<16xi32>
    %add3A_1570 = arith.addi %iota3A, %add3A_1569 : vector<16xi32>
    %gather3A_1571 = tpu.vector_load_idx %arg11[%add3A_1570, %get3A_1567] : memref<40x1000xf32, #tpu.memory_space<vmem>>[vector<16xi32>, vector<16xi32>], vector<16xf32>,
    %gather3A_1572 = tpu.vector_load_idx %arg10[%get3A_1565] : memref<1000xf32, #tpu.memory_space<vmem>>[vector<16xi32>], vector<16xf32>,
    %sub3A_1573 = arith.subf %gather3A_1572, %gather3A_1571 : vector<16xf32>
    %add3A_1574 = arith.addf %add3A_1491, %sub3A_1573 : vector<16xf32>
    %get3A_1575 = arith.constant 496 : index
    %get3A_1576 = tpu.vector_load %arg8[%get3A_1575] {strides = array<i32>} : memref<656xi32, #tpu.memory_space<vmem>>, vector<16xi32>,
    %get3A_1577 = arith.constant 496 : index
    %get3A_1578 = tpu.vector_load %arg9[%get3A_1577] {strides = array<i32>} : memref<656xi32, #tpu.memory_space<vmem>>, vector<16xi32>,
    %add3A_1579 = arith.constant 16 : i32
    %add3A_1580 = vector.broadcast %add3A_1579 : i32 to vector<16xi32>
    %add3A_1581 = arith.addi %iota3A, %add3A_1580 : vector<16xi32>
    %gather3A_1582 = tpu.vector_load_idx %arg11[%add3A_1581, %get3A_1578] : memref<40x1000xf32, #tpu.memory_space<vmem>>[vector<16xi32>, vector<16xi32>], vector<16xf32>,
    %gather3A_1583 = tpu.vector_load_idx %arg10[%get3A_1576] : memref<1000xf32, #tpu.memory_space<vmem>>[vector<16xi32>], vector<16xf32>,
    %sub3A_1584 = arith.subf %gather3A_1583, %gather3A_1582 : vector<16xf32>
    %add3A_1585 = arith.addf %add3A_1574, %sub3A_1584 : vector<16xf32>
    %get3A_1586 = arith.constant 512 : index
    %get3A_1587 = tpu.vector_load %arg8[%get3A_1586] {strides = array<i32>} : memref<656xi32, #tpu.memory_space<vmem>>, vector<16xi32>,
    %get3A_1588 = arith.constant 512 : index
    %get3A_1589 = tpu.vector_load %arg9[%get3A_1588] {strides = array<i32>} : memref<656xi32, #tpu.memory_space<vmem>>, vector<16xi32>,
    %add3A_1590 = arith.constant 32 : i32
    %add3A_1591 = vector.broadcast %add3A_1590 : i32 to vector<16xi32>
    %add3A_1592 = arith.addi %iota3A, %add3A_1591 : vector<16xi32>
    %min3A_1593 = arith.constant 39 : i32
    %min3A_1594 = vector.broadcast %min3A_1593 : i32 to vector<16xi32>
    %min3A_1595 = arith.minsi %add3A_1592, %min3A_1594 : vector<16xi32>
    %jit3A_1596 = arith.constant 0 : i32
    %jit3A_1597 = arith.constant 999 : i32
    %max3A_1598 = vector.broadcast %jit3A_1596 : i32 to vector<16xi32>
    %max3A_1599 = arith.maxsi %max3A_1598, %get3A_1587 : vector<16xi32>
    %min3A_1600 = vector.broadcast %jit3A_1597 : i32 to vector<16xi32>
    %min3A_1601 = arith.minsi %min3A_1600, %max3A_1599 : vector<16xi32>
    %jit3A_1602 = arith.constant 0 : i32
    %jit3A_1603 = arith.constant 999 : i32
    %max3A_1604 = vector.broadcast %jit3A_1602 : i32 to vector<16xi32>
    %max3A_1605 = arith.maxsi %max3A_1604, %get3A_1589 : vector<16xi32>
    %min3A_1606 = vector.broadcast %jit3A_1603 : i32 to vector<16xi32>
    %min3A_1607 = arith.minsi %min3A_1606, %max3A_1605 : vector<16xi32>
    %gather3A_1608 = tpu.vector_load_idx %arg11[%min3A_1595, %min3A_1607] : memref<40x1000xf32, #tpu.memory_space<vmem>>[vector<16xi32>, vector<16xi32>], vector<16xf32>,
    %gather3A_1609 = tpu.vector_load_idx %arg10[%min3A_1601] : memref<1000xf32, #tpu.memory_space<vmem>>[vector<16xi32>], vector<16xf32>,
    %sub3A_1610 = arith.subf %gather3A_1609, %gather3A_1608 : vector<16xf32>
    %lt3A_1611 = arith.constant 8 : i32
    %lt3A_1612 = vector.broadcast %lt3A_1611 : i32 to vector<16xi32>
    %lt3A_1613 = arith.cmpi slt, %iota3A, %lt3A_1612 : vector<16xi32>
    %jit3A_1614 = arith.constant 0.000000e+00 : f32
    %broadcast_in_dim3A_1615 = vector.broadcast %jit3A_1614 : f32 to vector<16xf32>
    %select_n3A_1616 = arith.select %lt3A_1613, %sub3A_1610, %broadcast_in_dim3A_1615 : vector<16xi1>, vector<16xf32>
    %add3A_1617 = arith.addf %add3A_1585, %select_n3A_1616 : vector<16xf32>
    %dma_wait3A_1618 = arith.constant 0 : i32
    %dma_wait3A_1619 = arith.constant 0 : i32
    %dma_wait3A_1620 = tpu.memref_slice %arg11[%dma_wait3A_1618, %dma_wait3A_1619] : memref<40x1000xf32, #tpu.memory_space<vmem>> -> memref<20x1000xf32, #tpu.memory_space<vmem>>
    %dma_wait3A_1621 = arith.constant 0 : i32
    %dma_wait3A_1622 = arith.constant 0 : i32
    %dma_wait3A_1623 = tpu.memref_slice %arg6[%add3A_1531, %dma_wait3A_1621, %dma_wait3A_1622] : memref<1024x20x1000xf32, #tpu.memory_space<hbm>> -> memref<1x20x1000xf32, #tpu.memory_space<hbm>>
    %dma_wait3A_1624 = tpu.memref_squeeze %dma_wait3A_1623 : memref<1x20x1000xf32, #tpu.memory_space<hbm>> -> memref<20x1000xf32, #tpu.memory_space<hbm>>
    %dma_wait3A_1625 = arith.constant 0 : i32
    %dma_wait3A_1626 = arith.constant 0 : i32
    %dma_wait3A_1627 = tpu.memref_slice %arg6[%add3A_1531, %dma_wait3A_1625, %dma_wait3A_1626] : memref<1024x20x1000xf32, #tpu.memory_space<hbm>> -> memref<1x20x1000xf32, #tpu.memory_space<hbm>>
    %dma_wait3A_1628 = tpu.memref_squeeze %dma_wait3A_1627 : memref<1x20x1000xf32, #tpu.memory_space<hbm>> -> memref<20x1000xf32, #tpu.memory_space<hbm>>
    %dma_wait3A_1629 = arith.constant 0 : i32
    %dma_wait3A_1630 = arith.constant 0 : i32
    %dma_wait3A_1631 = tpu.memref_slice %arg11[%dma_wait3A_1629, %dma_wait3A_1630] : memref<40x1000xf32, #tpu.memory_space<vmem>> -> memref<20x1000xf32, #tpu.memory_space<vmem>>
    tpu.wait_dma2 semaphore(%arg16 : memref<!tpu.dma_semaphore, #tpu.memory_space<semaphore_mem>>) src(%dma_wait3A_1631 : memref<20x1000xf32, #tpu.memory_space<vmem>>) dst(%dma_wait3A_1628 : memref<20x1000xf32, #tpu.memory_space<hbm>>)
    %dma_wait3A_1632 = arith.constant 20 : i32
    %dma_wait3A_1633 = arith.constant 0 : i32
    %dma_wait3A_1634 = tpu.memref_slice %arg11[%dma_wait3A_1632, %dma_wait3A_1633] : memref<40x1000xf32, #tpu.memory_space<vmem>> -> memref<20x1000xf32, #tpu.memory_space<vmem>>
    %dma_wait3A_1635 = arith.constant 0 : i32
    %dma_wait3A_1636 = arith.constant 0 : i32
    %dma_wait3A_1637 = tpu.memref_slice %arg6[%add3A_1549, %dma_wait3A_1635, %dma_wait3A_1636] : memref<1024x20x1000xf32, #tpu.memory_space<hbm>> -> memref<1x20x1000xf32, #tpu.memory_space<hbm>>
    %dma_wait3A_1638 = tpu.memref_squeeze %dma_wait3A_1637 : memref<1x20x1000xf32, #tpu.memory_space<hbm>> -> memref<20x1000xf32, #tpu.memory_space<hbm>>
    %dma_wait3A_1639 = arith.constant 0 : i32
    %dma_wait3A_1640 = arith.constant 0 : i32
    %dma_wait3A_1641 = tpu.memref_slice %arg6[%add3A_1549, %dma_wait3A_1639, %dma_wait3A_1640] : memref<1024x20x1000xf32, #tpu.memory_space<hbm>> -> memref<1x20x1000xf32, #tpu.memory_space<hbm>>
    %dma_wait3A_1642 = tpu.memref_squeeze %dma_wait3A_1641 : memref<1x20x1000xf32, #tpu.memory_space<hbm>> -> memref<20x1000xf32, #tpu.memory_space<hbm>>
    %dma_wait3A_1643 = arith.constant 20 : i32
    %dma_wait3A_1644 = arith.constant 0 : i32
    %dma_wait3A_1645 = tpu.memref_slice %arg11[%dma_wait3A_1643, %dma_wait3A_1644] : memref<40x1000xf32, #tpu.memory_space<vmem>> -> memref<20x1000xf32, #tpu.memory_space<vmem>>
    tpu.wait_dma2 semaphore(%arg16 : memref<!tpu.dma_semaphore, #tpu.memory_space<semaphore_mem>>) src(%dma_wait3A_1645 : memref<20x1000xf32, #tpu.memory_space<vmem>>) dst(%dma_wait3A_1642 : memref<20x1000xf32, #tpu.memory_space<hbm>>)
    %dma_start3A_1646 = arith.constant 560 : i32
    %dma_start3A_1647 = tpu.memref_slice %arg8[%dma_start3A_1646] : memref<656xi32, #tpu.memory_space<vmem>> -> memref<40xi32, #tpu.memory_space<vmem>>
    %dma_start3A_1648 = arith.constant 0 : i32
    %dma_start3A_1649 = arith.constant 0 : i32
    %dma_start3A_1650 = tpu.memref_slice %arg2[%dma_start3A_1648, %dma_start3A_1649] : memref<1000x1000xf32, #tpu.memory_space<hbm>> -> memref<1000x1000xf32, #tpu.memory_space<hbm>>
    tpu.enqueue_indirect_dma source(%dma_start3A_1650 : memref<1000x1000xf32, #tpu.memory_space<hbm>>) target(%arg11 : memref<40x1000xf32, #tpu.memory_space<vmem>>) offsets(%dma_start3A_1647 : memref<40xi32, #tpu.memory_space<vmem>>) semaphore(%arg14 : memref<!tpu.dma_semaphore, #tpu.memory_space<semaphore_mem>>)
    %dma_wait3A_1651 = arith.constant 520 : i32
    %dma_wait3A_1652 = tpu.memref_slice %arg8[%dma_wait3A_1651] : memref<656xi32, #tpu.memory_space<vmem>> -> memref<40xi32, #tpu.memory_space<vmem>>
    %dma_wait3A_1653 = arith.constant 0 : i32
    %dma_wait3A_1654 = arith.constant 0 : i32
    %dma_wait3A_1655 = tpu.memref_slice %arg2[%dma_wait3A_1653, %dma_wait3A_1654] : memref<1000x1000xf32, #tpu.memory_space<hbm>> -> memref<1000x1000xf32, #tpu.memory_space<hbm>>
    tpu.wait_indirect_dma semaphore(%arg15 : memref<!tpu.dma_semaphore, #tpu.memory_space<semaphore_mem>>) src(%dma_wait3A_1655 : memref<1000x1000xf32, #tpu.memory_space<hbm>>) dst(%arg12 : memref<40x1000xf32, #tpu.memory_space<vmem>>)
    %add3A_1656 = arith.constant 26 : i32
    %add3A_1657 = arith.addi %mul3A_4, %add3A_1656 : i32
    %dma_start3A_1658 = arith.constant 0 : i32
    %dma_start3A_1659 = arith.constant 0 : i32
    %dma_start3A_1660 = tpu.memref_slice %arg12[%dma_start3A_1658, %dma_start3A_1659] : memref<40x1000xf32, #tpu.memory_space<vmem>> -> memref<20x1000xf32, #tpu.memory_space<vmem>>
    %dma_start3A_1661 = arith.constant 0 : i32
    %dma_start3A_1662 = arith.constant 0 : i32
    %dma_start3A_1663 = tpu.memref_slice %arg6[%add3A_1657, %dma_start3A_1661, %dma_start3A_1662] : memref<1024x20x1000xf32, #tpu.memory_space<hbm>> -> memref<1x20x1000xf32, #tpu.memory_space<hbm>>
    %dma_start3A_1664 = tpu.memref_squeeze %dma_start3A_1663 : memref<1x20x1000xf32, #tpu.memory_space<hbm>> -> memref<20x1000xf32, #tpu.memory_space<hbm>>
    %dma_start3A_1665 = arith.constant 0 : i32
    %dma_start3A_1666 = arith.constant 0 : i32
    %dma_start3A_1667 = tpu.memref_slice %arg6[%add3A_1657, %dma_start3A_1665, %dma_start3A_1666] : memref<1024x20x1000xf32, #tpu.memory_space<hbm>> -> memref<1x20x1000xf32, #tpu.memory_space<hbm>>
    %dma_start3A_1668 = tpu.memref_squeeze %dma_start3A_1667 : memref<1x20x1000xf32, #tpu.memory_space<hbm>> -> memref<20x1000xf32, #tpu.memory_space<hbm>>
    %dma_start3A_1669 = arith.constant 0 : i32
    %dma_start3A_1670 = arith.constant 0 : i32
    %dma_start3A_1671 = tpu.memref_slice %arg12[%dma_start3A_1669, %dma_start3A_1670] : memref<40x1000xf32, #tpu.memory_space<vmem>> -> memref<20x1000xf32, #tpu.memory_space<vmem>>
    tpu.enqueue_dma source(%dma_start3A_1671 : memref<20x1000xf32, #tpu.memory_space<vmem>>) target(%dma_start3A_1668 : memref<20x1000xf32, #tpu.memory_space<hbm>>) target_semaphore(%arg17 : memref<!tpu.dma_semaphore, #tpu.memory_space<semaphore_mem>>)
    %add3A_1672 = arith.constant 26 : i32
    %add3A_1673 = arith.addi %mul3A_4, %add3A_1672 : i32
    %add3A_1674 = arith.constant 1 : i32
    %add3A_1675 = arith.addi %add3A_1673, %add3A_1674 : i32
    %dma_start3A_1676 = arith.constant 20 : i32
    %dma_start3A_1677 = arith.constant 0 : i32
    %dma_start3A_1678 = tpu.memref_slice %arg12[%dma_start3A_1676, %dma_start3A_1677] : memref<40x1000xf32, #tpu.memory_space<vmem>> -> memref<20x1000xf32, #tpu.memory_space<vmem>>
    %dma_start3A_1679 = arith.constant 0 : i32
    %dma_start3A_1680 = arith.constant 0 : i32
    %dma_start3A_1681 = tpu.memref_slice %arg6[%add3A_1675, %dma_start3A_1679, %dma_start3A_1680] : memref<1024x20x1000xf32, #tpu.memory_space<hbm>> -> memref<1x20x1000xf32, #tpu.memory_space<hbm>>
    %dma_start3A_1682 = tpu.memref_squeeze %dma_start3A_1681 : memref<1x20x1000xf32, #tpu.memory_space<hbm>> -> memref<20x1000xf32, #tpu.memory_space<hbm>>
    %dma_start3A_1683 = arith.constant 0 : i32
    %dma_start3A_1684 = arith.constant 0 : i32
    %dma_start3A_1685 = tpu.memref_slice %arg6[%add3A_1675, %dma_start3A_1683, %dma_start3A_1684] : memref<1024x20x1000xf32, #tpu.memory_space<hbm>> -> memref<1x20x1000xf32, #tpu.memory_space<hbm>>
    %dma_start3A_1686 = tpu.memref_squeeze %dma_start3A_1685 : memref<1x20x1000xf32, #tpu.memory_space<hbm>> -> memref<20x1000xf32, #tpu.memory_space<hbm>>
    %dma_start3A_1687 = arith.constant 20 : i32
    %dma_start3A_1688 = arith.constant 0 : i32
    %dma_start3A_1689 = tpu.memref_slice %arg12[%dma_start3A_1687, %dma_start3A_1688] : memref<40x1000xf32, #tpu.memory_space<vmem>> -> memref<20x1000xf32, #tpu.memory_space<vmem>>
    tpu.enqueue_dma source(%dma_start3A_1689 : memref<20x1000xf32, #tpu.memory_space<vmem>>) target(%dma_start3A_1686 : memref<20x1000xf32, #tpu.memory_space<hbm>>) target_semaphore(%arg17 : memref<!tpu.dma_semaphore, #tpu.memory_space<semaphore_mem>>)
    %get3A_1690 = arith.constant 520 : index
    %get3A_1691 = tpu.vector_load %arg8[%get3A_1690] {strides = array<i32>} : memref<656xi32, #tpu.memory_space<vmem>>, vector<16xi32>,
    %get3A_1692 = arith.constant 520 : index
    %get3A_1693 = tpu.vector_load %arg9[%get3A_1692] {strides = array<i32>} : memref<656xi32, #tpu.memory_space<vmem>>, vector<16xi32>,
    %add3A_1694 = arith.constant 0 : i32
    %add3A_1695 = vector.broadcast %add3A_1694 : i32 to vector<16xi32>
    %add3A_1696 = arith.addi %iota3A, %add3A_1695 : vector<16xi32>
    %gather3A_1697 = tpu.vector_load_idx %arg12[%add3A_1696, %get3A_1693] : memref<40x1000xf32, #tpu.memory_space<vmem>>[vector<16xi32>, vector<16xi32>], vector<16xf32>,
    %gather3A_1698 = tpu.vector_load_idx %arg10[%get3A_1691] : memref<1000xf32, #tpu.memory_space<vmem>>[vector<16xi32>], vector<16xf32>,
    %sub3A_1699 = arith.subf %gather3A_1698, %gather3A_1697 : vector<16xf32>
    %add3A_1700 = arith.addf %add3A_1617, %sub3A_1699 : vector<16xf32>
    %get3A_1701 = arith.constant 536 : index
    %get3A_1702 = tpu.vector_load %arg8[%get3A_1701] {strides = array<i32>} : memref<656xi32, #tpu.memory_space<vmem>>, vector<16xi32>,
    %get3A_1703 = arith.constant 536 : index
    %get3A_1704 = tpu.vector_load %arg9[%get3A_1703] {strides = array<i32>} : memref<656xi32, #tpu.memory_space<vmem>>, vector<16xi32>,
    %add3A_1705 = arith.constant 16 : i32
    %add3A_1706 = vector.broadcast %add3A_1705 : i32 to vector<16xi32>
    %add3A_1707 = arith.addi %iota3A, %add3A_1706 : vector<16xi32>
    %gather3A_1708 = tpu.vector_load_idx %arg12[%add3A_1707, %get3A_1704] : memref<40x1000xf32, #tpu.memory_space<vmem>>[vector<16xi32>, vector<16xi32>], vector<16xf32>,
    %gather3A_1709 = tpu.vector_load_idx %arg10[%get3A_1702] : memref<1000xf32, #tpu.memory_space<vmem>>[vector<16xi32>], vector<16xf32>,
    %sub3A_1710 = arith.subf %gather3A_1709, %gather3A_1708 : vector<16xf32>
    %add3A_1711 = arith.addf %add3A_1700, %sub3A_1710 : vector<16xf32>
    %get3A_1712 = arith.constant 552 : index
    %get3A_1713 = tpu.vector_load %arg8[%get3A_1712] {strides = array<i32>} : memref<656xi32, #tpu.memory_space<vmem>>, vector<16xi32>,
    %get3A_1714 = arith.constant 552 : index
    %get3A_1715 = tpu.vector_load %arg9[%get3A_1714] {strides = array<i32>} : memref<656xi32, #tpu.memory_space<vmem>>, vector<16xi32>,
    %add3A_1716 = arith.constant 32 : i32
    %add3A_1717 = vector.broadcast %add3A_1716 : i32 to vector<16xi32>
    %add3A_1718 = arith.addi %iota3A, %add3A_1717 : vector<16xi32>
    %min3A_1719 = arith.constant 39 : i32
    %min3A_1720 = vector.broadcast %min3A_1719 : i32 to vector<16xi32>
    %min3A_1721 = arith.minsi %add3A_1718, %min3A_1720 : vector<16xi32>
    %jit3A_1722 = arith.constant 0 : i32
    %jit3A_1723 = arith.constant 999 : i32
    %max3A_1724 = vector.broadcast %jit3A_1722 : i32 to vector<16xi32>
    %max3A_1725 = arith.maxsi %max3A_1724, %get3A_1713 : vector<16xi32>
    %min3A_1726 = vector.broadcast %jit3A_1723 : i32 to vector<16xi32>
    %min3A_1727 = arith.minsi %min3A_1726, %max3A_1725 : vector<16xi32>
    %jit3A_1728 = arith.constant 0 : i32
    %jit3A_1729 = arith.constant 999 : i32
    %max3A_1730 = vector.broadcast %jit3A_1728 : i32 to vector<16xi32>
    %max3A_1731 = arith.maxsi %max3A_1730, %get3A_1715 : vector<16xi32>
    %min3A_1732 = vector.broadcast %jit3A_1729 : i32 to vector<16xi32>
    %min3A_1733 = arith.minsi %min3A_1732, %max3A_1731 : vector<16xi32>
    %gather3A_1734 = tpu.vector_load_idx %arg12[%min3A_1721, %min3A_1733] : memref<40x1000xf32, #tpu.memory_space<vmem>>[vector<16xi32>, vector<16xi32>], vector<16xf32>,
    %gather3A_1735 = tpu.vector_load_idx %arg10[%min3A_1727] : memref<1000xf32, #tpu.memory_space<vmem>>[vector<16xi32>], vector<16xf32>,
    %sub3A_1736 = arith.subf %gather3A_1735, %gather3A_1734 : vector<16xf32>
    %lt3A_1737 = arith.constant 8 : i32
    %lt3A_1738 = vector.broadcast %lt3A_1737 : i32 to vector<16xi32>
    %lt3A_1739 = arith.cmpi slt, %iota3A, %lt3A_1738 : vector<16xi32>
    %jit3A_1740 = arith.constant 0.000000e+00 : f32
    %broadcast_in_dim3A_1741 = vector.broadcast %jit3A_1740 : f32 to vector<16xf32>
    %select_n3A_1742 = arith.select %lt3A_1739, %sub3A_1736, %broadcast_in_dim3A_1741 : vector<16xi1>, vector<16xf32>
    %add3A_1743 = arith.addf %add3A_1711, %select_n3A_1742 : vector<16xf32>
    %dma_wait3A_1744 = arith.constant 0 : i32
    %dma_wait3A_1745 = arith.constant 0 : i32
    %dma_wait3A_1746 = tpu.memref_slice %arg12[%dma_wait3A_1744, %dma_wait3A_1745] : memref<40x1000xf32, #tpu.memory_space<vmem>> -> memref<20x1000xf32, #tpu.memory_space<vmem>>
    %dma_wait3A_1747 = arith.constant 0 : i32
    %dma_wait3A_1748 = arith.constant 0 : i32
    %dma_wait3A_1749 = tpu.memref_slice %arg6[%add3A_1657, %dma_wait3A_1747, %dma_wait3A_1748] : memref<1024x20x1000xf32, #tpu.memory_space<hbm>> -> memref<1x20x1000xf32, #tpu.memory_space<hbm>>
    %dma_wait3A_1750 = tpu.memref_squeeze %dma_wait3A_1749 : memref<1x20x1000xf32, #tpu.memory_space<hbm>> -> memref<20x1000xf32, #tpu.memory_space<hbm>>
    %dma_wait3A_1751 = arith.constant 0 : i32
    %dma_wait3A_1752 = arith.constant 0 : i32
    %dma_wait3A_1753 = tpu.memref_slice %arg6[%add3A_1657, %dma_wait3A_1751, %dma_wait3A_1752] : memref<1024x20x1000xf32, #tpu.memory_space<hbm>> -> memref<1x20x1000xf32, #tpu.memory_space<hbm>>
    %dma_wait3A_1754 = tpu.memref_squeeze %dma_wait3A_1753 : memref<1x20x1000xf32, #tpu.memory_space<hbm>> -> memref<20x1000xf32, #tpu.memory_space<hbm>>
    %dma_wait3A_1755 = arith.constant 0 : i32
    %dma_wait3A_1756 = arith.constant 0 : i32
    %dma_wait3A_1757 = tpu.memref_slice %arg12[%dma_wait3A_1755, %dma_wait3A_1756] : memref<40x1000xf32, #tpu.memory_space<vmem>> -> memref<20x1000xf32, #tpu.memory_space<vmem>>
    tpu.wait_dma2 semaphore(%arg17 : memref<!tpu.dma_semaphore, #tpu.memory_space<semaphore_mem>>) src(%dma_wait3A_1757 : memref<20x1000xf32, #tpu.memory_space<vmem>>) dst(%dma_wait3A_1754 : memref<20x1000xf32, #tpu.memory_space<hbm>>)
    %dma_wait3A_1758 = arith.constant 20 : i32
    %dma_wait3A_1759 = arith.constant 0 : i32
    %dma_wait3A_1760 = tpu.memref_slice %arg12[%dma_wait3A_1758, %dma_wait3A_1759] : memref<40x1000xf32, #tpu.memory_space<vmem>> -> memref<20x1000xf32, #tpu.memory_space<vmem>>
    %dma_wait3A_1761 = arith.constant 0 : i32
    %dma_wait3A_1762 = arith.constant 0 : i32
    %dma_wait3A_1763 = tpu.memref_slice %arg6[%add3A_1675, %dma_wait3A_1761, %dma_wait3A_1762] : memref<1024x20x1000xf32, #tpu.memory_space<hbm>> -> memref<1x20x1000xf32, #tpu.memory_space<hbm>>
    %dma_wait3A_1764 = tpu.memref_squeeze %dma_wait3A_1763 : memref<1x20x1000xf32, #tpu.memory_space<hbm>> -> memref<20x1000xf32, #tpu.memory_space<hbm>>
    %dma_wait3A_1765 = arith.constant 0 : i32
    %dma_wait3A_1766 = arith.constant 0 : i32
    %dma_wait3A_1767 = tpu.memref_slice %arg6[%add3A_1675, %dma_wait3A_1765, %dma_wait3A_1766] : memref<1024x20x1000xf32, #tpu.memory_space<hbm>> -> memref<1x20x1000xf32, #tpu.memory_space<hbm>>
    %dma_wait3A_1768 = tpu.memref_squeeze %dma_wait3A_1767 : memref<1x20x1000xf32, #tpu.memory_space<hbm>> -> memref<20x1000xf32, #tpu.memory_space<hbm>>
    %dma_wait3A_1769 = arith.constant 20 : i32
    %dma_wait3A_1770 = arith.constant 0 : i32
    %dma_wait3A_1771 = tpu.memref_slice %arg12[%dma_wait3A_1769, %dma_wait3A_1770] : memref<40x1000xf32, #tpu.memory_space<vmem>> -> memref<20x1000xf32, #tpu.memory_space<vmem>>
    tpu.wait_dma2 semaphore(%arg17 : memref<!tpu.dma_semaphore, #tpu.memory_space<semaphore_mem>>) src(%dma_wait3A_1771 : memref<20x1000xf32, #tpu.memory_space<vmem>>) dst(%dma_wait3A_1768 : memref<20x1000xf32, #tpu.memory_space<hbm>>)
    %dma_start3A_1772 = arith.constant 600 : i32
    %dma_start3A_1773 = tpu.memref_slice %arg8[%dma_start3A_1772] : memref<656xi32, #tpu.memory_space<vmem>> -> memref<40xi32, #tpu.memory_space<vmem>>
    %dma_start3A_1774 = arith.constant 0 : i32
    %dma_start3A_1775 = arith.constant 0 : i32
    %dma_start3A_1776 = tpu.memref_slice %arg2[%dma_start3A_1774, %dma_start3A_1775] : memref<1000x1000xf32, #tpu.memory_space<hbm>> -> memref<1000x1000xf32, #tpu.memory_space<hbm>>
    tpu.enqueue_indirect_dma source(%dma_start3A_1776 : memref<1000x1000xf32, #tpu.memory_space<hbm>>) target(%arg12 : memref<40x1000xf32, #tpu.memory_space<vmem>>) offsets(%dma_start3A_1773 : memref<40xi32, #tpu.memory_space<vmem>>) semaphore(%arg15 : memref<!tpu.dma_semaphore, #tpu.memory_space<semaphore_mem>>)
    %dma_wait3A_1777 = arith.constant 560 : i32
    %dma_wait3A_1778 = tpu.memref_slice %arg8[%dma_wait3A_1777] : memref<656xi32, #tpu.memory_space<vmem>> -> memref<40xi32, #tpu.memory_space<vmem>>
    %dma_wait3A_1779 = arith.constant 0 : i32
    %dma_wait3A_1780 = arith.constant 0 : i32
    %dma_wait3A_1781 = tpu.memref_slice %arg2[%dma_wait3A_1779, %dma_wait3A_1780] : memref<1000x1000xf32, #tpu.memory_space<hbm>> -> memref<1000x1000xf32, #tpu.memory_space<hbm>>
    tpu.wait_indirect_dma semaphore(%arg14 : memref<!tpu.dma_semaphore, #tpu.memory_space<semaphore_mem>>) src(%dma_wait3A_1781 : memref<1000x1000xf32, #tpu.memory_space<hbm>>) dst(%arg11 : memref<40x1000xf32, #tpu.memory_space<vmem>>)
    %add3A_1782 = arith.constant 28 : i32
    %add3A_1783 = arith.addi %mul3A_4, %add3A_1782 : i32
    %dma_start3A_1784 = arith.constant 0 : i32
    %dma_start3A_1785 = arith.constant 0 : i32
    %dma_start3A_1786 = tpu.memref_slice %arg11[%dma_start3A_1784, %dma_start3A_1785] : memref<40x1000xf32, #tpu.memory_space<vmem>> -> memref<20x1000xf32, #tpu.memory_space<vmem>>
    %dma_start3A_1787 = arith.constant 0 : i32
    %dma_start3A_1788 = arith.constant 0 : i32
    %dma_start3A_1789 = tpu.memref_slice %arg6[%add3A_1783, %dma_start3A_1787, %dma_start3A_1788] : memref<1024x20x1000xf32, #tpu.memory_space<hbm>> -> memref<1x20x1000xf32, #tpu.memory_space<hbm>>
    %dma_start3A_1790 = tpu.memref_squeeze %dma_start3A_1789 : memref<1x20x1000xf32, #tpu.memory_space<hbm>> -> memref<20x1000xf32, #tpu.memory_space<hbm>>
    %dma_start3A_1791 = arith.constant 0 : i32
    %dma_start3A_1792 = arith.constant 0 : i32
    %dma_start3A_1793 = tpu.memref_slice %arg6[%add3A_1783, %dma_start3A_1791, %dma_start3A_1792] : memref<1024x20x1000xf32, #tpu.memory_space<hbm>> -> memref<1x20x1000xf32, #tpu.memory_space<hbm>>
    %dma_start3A_1794 = tpu.memref_squeeze %dma_start3A_1793 : memref<1x20x1000xf32, #tpu.memory_space<hbm>> -> memref<20x1000xf32, #tpu.memory_space<hbm>>
    %dma_start3A_1795 = arith.constant 0 : i32
    %dma_start3A_1796 = arith.constant 0 : i32
    %dma_start3A_1797 = tpu.memref_slice %arg11[%dma_start3A_1795, %dma_start3A_1796] : memref<40x1000xf32, #tpu.memory_space<vmem>> -> memref<20x1000xf32, #tpu.memory_space<vmem>>
    tpu.enqueue_dma source(%dma_start3A_1797 : memref<20x1000xf32, #tpu.memory_space<vmem>>) target(%dma_start3A_1794 : memref<20x1000xf32, #tpu.memory_space<hbm>>) target_semaphore(%arg16 : memref<!tpu.dma_semaphore, #tpu.memory_space<semaphore_mem>>)
    %add3A_1798 = arith.constant 28 : i32
    %add3A_1799 = arith.addi %mul3A_4, %add3A_1798 : i32
    %add3A_1800 = arith.constant 1 : i32
    %add3A_1801 = arith.addi %add3A_1799, %add3A_1800 : i32
    %dma_start3A_1802 = arith.constant 20 : i32
    %dma_start3A_1803 = arith.constant 0 : i32
    %dma_start3A_1804 = tpu.memref_slice %arg11[%dma_start3A_1802, %dma_start3A_1803] : memref<40x1000xf32, #tpu.memory_space<vmem>> -> memref<20x1000xf32, #tpu.memory_space<vmem>>
    %dma_start3A_1805 = arith.constant 0 : i32
    %dma_start3A_1806 = arith.constant 0 : i32
    %dma_start3A_1807 = tpu.memref_slice %arg6[%add3A_1801, %dma_start3A_1805, %dma_start3A_1806] : memref<1024x20x1000xf32, #tpu.memory_space<hbm>> -> memref<1x20x1000xf32, #tpu.memory_space<hbm>>
    %dma_start3A_1808 = tpu.memref_squeeze %dma_start3A_1807 : memref<1x20x1000xf32, #tpu.memory_space<hbm>> -> memref<20x1000xf32, #tpu.memory_space<hbm>>
    %dma_start3A_1809 = arith.constant 0 : i32
    %dma_start3A_1810 = arith.constant 0 : i32
    %dma_start3A_1811 = tpu.memref_slice %arg6[%add3A_1801, %dma_start3A_1809, %dma_start3A_1810] : memref<1024x20x1000xf32, #tpu.memory_space<hbm>> -> memref<1x20x1000xf32, #tpu.memory_space<hbm>>
    %dma_start3A_1812 = tpu.memref_squeeze %dma_start3A_1811 : memref<1x20x1000xf32, #tpu.memory_space<hbm>> -> memref<20x1000xf32, #tpu.memory_space<hbm>>
    %dma_start3A_1813 = arith.constant 20 : i32
    %dma_start3A_1814 = arith.constant 0 : i32
    %dma_start3A_1815 = tpu.memref_slice %arg11[%dma_start3A_1813, %dma_start3A_1814] : memref<40x1000xf32, #tpu.memory_space<vmem>> -> memref<20x1000xf32, #tpu.memory_space<vmem>>
    tpu.enqueue_dma source(%dma_start3A_1815 : memref<20x1000xf32, #tpu.memory_space<vmem>>) target(%dma_start3A_1812 : memref<20x1000xf32, #tpu.memory_space<hbm>>) target_semaphore(%arg16 : memref<!tpu.dma_semaphore, #tpu.memory_space<semaphore_mem>>)
    %get3A_1816 = arith.constant 560 : index
    %get3A_1817 = tpu.vector_load %arg8[%get3A_1816] {strides = array<i32>} : memref<656xi32, #tpu.memory_space<vmem>>, vector<16xi32>,
    %get3A_1818 = arith.constant 560 : index
    %get3A_1819 = tpu.vector_load %arg9[%get3A_1818] {strides = array<i32>} : memref<656xi32, #tpu.memory_space<vmem>>, vector<16xi32>,
    %add3A_1820 = arith.constant 0 : i32
    %add3A_1821 = vector.broadcast %add3A_1820 : i32 to vector<16xi32>
    %add3A_1822 = arith.addi %iota3A, %add3A_1821 : vector<16xi32>
    %gather3A_1823 = tpu.vector_load_idx %arg11[%add3A_1822, %get3A_1819] : memref<40x1000xf32, #tpu.memory_space<vmem>>[vector<16xi32>, vector<16xi32>], vector<16xf32>,
    %gather3A_1824 = tpu.vector_load_idx %arg10[%get3A_1817] : memref<1000xf32, #tpu.memory_space<vmem>>[vector<16xi32>], vector<16xf32>,
    %sub3A_1825 = arith.subf %gather3A_1824, %gather3A_1823 : vector<16xf32>
    %add3A_1826 = arith.addf %add3A_1743, %sub3A_1825 : vector<16xf32>
    %get3A_1827 = arith.constant 576 : index
    %get3A_1828 = tpu.vector_load %arg8[%get3A_1827] {strides = array<i32>} : memref<656xi32, #tpu.memory_space<vmem>>, vector<16xi32>,
    %get3A_1829 = arith.constant 576 : index
    %get3A_1830 = tpu.vector_load %arg9[%get3A_1829] {strides = array<i32>} : memref<656xi32, #tpu.memory_space<vmem>>, vector<16xi32>,
    %add3A_1831 = arith.constant 16 : i32
    %add3A_1832 = vector.broadcast %add3A_1831 : i32 to vector<16xi32>
    %add3A_1833 = arith.addi %iota3A, %add3A_1832 : vector<16xi32>
    %gather3A_1834 = tpu.vector_load_idx %arg11[%add3A_1833, %get3A_1830] : memref<40x1000xf32, #tpu.memory_space<vmem>>[vector<16xi32>, vector<16xi32>], vector<16xf32>,
    %gather3A_1835 = tpu.vector_load_idx %arg10[%get3A_1828] : memref<1000xf32, #tpu.memory_space<vmem>>[vector<16xi32>], vector<16xf32>,
    %sub3A_1836 = arith.subf %gather3A_1835, %gather3A_1834 : vector<16xf32>
    %add3A_1837 = arith.addf %add3A_1826, %sub3A_1836 : vector<16xf32>
    %get3A_1838 = arith.constant 592 : index
    %get3A_1839 = tpu.vector_load %arg8[%get3A_1838] {strides = array<i32>} : memref<656xi32, #tpu.memory_space<vmem>>, vector<16xi32>,
    %get3A_1840 = arith.constant 592 : index
    %get3A_1841 = tpu.vector_load %arg9[%get3A_1840] {strides = array<i32>} : memref<656xi32, #tpu.memory_space<vmem>>, vector<16xi32>,
    %add3A_1842 = arith.constant 32 : i32
    %add3A_1843 = vector.broadcast %add3A_1842 : i32 to vector<16xi32>
    %add3A_1844 = arith.addi %iota3A, %add3A_1843 : vector<16xi32>
    %min3A_1845 = arith.constant 39 : i32
    %min3A_1846 = vector.broadcast %min3A_1845 : i32 to vector<16xi32>
    %min3A_1847 = arith.minsi %add3A_1844, %min3A_1846 : vector<16xi32>
    %jit3A_1848 = arith.constant 0 : i32
    %jit3A_1849 = arith.constant 999 : i32
    %max3A_1850 = vector.broadcast %jit3A_1848 : i32 to vector<16xi32>
    %max3A_1851 = arith.maxsi %max3A_1850, %get3A_1839 : vector<16xi32>
    %min3A_1852 = vector.broadcast %jit3A_1849 : i32 to vector<16xi32>
    %min3A_1853 = arith.minsi %min3A_1852, %max3A_1851 : vector<16xi32>
    %jit3A_1854 = arith.constant 0 : i32
    %jit3A_1855 = arith.constant 999 : i32
    %max3A_1856 = vector.broadcast %jit3A_1854 : i32 to vector<16xi32>
    %max3A_1857 = arith.maxsi %max3A_1856, %get3A_1841 : vector<16xi32>
    %min3A_1858 = vector.broadcast %jit3A_1855 : i32 to vector<16xi32>
    %min3A_1859 = arith.minsi %min3A_1858, %max3A_1857 : vector<16xi32>
    %gather3A_1860 = tpu.vector_load_idx %arg11[%min3A_1847, %min3A_1859] : memref<40x1000xf32, #tpu.memory_space<vmem>>[vector<16xi32>, vector<16xi32>], vector<16xf32>,
    %gather3A_1861 = tpu.vector_load_idx %arg10[%min3A_1853] : memref<1000xf32, #tpu.memory_space<vmem>>[vector<16xi32>], vector<16xf32>,
    %sub3A_1862 = arith.subf %gather3A_1861, %gather3A_1860 : vector<16xf32>
    %lt3A_1863 = arith.constant 8 : i32
    %lt3A_1864 = vector.broadcast %lt3A_1863 : i32 to vector<16xi32>
    %lt3A_1865 = arith.cmpi slt, %iota3A, %lt3A_1864 : vector<16xi32>
    %jit3A_1866 = arith.constant 0.000000e+00 : f32
    %broadcast_in_dim3A_1867 = vector.broadcast %jit3A_1866 : f32 to vector<16xf32>
    %select_n3A_1868 = arith.select %lt3A_1865, %sub3A_1862, %broadcast_in_dim3A_1867 : vector<16xi1>, vector<16xf32>
    %add3A_1869 = arith.addf %add3A_1837, %select_n3A_1868 : vector<16xf32>
    %dma_wait3A_1870 = arith.constant 600 : i32
    %dma_wait3A_1871 = tpu.memref_slice %arg8[%dma_wait3A_1870] : memref<656xi32, #tpu.memory_space<vmem>> -> memref<40xi32, #tpu.memory_space<vmem>>
    %dma_wait3A_1872 = arith.constant 0 : i32
    %dma_wait3A_1873 = arith.constant 0 : i32
    %dma_wait3A_1874 = tpu.memref_slice %arg2[%dma_wait3A_1872, %dma_wait3A_1873] : memref<1000x1000xf32, #tpu.memory_space<hbm>> -> memref<1000x1000xf32, #tpu.memory_space<hbm>>
    tpu.wait_indirect_dma semaphore(%arg15 : memref<!tpu.dma_semaphore, #tpu.memory_space<semaphore_mem>>) src(%dma_wait3A_1874 : memref<1000x1000xf32, #tpu.memory_space<hbm>>) dst(%arg12 : memref<40x1000xf32, #tpu.memory_space<vmem>>)
    %add3A_1875 = arith.constant 30 : i32
    %add3A_1876 = arith.addi %mul3A_4, %add3A_1875 : i32
    %dma_start3A_1877 = arith.constant 0 : i32
    %dma_start3A_1878 = arith.constant 0 : i32
    %dma_start3A_1879 = tpu.memref_slice %arg12[%dma_start3A_1877, %dma_start3A_1878] : memref<40x1000xf32, #tpu.memory_space<vmem>> -> memref<20x1000xf32, #tpu.memory_space<vmem>>
    %dma_start3A_1880 = arith.constant 0 : i32
    %dma_start3A_1881 = arith.constant 0 : i32
    %dma_start3A_1882 = tpu.memref_slice %arg6[%add3A_1876, %dma_start3A_1880, %dma_start3A_1881] : memref<1024x20x1000xf32, #tpu.memory_space<hbm>> -> memref<1x20x1000xf32, #tpu.memory_space<hbm>>
    %dma_start3A_1883 = tpu.memref_squeeze %dma_start3A_1882 : memref<1x20x1000xf32, #tpu.memory_space<hbm>> -> memref<20x1000xf32, #tpu.memory_space<hbm>>
    %dma_start3A_1884 = arith.constant 0 : i32
    %dma_start3A_1885 = arith.constant 0 : i32
    %dma_start3A_1886 = tpu.memref_slice %arg6[%add3A_1876, %dma_start3A_1884, %dma_start3A_1885] : memref<1024x20x1000xf32, #tpu.memory_space<hbm>> -> memref<1x20x1000xf32, #tpu.memory_space<hbm>>
    %dma_start3A_1887 = tpu.memref_squeeze %dma_start3A_1886 : memref<1x20x1000xf32, #tpu.memory_space<hbm>> -> memref<20x1000xf32, #tpu.memory_space<hbm>>
    %dma_start3A_1888 = arith.constant 0 : i32
    %dma_start3A_1889 = arith.constant 0 : i32
    %dma_start3A_1890 = tpu.memref_slice %arg12[%dma_start3A_1888, %dma_start3A_1889] : memref<40x1000xf32, #tpu.memory_space<vmem>> -> memref<20x1000xf32, #tpu.memory_space<vmem>>
    tpu.enqueue_dma source(%dma_start3A_1890 : memref<20x1000xf32, #tpu.memory_space<vmem>>) target(%dma_start3A_1887 : memref<20x1000xf32, #tpu.memory_space<hbm>>) target_semaphore(%arg17 : memref<!tpu.dma_semaphore, #tpu.memory_space<semaphore_mem>>)
    %add3A_1891 = arith.constant 30 : i32
    %add3A_1892 = arith.addi %mul3A_4, %add3A_1891 : i32
    %add3A_1893 = arith.constant 1 : i32
    %add3A_1894 = arith.addi %add3A_1892, %add3A_1893 : i32
    %dma_start3A_1895 = arith.constant 20 : i32
    %dma_start3A_1896 = arith.constant 0 : i32
    %dma_start3A_1897 = tpu.memref_slice %arg12[%dma_start3A_1895, %dma_start3A_1896] : memref<40x1000xf32, #tpu.memory_space<vmem>> -> memref<20x1000xf32, #tpu.memory_space<vmem>>
    %dma_start3A_1898 = arith.constant 0 : i32
    %dma_start3A_1899 = arith.constant 0 : i32
    %dma_start3A_1900 = tpu.memref_slice %arg6[%add3A_1894, %dma_start3A_1898, %dma_start3A_1899] : memref<1024x20x1000xf32, #tpu.memory_space<hbm>> -> memref<1x20x1000xf32, #tpu.memory_space<hbm>>
    %dma_start3A_1901 = tpu.memref_squeeze %dma_start3A_1900 : memref<1x20x1000xf32, #tpu.memory_space<hbm>> -> memref<20x1000xf32, #tpu.memory_space<hbm>>
    %dma_start3A_1902 = arith.constant 0 : i32
    %dma_start3A_1903 = arith.constant 0 : i32
    %dma_start3A_1904 = tpu.memref_slice %arg6[%add3A_1894, %dma_start3A_1902, %dma_start3A_1903] : memref<1024x20x1000xf32, #tpu.memory_space<hbm>> -> memref<1x20x1000xf32, #tpu.memory_space<hbm>>
    %dma_start3A_1905 = tpu.memref_squeeze %dma_start3A_1904 : memref<1x20x1000xf32, #tpu.memory_space<hbm>> -> memref<20x1000xf32, #tpu.memory_space<hbm>>
    %dma_start3A_1906 = arith.constant 20 : i32
    %dma_start3A_1907 = arith.constant 0 : i32
    %dma_start3A_1908 = tpu.memref_slice %arg12[%dma_start3A_1906, %dma_start3A_1907] : memref<40x1000xf32, #tpu.memory_space<vmem>> -> memref<20x1000xf32, #tpu.memory_space<vmem>>
    tpu.enqueue_dma source(%dma_start3A_1908 : memref<20x1000xf32, #tpu.memory_space<vmem>>) target(%dma_start3A_1905 : memref<20x1000xf32, #tpu.memory_space<hbm>>) target_semaphore(%arg17 : memref<!tpu.dma_semaphore, #tpu.memory_space<semaphore_mem>>)
    %get3A_1909 = arith.constant 600 : index
    %get3A_1910 = tpu.vector_load %arg8[%get3A_1909] {strides = array<i32>} : memref<656xi32, #tpu.memory_space<vmem>>, vector<16xi32>,
    %get3A_1911 = arith.constant 600 : index
    %get3A_1912 = tpu.vector_load %arg9[%get3A_1911] {strides = array<i32>} : memref<656xi32, #tpu.memory_space<vmem>>, vector<16xi32>,
    %add3A_1913 = arith.constant 0 : i32
    %add3A_1914 = vector.broadcast %add3A_1913 : i32 to vector<16xi32>
    %add3A_1915 = arith.addi %iota3A, %add3A_1914 : vector<16xi32>
    %gather3A_1916 = tpu.vector_load_idx %arg12[%add3A_1915, %get3A_1912] : memref<40x1000xf32, #tpu.memory_space<vmem>>[vector<16xi32>, vector<16xi32>], vector<16xf32>,
    %gather3A_1917 = tpu.vector_load_idx %arg10[%get3A_1910] : memref<1000xf32, #tpu.memory_space<vmem>>[vector<16xi32>], vector<16xf32>,
    %sub3A_1918 = arith.subf %gather3A_1917, %gather3A_1916 : vector<16xf32>
    %add3A_1919 = arith.addf %add3A_1869, %sub3A_1918 : vector<16xf32>
    %get3A_1920 = arith.constant 616 : index
    %get3A_1921 = tpu.vector_load %arg8[%get3A_1920] {strides = array<i32>} : memref<656xi32, #tpu.memory_space<vmem>>, vector<16xi32>,
    %get3A_1922 = arith.constant 616 : index
    %get3A_1923 = tpu.vector_load %arg9[%get3A_1922] {strides = array<i32>} : memref<656xi32, #tpu.memory_space<vmem>>, vector<16xi32>,
    %add3A_1924 = arith.constant 16 : i32
    %add3A_1925 = vector.broadcast %add3A_1924 : i32 to vector<16xi32>
    %add3A_1926 = arith.addi %iota3A, %add3A_1925 : vector<16xi32>
    %gather3A_1927 = tpu.vector_load_idx %arg12[%add3A_1926, %get3A_1923] : memref<40x1000xf32, #tpu.memory_space<vmem>>[vector<16xi32>, vector<16xi32>], vector<16xf32>,
    %gather3A_1928 = tpu.vector_load_idx %arg10[%get3A_1921] : memref<1000xf32, #tpu.memory_space<vmem>>[vector<16xi32>], vector<16xf32>,
    %sub3A_1929 = arith.subf %gather3A_1928, %gather3A_1927 : vector<16xf32>
    %add3A_1930 = arith.addf %add3A_1919, %sub3A_1929 : vector<16xf32>
    %get3A_1931 = arith.constant 632 : index
    %get3A_1932 = tpu.vector_load %arg8[%get3A_1931] {strides = array<i32>} : memref<656xi32, #tpu.memory_space<vmem>>, vector<16xi32>,
    %get3A_1933 = arith.constant 632 : index
    %get3A_1934 = tpu.vector_load %arg9[%get3A_1933] {strides = array<i32>} : memref<656xi32, #tpu.memory_space<vmem>>, vector<16xi32>,
    %add3A_1935 = arith.constant 32 : i32
    %add3A_1936 = vector.broadcast %add3A_1935 : i32 to vector<16xi32>
    %add3A_1937 = arith.addi %iota3A, %add3A_1936 : vector<16xi32>
    %min3A_1938 = arith.constant 39 : i32
    %min3A_1939 = vector.broadcast %min3A_1938 : i32 to vector<16xi32>
    %min3A_1940 = arith.minsi %add3A_1937, %min3A_1939 : vector<16xi32>
    %jit3A_1941 = arith.constant 0 : i32
    %jit3A_1942 = arith.constant 999 : i32
    %max3A_1943 = vector.broadcast %jit3A_1941 : i32 to vector<16xi32>
    %max3A_1944 = arith.maxsi %max3A_1943, %get3A_1932 : vector<16xi32>
    %min3A_1945 = vector.broadcast %jit3A_1942 : i32 to vector<16xi32>
    %min3A_1946 = arith.minsi %min3A_1945, %max3A_1944 : vector<16xi32>
    %jit3A_1947 = arith.constant 0 : i32
    %jit3A_1948 = arith.constant 999 : i32
    %max3A_1949 = vector.broadcast %jit3A_1947 : i32 to vector<16xi32>
    %max3A_1950 = arith.maxsi %max3A_1949, %get3A_1934 : vector<16xi32>
    %min3A_1951 = vector.broadcast %jit3A_1948 : i32 to vector<16xi32>
    %min3A_1952 = arith.minsi %min3A_1951, %max3A_1950 : vector<16xi32>
    %gather3A_1953 = tpu.vector_load_idx %arg12[%min3A_1940, %min3A_1952] : memref<40x1000xf32, #tpu.memory_space<vmem>>[vector<16xi32>, vector<16xi32>], vector<16xf32>,
    %gather3A_1954 = tpu.vector_load_idx %arg10[%min3A_1946] : memref<1000xf32, #tpu.memory_space<vmem>>[vector<16xi32>], vector<16xf32>,
    %sub3A_1955 = arith.subf %gather3A_1954, %gather3A_1953 : vector<16xf32>
    %lt3A_1956 = arith.constant 8 : i32
    %lt3A_1957 = vector.broadcast %lt3A_1956 : i32 to vector<16xi32>
    %lt3A_1958 = arith.cmpi slt, %iota3A, %lt3A_1957 : vector<16xi32>
    %jit3A_1959 = arith.constant 0.000000e+00 : f32
    %broadcast_in_dim3A_1960 = vector.broadcast %jit3A_1959 : f32 to vector<16xf32>
    %select_n3A_1961 = arith.select %lt3A_1958, %sub3A_1955, %broadcast_in_dim3A_1960 : vector<16xi1>, vector<16xf32>
    %add3A_1962 = arith.addf %add3A_1930, %select_n3A_1961 : vector<16xf32>
    %dma_wait3A_1963 = arith.constant 0 : i32
    %dma_wait3A_1964 = arith.constant 0 : i32
    %dma_wait3A_1965 = tpu.memref_slice %arg11[%dma_wait3A_1963, %dma_wait3A_1964] : memref<40x1000xf32, #tpu.memory_space<vmem>> -> memref<20x1000xf32, #tpu.memory_space<vmem>>
    %dma_wait3A_1966 = arith.constant 0 : i32
    %dma_wait3A_1967 = arith.constant 0 : i32
    %dma_wait3A_1968 = tpu.memref_slice %arg6[%add3A_1783, %dma_wait3A_1966, %dma_wait3A_1967] : memref<1024x20x1000xf32, #tpu.memory_space<hbm>> -> memref<1x20x1000xf32, #tpu.memory_space<hbm>>
    %dma_wait3A_1969 = tpu.memref_squeeze %dma_wait3A_1968 : memref<1x20x1000xf32, #tpu.memory_space<hbm>> -> memref<20x1000xf32, #tpu.memory_space<hbm>>
    %dma_wait3A_1970 = arith.constant 0 : i32
    %dma_wait3A_1971 = arith.constant 0 : i32
    %dma_wait3A_1972 = tpu.memref_slice %arg6[%add3A_1783, %dma_wait3A_1970, %dma_wait3A_1971] : memref<1024x20x1000xf32, #tpu.memory_space<hbm>> -> memref<1x20x1000xf32, #tpu.memory_space<hbm>>
    %dma_wait3A_1973 = tpu.memref_squeeze %dma_wait3A_1972 : memref<1x20x1000xf32, #tpu.memory_space<hbm>> -> memref<20x1000xf32, #tpu.memory_space<hbm>>
    %dma_wait3A_1974 = arith.constant 0 : i32
    %dma_wait3A_1975 = arith.constant 0 : i32
    %dma_wait3A_1976 = tpu.memref_slice %arg11[%dma_wait3A_1974, %dma_wait3A_1975] : memref<40x1000xf32, #tpu.memory_space<vmem>> -> memref<20x1000xf32, #tpu.memory_space<vmem>>
    tpu.wait_dma2 semaphore(%arg16 : memref<!tpu.dma_semaphore, #tpu.memory_space<semaphore_mem>>) src(%dma_wait3A_1976 : memref<20x1000xf32, #tpu.memory_space<vmem>>) dst(%dma_wait3A_1973 : memref<20x1000xf32, #tpu.memory_space<hbm>>)
    %dma_wait3A_1977 = arith.constant 20 : i32
    %dma_wait3A_1978 = arith.constant 0 : i32
    %dma_wait3A_1979 = tpu.memref_slice %arg11[%dma_wait3A_1977, %dma_wait3A_1978] : memref<40x1000xf32, #tpu.memory_space<vmem>> -> memref<20x1000xf32, #tpu.memory_space<vmem>>
    %dma_wait3A_1980 = arith.constant 0 : i32
    %dma_wait3A_1981 = arith.constant 0 : i32
    %dma_wait3A_1982 = tpu.memref_slice %arg6[%add3A_1801, %dma_wait3A_1980, %dma_wait3A_1981] : memref<1024x20x1000xf32, #tpu.memory_space<hbm>> -> memref<1x20x1000xf32, #tpu.memory_space<hbm>>
    %dma_wait3A_1983 = tpu.memref_squeeze %dma_wait3A_1982 : memref<1x20x1000xf32, #tpu.memory_space<hbm>> -> memref<20x1000xf32, #tpu.memory_space<hbm>>
    %dma_wait3A_1984 = arith.constant 0 : i32
    %dma_wait3A_1985 = arith.constant 0 : i32
    %dma_wait3A_1986 = tpu.memref_slice %arg6[%add3A_1801, %dma_wait3A_1984, %dma_wait3A_1985] : memref<1024x20x1000xf32, #tpu.memory_space<hbm>> -> memref<1x20x1000xf32, #tpu.memory_space<hbm>>
    %dma_wait3A_1987 = tpu.memref_squeeze %dma_wait3A_1986 : memref<1x20x1000xf32, #tpu.memory_space<hbm>> -> memref<20x1000xf32, #tpu.memory_space<hbm>>
    %dma_wait3A_1988 = arith.constant 20 : i32
    %dma_wait3A_1989 = arith.constant 0 : i32
    %dma_wait3A_1990 = tpu.memref_slice %arg11[%dma_wait3A_1988, %dma_wait3A_1989] : memref<40x1000xf32, #tpu.memory_space<vmem>> -> memref<20x1000xf32, #tpu.memory_space<vmem>>
    tpu.wait_dma2 semaphore(%arg16 : memref<!tpu.dma_semaphore, #tpu.memory_space<semaphore_mem>>) src(%dma_wait3A_1990 : memref<20x1000xf32, #tpu.memory_space<vmem>>) dst(%dma_wait3A_1987 : memref<20x1000xf32, #tpu.memory_space<hbm>>)
    %dma_wait3A_1991 = arith.constant 0 : i32
    %dma_wait3A_1992 = arith.constant 0 : i32
    %dma_wait3A_1993 = tpu.memref_slice %arg12[%dma_wait3A_1991, %dma_wait3A_1992] : memref<40x1000xf32, #tpu.memory_space<vmem>> -> memref<20x1000xf32, #tpu.memory_space<vmem>>
    %dma_wait3A_1994 = arith.constant 0 : i32
    %dma_wait3A_1995 = arith.constant 0 : i32
    %dma_wait3A_1996 = tpu.memref_slice %arg6[%add3A_1876, %dma_wait3A_1994, %dma_wait3A_1995] : memref<1024x20x1000xf32, #tpu.memory_space<hbm>> -> memref<1x20x1000xf32, #tpu.memory_space<hbm>>
    %dma_wait3A_1997 = tpu.memref_squeeze %dma_wait3A_1996 : memref<1x20x1000xf32, #tpu.memory_space<hbm>> -> memref<20x1000xf32, #tpu.memory_space<hbm>>
    %dma_wait3A_1998 = arith.constant 0 : i32
    %dma_wait3A_1999 = arith.constant 0 : i32
    %dma_wait3A_2000 = tpu.memref_slice %arg6[%add3A_1876, %dma_wait3A_1998, %dma_wait3A_1999] : memref<1024x20x1000xf32, #tpu.memory_space<hbm>> -> memref<1x20x1000xf32, #tpu.memory_space<hbm>>
    %dma_wait3A_2001 = tpu.memref_squeeze %dma_wait3A_2000 : memref<1x20x1000xf32, #tpu.memory_space<hbm>> -> memref<20x1000xf32, #tpu.memory_space<hbm>>
    %dma_wait3A_2002 = arith.constant 0 : i32
    %dma_wait3A_2003 = arith.constant 0 : i32
    %dma_wait3A_2004 = tpu.memref_slice %arg12[%dma_wait3A_2002, %dma_wait3A_2003] : memref<40x1000xf32, #tpu.memory_space<vmem>> -> memref<20x1000xf32, #tpu.memory_space<vmem>>
    tpu.wait_dma2 semaphore(%arg17 : memref<!tpu.dma_semaphore, #tpu.memory_space<semaphore_mem>>) src(%dma_wait3A_2004 : memref<20x1000xf32, #tpu.memory_space<vmem>>) dst(%dma_wait3A_2001 : memref<20x1000xf32, #tpu.memory_space<hbm>>)
    %dma_wait3A_2005 = arith.constant 20 : i32
    %dma_wait3A_2006 = arith.constant 0 : i32
    %dma_wait3A_2007 = tpu.memref_slice %arg12[%dma_wait3A_2005, %dma_wait3A_2006] : memref<40x1000xf32, #tpu.memory_space<vmem>> -> memref<20x1000xf32, #tpu.memory_space<vmem>>
    %dma_wait3A_2008 = arith.constant 0 : i32
    %dma_wait3A_2009 = arith.constant 0 : i32
    %dma_wait3A_2010 = tpu.memref_slice %arg6[%add3A_1894, %dma_wait3A_2008, %dma_wait3A_2009] : memref<1024x20x1000xf32, #tpu.memory_space<hbm>> -> memref<1x20x1000xf32, #tpu.memory_space<hbm>>
    %dma_wait3A_2011 = tpu.memref_squeeze %dma_wait3A_2010 : memref<1x20x1000xf32, #tpu.memory_space<hbm>> -> memref<20x1000xf32, #tpu.memory_space<hbm>>
    %dma_wait3A_2012 = arith.constant 0 : i32
    %dma_wait3A_2013 = arith.constant 0 : i32
    %dma_wait3A_2014 = tpu.memref_slice %arg6[%add3A_1894, %dma_wait3A_2012, %dma_wait3A_2013] : memref<1024x20x1000xf32, #tpu.memory_space<hbm>> -> memref<1x20x1000xf32, #tpu.memory_space<hbm>>
    %dma_wait3A_2015 = tpu.memref_squeeze %dma_wait3A_2014 : memref<1x20x1000xf32, #tpu.memory_space<hbm>> -> memref<20x1000xf32, #tpu.memory_space<hbm>>
    %dma_wait3A_2016 = arith.constant 20 : i32
    %dma_wait3A_2017 = arith.constant 0 : i32
    %dma_wait3A_2018 = tpu.memref_slice %arg12[%dma_wait3A_2016, %dma_wait3A_2017] : memref<40x1000xf32, #tpu.memory_space<vmem>> -> memref<20x1000xf32, #tpu.memory_space<vmem>>
    tpu.wait_dma2 semaphore(%arg17 : memref<!tpu.dma_semaphore, #tpu.memory_space<semaphore_mem>>) src(%dma_wait3A_2018 : memref<20x1000xf32, #tpu.memory_space<vmem>>) dst(%dma_wait3A_2015 : memref<20x1000xf32, #tpu.memory_space<hbm>>)
    %swap3A_2019 = arith.constant 0 : index
    %swap3A_2020 = tpu.vector_load %arg13[%swap3A_2019] {strides = array<i32>} : memref<16xf32, #tpu.memory_space<vmem>>, vector<16xf32>,
    tpu.vector_store %arg13[%swap3A_2019], %add3A_1962 {strides = array<i32>} : memref<16xf32, #tpu.memory_space<vmem>>, vector<16xf32>,
    %mul3A_2021 = arith.constant 16 : i32
    %mul3A_2022 = arith.muli %add3A, %mul3A_2021 : i32
    "tpu.region"() ({
      %run_scoped3A = tpu.sem_alloc : memref<!tpu.dma_semaphore, #tpu.memory_space<semaphore_mem>>
      %dma_start3A_2023 = tpu.memref_slice %arg7[%mul3A_2022] : memref<512xf32, #tpu.memory_space<hbm>> -> memref<16xf32, #tpu.memory_space<hbm>>
      %dma_start3A_2024 = tpu.memref_slice %arg7[%mul3A_2022] : memref<512xf32, #tpu.memory_space<hbm>> -> memref<16xf32, #tpu.memory_space<hbm>>
      tpu.enqueue_dma source(%arg13 : memref<16xf32, #tpu.memory_space<vmem>>) target(%dma_start3A_2024 : memref<16xf32, #tpu.memory_space<hbm>>) target_semaphore(%run_scoped3A : memref<!tpu.dma_semaphore, #tpu.memory_space<semaphore_mem>>)
      %dma_wait3A_2025 = tpu.memref_slice %arg7[%mul3A_2022] : memref<512xf32, #tpu.memory_space<hbm>> -> memref<16xf32, #tpu.memory_space<hbm>>
      %dma_wait3A_2026 = tpu.memref_slice %arg7[%mul3A_2022] : memref<512xf32, #tpu.memory_space<hbm>> -> memref<16xf32, #tpu.memory_space<hbm>>
      tpu.wait_dma2 semaphore(%run_scoped3A : memref<!tpu.dma_semaphore, #tpu.memory_space<semaphore_mem>>) src(%arg13 : memref<16xf32, #tpu.memory_space<vmem>>) dst(%dma_wait3A_2026 : memref<16xf32, #tpu.memory_space<hbm>>)
      tpu.yield
    }) : () -> ()
    return
  }
}

module attributes {stable_mosaic.version = 14 : i64} {
  func.func @_lse_body(%arg0: memref<1000x1000xf32, #tpu.memory_space<vmem>>, %arg1: memref<1000xf32, #tpu.memory_space<vmem>>) attributes {dimension_semantics = [], scalar_prefetch = 0 : i64, scratch_operands = 0 : i64, tpu.core_type = #tpu.core_type<tc>} {
    %get3A = arith.constant 0 : index
    %get3A_0 = arith.constant 0 : index
    %get3A_1 = vector.load %arg0[%get3A, %get3A_0] : memref<1000x1000xf32, #tpu.memory_space<vmem>>, vector<1000x1000xf32>
    %reduce_max3A = arith.constant dense<0xFF800000> : vector<1000xf32>
    %reduce_max3A_2 = vector.multi_reduction <maximumf>, %get3A_1, %reduce_max3A [1] : vector<1000x1000xf32> to vector<1000xf32>
    %broadcast_in_dim3A = vector.shape_cast %reduce_max3A_2 : vector<1000xf32> to vector<1000x1xf32>
    %sub3A = vector.broadcast %broadcast_in_dim3A : vector<1000x1xf32> to vector<1000x1000xf32>
    %sub3A_3 = arith.subf %get3A_1, %sub3A : vector<1000x1000xf32>
    %exp3A = math.exp %sub3A_3 : vector<1000x1000xf32>
    %reduce_sum3A = arith.constant dense<0.000000e+00> : vector<1000xf32>
    %reduce_sum3A_4 = vector.multi_reduction <add>, %exp3A, %reduce_sum3A [1] : vector<1000x1000xf32> to vector<1000xf32>
    %log3A = math.log %reduce_sum3A_4 : vector<1000xf32>
    %add3A = arith.addf %log3A, %reduce_max3A_2 : vector<1000xf32>
    %swap3A = arith.constant 0 : index
    %swap3A_5 = vector.load %arg1[%swap3A] : memref<1000xf32, #tpu.memory_space<vmem>>, vector<1000xf32>
    tpu.vector_store %arg1[%swap3A], %add3A {strides = array<i32>} : memref<1000xf32, #tpu.memory_space<vmem>>, vector<1000xf32>,
    return
  }
}

</mosaic_0001>

<sc_bundles>
// kernel: kernel.4.cloned.1.call-start
scs
__scs_entry_jumppad:
0x0: {  	(pc) =	sbr.rel $0x88, $3  }
0x1: {  	(tag) =	ssettag $0x0;
	lr =	simm.s32 $0x1  }
0x2: {  	[smem:$0x3F9E] =	sst lr;
	_ =	strace $0xD0000000  }
0x3: {  	_ = 	snop  }
0x4: {  	_ = 	snop  }
0x5: {  	_ = 	snop  }
0x6: {  	_ = 	snop  }
0x7: {  	_ = 	snop  }
__scs_overlays_trampoline_lowered:
0x8: {  	[smem:$0x3FAD] =	sst s0  }
0x9: {  	[smem:$0x3FAE] =	sst s1  }
0xa: {  	[smem:$0x3FAF] =	sst s2  }
0xb: {  	[smem:$0x3FB0] =	sst s3  }
0xc: {  	[smem:$0x3FB1] =	sst s4  }
0xd: {  	[smem:$0x3FB2] =	sst s5  }
0xe: {  	[smem:$0x3FB3] =	sst s6  }
0xf: {  	[smem:$0x3FB4] =	sst s7  }
0x10: {  	[smem:$0x3FB5] =	sst s8  }
0x11: {  	[smem:$0x3FB6] =	sst s9;
	s0 =	simm.s32 @!p0 $0x0  }
0x12: {  	s1 =	sld [smem:$0x3F9C];
	s0 =	simm.s32 @p0 $0x1  }
0x13: {  	[smem:$0x3FB7] =	sst s0;
	s0 =	simm.s32 @!p1 $0x0  }
0x14: {  	s2 =	sld [smem:$0x3F9B];
	s0 =	simm.s32 @p1 $0x1  }
0x15: {  	[smem:$0x3FB8] =	sst s0;
	s0 =	simm.s32 @!p2 $0x0  }
0x16: {  	s3 =	sld [smem:$0x3FDB];
	s0 =	simm.s32 @p2 $0x1  }
0x17: {  	s4 =	simm.s32 $0x1BF5;
	[smem:$0x3FBA] =	sst s0  }
0x18: {  	s0 =	sld [smem:$0x3F9D];
	_ =	swait.ge [sflag:s4], $0x0  }
0x19: {  	s7 =	sld [smem:$0x3F9E]  }
0x1a: {  	s8 =	sadd.s32 $0xFFFFE003, lr  }
0x1b: {  	s9 =	sadd.s32 $0xFFFFFEF7, lr;
	s5 =	simm.s32 $0xFFFFFFFF;
	p2 =	slt.u32 s8, $0xFFFFF086  }
0x1c: {  	p1 =	slt.u32 s9, $0xF7A;
	s5 =	simm.s32 @!p2 $0x0  }
0x1d: {  	s5 =	simm.s32 @p1 $0x1;
	p0 =	seq.s32 s7, s2  }
0x1e: {  	s7 =	smul.u32 @!p0 $0xF7A, s2;
	p2 =	seq.s32 @!p0 s5, $0x0  }
0x1f: {  	s9 =	smul.u32 $0xF7A, s1;
	s8 =	simm.s32 @!p0 $0x1BF5;
	p2 =	por !p2, p0  }
0x20: {  	[sflag:s8] =	ssyncset.s32 @!p0 $0xFFFFF086;
	s6 =	sadd.s32 @!p0 s3, s7;
	s7 =	simm.s32 @!p0 $0x108  }
0x21: {  	s3 =	sadd.s32 s3, s9;
	s6 =	sadd.s32 @!p0 $0x88, s6;
	s7 =	simm.s32 @p2 $0x1082  }
0x22: {  	[simem:s7], [sflag:s8] =	dma.local @!p0 [hbm:s6], $0xF7A  }
0x23: {  	s9 =	sor.u32 $0xD0000000, s2;
	s6 =	simm.s32 $0x108;
	_ =	swait.ge @!p0 [sflag:s8], $0x0  }
0x24: {  	s3 =	sadd.s32 $0x88, s3;
	s6 =	simm.s32 @!p1 $0x1082;
	[sflag:s4] =	ssyncset.s32 $0xFFFFF086  }
0x25: {  	[simem:s6], [sflag:s4] =	dma.local [hbm:s3], $0xF7A  }
0x26: {  	[smem:$0x3F9E] =	sst s1;
	(tag) =	ssettag s2;
	_ =	strace s9  }
0x27: {  	s1 =	sld [smem:$0x3FAE]  }
0x28: {  	s2 =	sld [smem:$0x3FAF]  }
0x29: {  	s4 =	sld [smem:$0x3FB1]  }
0x2a: {  	p0 =	seq.s32 s5, $0x0;
	s5 =	sld [smem:$0x3FB2]  }
0x2b: {  	s6 =	sld [smem:$0x3FB3]  }
0x2c: {  	s7 =	sld [smem:$0x3FB4]  }
0x2d: {  	s3 =	simm.s32 $0x108;
	s8 =	sld [smem:$0x3FB5]  }
0x2e: {  	s3 =	simm.s32 @!p0 $0x1082;
	s9 =	sld [smem:$0x3FB6]  }
0x2f: {  	lr =	sadd.s32 s0, s3;
	s0 =	sld [smem:$0x3FAD]  }
0x30: {  	s3 =	sld [smem:$0x3FB0]  }
0x31: {  	[smem:$0x3FB9] =	sst s10  }
0x32: {  	s10 =	sld [smem:$0x3FB7];
	_ =	sdelay $0x3  }
0x33: {  	p0 =	seq.s32 s10, $0x1;
	s10 =	sld [smem:$0x3FB9];
	_ =	sdelay $0x3  }
0x34: {  	[smem:$0x3FB9] =	sst s10  }
0x35: {  	s10 =	sld [smem:$0x3FB8];
	_ =	sdelay $0x3  }
0x36: {  	p1 =	seq.s32 s10, $0x1;
	s10 =	sld [smem:$0x3FB9];
	_ =	sdelay $0x3  }
0x37: {  	[smem:$0x3FB9] =	sst s10  }
0x38: {  	s10 =	sld [smem:$0x3FBA]  }
0x39: {  	_ = 	snop;
	(pc) =	sbr.ind lr, $3  }
0x3a: {  	_ = 	snop  }
0x3b: {  	_ = 	snop  }
0x3c: {  	p2 =	seq.s32 s10, $0x1;
	s10 =	sld [smem:$0x3FB9]  }
0x3d: {  	_ =	shalt  }
0x3e: {  	_ =	shalt  }
0x3f: {  	_ =	shalt  }
0x40: {  	_ =	shalt  }
0x41: {  	_ =	shalt  }
0x42: {  	_ =	shalt  }
0x43: {  	_ =	shalt  }
0x44: {  	_ =	shalt  }
0x45: {  	_ =	shalt  }
0x46: {  	_ =	shalt  }
0x47: {  	_ =	shalt  }
0x48: {  	_ =	shalt  }
0x49: {  	_ =	shalt  }
0x4a: {  	_ =	shalt  }
0x4b: {  	_ =	shalt  }
0x4c: {  	_ =	shalt  }
0x4d: {  	_ =	shalt  }
0x4e: {  	_ =	shalt  }
0x4f: {  	_ =	shalt  }
0x50: {  	_ =	shalt  }
0x51: {  	_ =	shalt  }
0x52: {  	_ =	shalt  }
0x53: {  	_ =	shalt  }
0x54: {  	_ =	shalt  }
0x55: {  	_ =	shalt  }
0x56: {  	_ =	shalt  }
0x57: {  	_ =	shalt  }
0x58: {  	_ =	shalt  }
0x59: {  	_ =	shalt  }
0x5a: {  	_ =	shalt  }
0x5b: {  	_ =	shalt  }
0x5c: {  	_ =	shalt  }
0x5d: {  	_ =	shalt  }
0x5e: {  	_ =	shalt  }
0x5f: {  	_ =	shalt  }
0x60: {  	_ =	shalt  }
0x61: {  	_ =	shalt  }
0x62: {  	_ =	shalt  }
0x63: {  	_ =	shalt  }
0x64: {  	_ =	shalt  }
0x65: {  	_ =	shalt  }
0x66: {  	_ =	shalt  }
0x67: {  	_ =	shalt  }
0x68: {  	_ =	shalt  }
0x69: {  	_ =	shalt  }
0x6a: {  	_ =	shalt  }
0x6b: {  	_ =	shalt  }
0x6c: {  	_ =	shalt  }
0x6d: {  	_ =	shalt  }
0x6e: {  	_ =	shalt  }
0x6f: {  	_ =	shalt  }
0x70: {  	_ =	shalt  }
0x71: {  	_ =	shalt  }
0x72: {  	_ =	shalt  }
0x73: {  	_ =	shalt  }
0x74: {  	_ =	shalt  }
0x75: {  	_ =	shalt  }
0x76: {  	_ =	shalt  }
0x77: {  	_ =	shalt  }
0x78: {  	_ =	shalt  }
0x79: {  	_ =	shalt  }
0x7a: {  	_ =	shalt  }
0x7b: {  	_ =	shalt  }
0x7c: {  	_ =	shalt  }
0x7d: {  	_ =	shalt  }
0x7e: {  	_ =	shalt  }
0x7f: {  	_ =	shalt  }
0x80: {  	_ =	shalt  }
0x81: {  	_ =	shalt  }
0x82: {  	_ =	shalt  }
0x83: {  	_ =	shalt  }
0x84: {  	_ =	shalt  }
0x85: {  	_ =	shalt  }
0x86: {  	_ =	shalt  }
0x87: {  	_ =	shalt  }
.Lfunc_end0:
.L_simem_size_0:
called_computation.1_lowered:
.L_overlay_start_0:
0x88: {  	s2 =	sld [smem:$0x3FD9]  }
0x89: {  	s3 =	sld [smem:$0x3FFE];
	_ =	sdelay $0x1  }
0x8a: {  	s1 =	srdreg.scid  }
0x8b: {  	s0 =	sand.u32 $0x1, s1  }
0x8c: {  	s14 =	sshll.u32 s0, $0xA;
	s2 =	sadd.s32 s3, s2  }
0x8d: {  	s2 =	sadd.s32 s2, s14  }
0x8e: {  	[smem:$0x3FC5] =	sst s2  }
0x8f: {  	_ = 	snop  }
0x90: {  	s2 =	sld [smem:$0x3FD0];
	_ =	sdelay $0x2  }
0x91: {  	s15 =	simm.s32 $0xA;
	s4 =	simm.s32 $0x10  }
0x92: {  	[smem:s4], [sflag:s15] =	dma.local [hbm:s2], $0x1  }
0x93: {  	_ =	swait.eq [sflag:s15], $0x1  }
0x94: {  	[sflag:s15] =	ssyncset.done $0x0  }
0x95: {  	[sflag:s15] =	ssyncadd.s32 $0xFFFFFFFF  }
0x96: {  	s16 =	sld [smem:$0x10];
	(tm) =	ssettm $0x1  }
0x97: {  	s17 =	sld [smem:$0x3FFB];
	_ =	sdelay $0x3  }
0x98: {  	_ =	strace s17  }
0x99: {  	s3 =	sld [smem:$0x3FFC];
	_ =	sdelay $0x3  }
0x9a: {  	_ =	strace s3  }
0x9b: {  	s3 =	sld [smem:$0x3FFD];
	_ =	sdelay $0x3  }
0x9c: {  	_ =	strace s3  }
0x9d: {  	_ =	strace $0x8FFFFFFF  }
0x9e: {  	s18 =	sld [smem:$0x3FDB];
	_ =	sdelay $0x1  }
0x9f: {  	s19 =	simm.s32 $_scs_section_size  }
0xa0: {  	s5 =	simm.s32 $_size__tile_overlayer_lowered;
	s6 =	simm.s32 $_tile_overlayer_lowered  }
0xa1: {  	s22 =	simm.s32 $0x1BFF;
	s21 =	sshll.u32 s6, $0x1;
	s3 =	sadd.s32 s19, s18  }
0xa2: {  	s7 =	simm.s32 $0x0;
	s20 =	sshll.u32 s5, $0x1;
	s5 =	sadd.s32 s21, s3  }
0xa3: {  	[timem:s7], [sflag:s22] =	dma.local [hbm:s5], s20  }
0xa4: {  	_ =	swait.ge [sflag:s22], s20  }
0xa5: {  	s4 =	ssub.s32 $0x0, s20;
	[sflag:s22] =	ssyncset.done $0x0  }
0xa6: {  	[sflag:s22] =	ssyncadd.s32 s4;
	_ =	sdelay $0x1  }
0xa7: {  	s23 =	simm.s32 $0x1B8B  }
0xa8: {  	_ =	swait.ge [sflag:s23], $0x1  }
0xa9: {  	[sflag:s23] =	ssyncset.done $0x0  }
0xaa: {  	s25 =	simm.s32 $0x1B8E;
	s24 =	sld [smem:$0x3FFE];
	[sflag:s23] =	ssyncadd.s32 $0xFFFFFFFF  }
0xab: {  	s26 =	simm.s32 $execute0_lowered;
	[smem:$0x3FD2] =	sst s25  }
0xac: {  	s5 =	sshll.u32 s26, $0x1;
	_ =	strace $0x80000046;
	[dreg:$0x1] =	wrdreg $0xFFFFFFFF  }
0xad: {  	s28 =	simm.s32 $_size_execute0_lowered;
	s3 =	sadd.s32 s3, s5;
	[dreg:$0x0] =	wrdreg $0x0  }
0xae: {  	s5 =	sshll.u32 s28, $0x1;
	[dreg:$0x2] =	wrdreg s3  }
0xaf: {  	[dreg:$0x3] =	wrdreg s5  }
0xb0: {  	[dreg:$0x4] =	wrdreg $0xC0  }
0xb1: {  	_ =	task [dreg:s7], $0x5FFFF  }
0xb2: {  	[dreg:$0x1] =	wrdreg $0xFFFFFFFF  }
0xb3: {  	[dreg:$0x0] =	wrdreg $0x60  }
0xb4: {  	[dreg:$0x2] =	wrdreg s24  }
0xb5: {  	[dreg:$0x3] =	wrdreg s16  }
0xb6: {  	[dreg:$0x4] =	wrdreg $0x9  }
0xb7: {  	_ =	task.clear_ibuf [dreg:s7], $0x5FFFF;
	_ =	strace $0x90000046  }
0xb8: {  	s29 =	simm.s32 $0x9;
	_ =	strace $0x80000048  }
0xb9: {  	_ =	swait.ge [sflag:s29], $0x1  }
0xba: {  	[sflag:s29] =	ssyncadd.s32 $0xFFFFFFFF  }
0xbb: {  	_ =	strace $0x90000048  }
0xbc: {  	_ =	sfence  }
0xbd: {  	s30 =	sld [smem:$0x0];
	_ =	sdelay $0x2  }
0xbe: {  	s31 =	sshll.u32 s1, $0xD;
	s1 =	sshrl.u32 s1, $0x2  }
0xbf: {  	s3 =	sand.u32 $0x4000, s31;
	s1 =	sadd.s32 s1, s30  }
0xc0: {  	s0 =	sor.u32 s3, s0;
	s1 =	sshll.u32 s1, $0x11  }
0xc1: {  	s0 =	sor.u32 s1, s0  }
0xc2: {  	s0 =	sadd.s32 $0x8F2B, s0  }
0xc3: {  	[sflag:s0] =	ssyncadd.remote.s32 $0x1  }
0xc4: {  	_ =	sfence.sel $0xFFFF  }
0xc5: {  	[dreg:$0x0] =	wrdreg $0xFFFFFFFF;
	(pc) =	sbr.abs _section_cstart, $3  }
0xc6: {  	[dreg:$0x1] =	wrdreg $0xFFFFFFFF  }
0xc7: {  	_ =	task.clear_ibuf [dreg:s7], $0x2FFFF;
	_ =	strace $0x9FFFFFFF  }
0xc8: {  	(tm) =	ssettm $0x7FFFFFFF  }
0xc9: {  	_ =	shalt  }
tec
execute0_lowered:
.L_overlay_start_1:
0x0: {  	(tag) =	ssettag $0x1  }
0x1: {  	s2 =	srdreg.scid;
	s0 =	stileid.u32  }
0x2: {  	s3 =	sand.u32 $0x1, s2;
	s4 =	sshll.u32 s0, $0x1  }
0x3: {  	s1 =	rddreg [dreg:$0x0];
	s4 =	sor.u32 s3, s4  }
0x4: {  	s5 =	rddreg [dreg:$0x1];
	s2 =	simm.s32 $0x0;
	s6 =	smul.u32 $0x50, s4  }
0x5: {  	s7 =	sadd.s32 $0xE00, s1;
	[smem:$0x7FF] =	sst s2;
	s9 =	smul.u32 $0x13880, s4  }
0x6: {  	_ =	strace $0x80000047;
	s8 =	smul.u32 $0x9C400, s4;
	s4 =	sshll.u32 s4, $0x1  }
0x7: {  	[dreg:$0x3] =	wrdreg s7;
	s4 =	sadd.s32 s4, s1;
	s15 =	sadd.s32 s5, s9  }
0x8: {  	s6 =	sadd.s32 s6, s1;
	s4 =	sadd.s32 $0x20E00, s4;
	[dreg:$0x6] =	wrdreg s15  }
0x9: {  	s14 =	sshrl.u32 s8, $0x3;
	s13 =	sadd.s32 $0x1FA00, s6;
	[smem:$0x7FD] =	sst s4  }
0xa: {  	s6 =	sadd.s32 $0x20400, s6;
	s5 =	sadd.s32 s5, s14;
	[dreg:$0x4] =	wrdreg s13  }
0xb: {  	[dreg:$0x5] =	wrdreg s6;
	s16 =	sadd.s32 $0x9C4, s5  }
0xc: {  	s17 =	sadd.s32 $0x1388, s5;
	[dreg:$0x7] =	wrdreg s16  }
0xd: {  	s18 =	sadd.s32 $0x1D4C, s5;
	[dreg:$0x8] =	wrdreg s17  }
0xe: {  	s19 =	sadd.s32 $0x2710, s5;
	[dreg:$0x9] =	wrdreg s18  }
0xf: {  	s20 =	sadd.s32 $0x30D4, s5;
	[dreg:$0xa] =	wrdreg s19  }
0x10: {  	s21 =	sadd.s32 $0x3A98, s5;
	[dreg:$0xb] =	wrdreg s20  }
0x11: {  	s22 =	sadd.s32 $0x445C, s5;
	[dreg:$0xc] =	wrdreg s21  }
0x12: {  	s23 =	sadd.s32 $0x4E20, s5;
	[dreg:$0xd] =	wrdreg s22  }
0x13: {  	s24 =	sadd.s32 $0x57E4, s5;
	[dreg:$0xe] =	wrdreg s23  }
0x14: {  	s25 =	sadd.s32 $0x61A8, s5;
	[dreg:$0xf] =	wrdreg s24  }
0x15: {  	s26 =	sadd.s32 $0x6B6C, s5;
	[dreg:$0x10] =	wrdreg s25  }
0x16: {  	s0 =	sadd.s32 $0x7530, s5;
	[dreg:$0x11] =	wrdreg s26  }
0x17: {  	s7 =	sadd.s32 $0x7EF4, s5;
	[dreg:$0x12] =	wrdreg s0  }
0x18: {  	s8 =	sadd.s32 $0x88B8, s5;
	[dreg:$0x13] =	wrdreg s7  }
0x19: {  	s9 =	sadd.s32 $0x927C, s5;
	[dreg:$0x14] =	wrdreg s8  }
0x1a: {  	s10 =	sadd.s32 $0x9C40, s5;
	[dreg:$0x15] =	wrdreg s9  }
0x1b: {  	s11 =	sadd.s32 $0xA604, s5;
	[dreg:$0x16] =	wrdreg s10  }
0x1c: {  	s28 =	simm.s32 $0x1E0;
	s12 =	sadd.s32 $0xAFC8, s5;
	[dreg:$0x17] =	wrdreg s11  }
0x1d: {  	s29 =	simm.s32 $0x208;
	s13 =	sadd.s32 $0xB98C, s5;
	[dreg:$0x18] =	wrdreg s12  }
0x1e: {  	s30 =	simm.s32 $0x230;
	s14 =	sadd.s32 $0xC350, s5;
	[dreg:$0x19] =	wrdreg s13  }
0x1f: {  	s31 =	simm.s32 $0x258;
	s15 =	sadd.s32 $0xCD14, s5;
	[dreg:$0x1a] =	wrdreg s14  }
0x20: {  	s3 =	ssub.s32 $0x2, s3;
	[dreg:$0x1b] =	wrdreg s15;
	s16 =	sadd.s32 $0xD6D8, s5  }
0x21: {  	s17 =	sadd.s32 $0xE09C, s5;
	s18 =	sadd.s32 $0xEA60, s5;
	[dreg:$0x1c] =	wrdreg s16  }
0x22: {  	s19 =	sadd.s32 $0xF424, s5;
	s20 =	sadd.s32 $0xFDE8, s5;
	[dreg:$0x1d] =	wrdreg s17  }
0x23: {  	s21 =	sadd.s32 $0x107AC, s5;
	s22 =	sadd.s32 $0x11170, s5;
	[dreg:$0x1e] =	wrdreg s18  }
0x24: {  	s23 =	sadd.s32 $0x11B34, s5;
	s24 =	sadd.s32 $0x124F8, s5;
	[dreg:$0x1f] =	wrdreg s19  }
0x25: {  	s25 =	sshrl.u32 s3, $0x1;
	s5 =	sadd.s32 $0x12EBC, s5;
	[smem:$0x7F7] =	sst s20  }
0x26: {  	s7 =	simm.s32 $0x520;
	s8 =	simm.s32 $0x28;
	[smem:$0x7F8] =	sst s21  }
0x27: {  	s9 =	simm.s32 $0x908;
	s10 =	simm.s32 $0xA548;
	[smem:$0x7F9] =	sst s22  }
0x28: {  	v0 =	vimm.s32 $0x9858;
	vm0 =	vcmask $0x300;
	s11 =	simm.s32 $0x1;
	s12 =	simm.s32 $0x5728;
	[smem:$0x7FA] =	sst s23  }
0x29: {  	v0 =	vsel vm0, $0x7D00, v0;
	vm0 =	vcmask $0x704;
	s13 =	simm.s32 $0x3;
	s14 =	simm.s32 $0x50;
	[smem:$0x7FB] =	sst s24  }
0x2a: {  	v0 =	vsel vm0, $0x80E8, v0;
	vm0 =	vcmask $0xB08;
	s15 =	simm.s32 $0x2;
	s26 =	ssub.s32 s3, s25;
	[smem:$0x7FC] =	sst s5  }
0x2b: {  	v0 =	vsel vm0, $0x84D0, v0;
	vm0 =	vcmask $0xF0C;
	s3 =	sadd.s32 $0x1000, s1;
	s5 =	simm.s32 $0x5;
	s16 =	simm.s32 $0xF368  }
0x2c: {  	v1 =	vlaneseq.u32;
	v2 =	vsel vm0, $0x88B8, v0;
	vm0 =	vcmask $0x1310;
	s17 =	simm.s32 $0x4;
	s18 =	simm.s32 $0x78;
	s19 =	simm.s32 $0xA0  }
0x2d: {  	v28 =	vmul.u32 $0x3E8, v1;
	v1 =	vsel vm0, $0x8CA0, v2;
	vm0 =	vcmask $0x1714;
	s20 =	simm.s32 $0xC8;
	s21 =	simm.s32 $0xF0;
	s22 =	simm.s32 $0x118  }
0x2e: {  	v1 =	vsel vm0, $0x9088, v1;
	vm0 =	vcmask $0x1B18;
	s23 =	simm.s32 $0x140;
	s24 =	simm.s32 $0x168;
	s25 =	simm.s32 $0x190  }
0x2f: {  	v2 =	vadd.s32 $0x3E80, v28;
	v3 =	vsel vm0, $0x9470, v1;
	vm0 =	vmmov $0xff;
	s1 =	simm.s32 $0x14188;
	s4 =	smax.u32 s26, $0x1;
	s26 =	simm.s32 $0x1B8  }
.LBB2_1:
0x30: {  	s0 =	rddreg [dreg:$0x4]  }
0x31: {  	[tilespmem:s2], [sflag:$0x5] =	stream.linear.gather [hbm4b:s0+s2], $0x280, $0x38;
	[tilespmem:$0x14198] =	vst v63  }
0x32: {  	_ =	swait.ge [sflag:s5], $0x280  }
0x33: {  	[sflag:s5] =	ssyncset.done $0x0  }
0x34: {  	s6 =	simm.s32 $0x290;
	s0 =	rddreg [dreg:$0x5];
	[sflag:s5] =	ssyncadd.s32 $0xFFFFFD80  }
0x35: {  	[tilespmem:s6], [sflag:$0x5] =	stream.linear.gather [hbm4b:s0+s2], $0x280, $0x38;
	[tilespmem:$0x14198] =	vst v63  }
0x36: {  	_ =	swait.ge [sflag:s5], $0x280  }
0x37: {  	[sflag:s5] =	ssyncset.done $0x0  }
0x38: {  	s6 =	rddreg [dreg:$0x3];
	[sflag:s5] =	ssyncadd.s32 $0xFFFFFD80  }
0x39: {  	[tilespmem:s7], [sflag:$0x5] =	stream.linear.gather [hbm4b:s6+s2], $0x3E8, $0x38;
	[tilespmem:$0x14198] =	vst v63  }
0x3a: {  	_ =	swait.ge [sflag:s5], $0x3E8  }
0x3b: {  	[sflag:s5] =	ssyncset.done $0x0  }
0x3c: {  	v0 =	vimm.s32 $0x0;
	[sflag:s5] =	ssyncadd.s32 $0xFFFFFC18  }
0x3d: {  	[tilespmem:$0x280] =	vst v0  }
0x3e: {  	[tilespmem:$0x510] =	vst v0  }
0x3f: {  	[tilespmem:s9], [sflag:$0x1] =	stream.indirect.gather [hbm4b:s3+s8], $0x3E8, s2, s8, $0xb8;
	[tilespmem:$0x14198] =	vst v63  }
0x40: {  	_ = 	snop  }
0x41: {  	[tilespmem:s10], [sflag:$0x2] =	stream.indirect.gather [hbm4b:s3+s8], $0x3E8, s8, s8, $0xb8;
	[tilespmem:$0x14198] =	vst v63  }
0x42: {  	_ =	swait.ge [sflag:s11], $0x9C40  }
0x43: {  	[sflag:s11] =	ssyncset.done $0x0  }
0x44: {  	s0 =	rddreg [dreg:$0x6];
	[sflag:s11] =	ssyncadd.s32 $0xFFFF63C0  }
0x45: {  	[hbm4b:s0+s2] =	stream.linear.scatter [tilespmem:s9], [sflag:$0x3], $0x4E20, $0x38;
	[tilespmem:$0x14198] =	vst v63  }
0x46: {  	s6 =	rddreg [dreg:$0x7]  }
0x47: {  	[hbm4b:s6+s2] =	stream.linear.scatter [tilespmem:s12], [sflag:$0x3], $0x4E20, $0x38;
	[tilespmem:$0x14198] =	vst v63  }
0x48: {  	v4 =	vld [tilespmem:$0x290];
	_ =	sdelay $0x4  }
0x49: {  	v4 =	vadd.s32 v28, v4;
	_ =	sdelay $0x1  }
0x4a: {  	v1 =	vld [tilespmem:$0x0];
	_ =	sdelay $0x1  }
0x4b: {  	v6 =	vld [tilespmem:$0x2A0]  }
0x4c: {  	v0 =	vld.idx.msk [tilespmem:v4+s9+$0x0], $0xffff;
	_ =	sdelay $0x4  }
0x4d: {  	v6 =	vadd.s32 v2, v6;
	[tilespmem:$0x1FEC0] =	vst v0;
	v0 =	vld.idx.msk [tilespmem:v1+s7+$0x0], $0xffff  }
0x4e: {  	v5 =	vld [tilespmem:$0x2B0]  }
0x4f: {  	v8 =	vld [tilespmem:$0x10]  }
0x50: {  	v7 =	vld [tilespmem:$0x20];
	_ =	sdelay $0x1  }
0x51: {  	[tilespmem:$0x1FED0] =	vst v0;
	v0 =	vld.idx.msk [tilespmem:v6+s9+$0x0], $0xffff;
	_ =	sdelay $0x1  }
0x52: {  	vm1 =	vgt.s32 v5, $0x0  }
0x53: {  	v5 =	vnsel vm1, $0x0, v5;
	vm1 =	vgt.s32 v7, $0x0  }
0x54: {  	v7 =	vnsel vm1, $0x0, v7  }
0x55: {  	v4 =	vmin.u32 v7, $0x3E7;
	[tilespmem:$0x1FEE0] =	vst v0;
	v0 =	vld.idx.msk [tilespmem:v8+s7+$0x0], $0xffff;
	_ =	sdelay $0x4  }
0x56: {  	v5 =	vmin.u32 v5, $0x3E7;
	[tilespmem:$0x1FEF0] =	vst v0;
	v0 =	vld.idx.msk [tilespmem:v4+s7+$0x0], $0xffff  }
0x57: {  	v5 =	vadd.s32 v3, v5;
	_ =	sdelay $0x3  }
0x58: {  	[tilespmem:$0x1FF00] =	vst v0  }
0x59: {  	v22 =	vld.idx.msk [tilespmem:v5+s9+$0x0], $0xffff;
	_ =	swait.ge [sflag:s13], $0x4E20  }
0x5a: {  	[sflag:s13] =	ssyncset.done $0x0  }
0x5b: {  	[sflag:s13] =	ssyncadd.s32 $0xFFFFB1E0  }
0x5c: {  	_ =	swait.ge [sflag:s13], $0x4E20  }
0x5d: {  	[sflag:s13] =	ssyncset.done $0x0  }
0x5e: {  	[sflag:s13] =	ssyncadd.s32 $0xFFFFB1E0  }
0x5f: {  	[tilespmem:s9], [sflag:$0x1] =	stream.indirect.gather [hbm4b:s3+s8], $0x3E8, s14, s8, $0xb8;
	[tilespmem:$0x14198] =	vst v63  }
0x60: {  	_ =	swait.ge [sflag:s15], $0x9C40  }
0x61: {  	[sflag:s15] =	ssyncset.done $0x0  }
0x62: {  	s0 =	rddreg [dreg:$0x8];
	[sflag:s15] =	ssyncadd.s32 $0xFFFF63C0  }
0x63: {  	[hbm4b:s0+s2] =	stream.linear.scatter [tilespmem:s10], [sflag:$0x4], $0x4E20, $0x38;
	[tilespmem:$0x14198] =	vst v63  }
0x64: {  	s6 =	rddreg [dreg:$0x9]  }
0x65: {  	[hbm4b:s6+s2] =	stream.linear.scatter [tilespmem:s16], [sflag:$0x4], $0x4E20, $0x38;
	[tilespmem:$0x14198] =	vst v63  }
0x66: {  	v4 =	vld [tilespmem:$0x2B8];
	_ =	sdelay $0x4  }
0x67: {  	v4 =	vadd.s32 v28, v4;
	_ =	sdelay $0x1  }
0x68: {  	v1 =	vld [tilespmem:$0x28];
	_ =	sdelay $0x1  }
0x69: {  	v47 =	vld [tilespmem:$0x2C8]  }
0x6a: {  	v0 =	vld.idx.msk [tilespmem:v4+s10+$0x0], $0xffff;
	_ =	sdelay $0x4  }
0x6b: {  	v6 =	vadd.s32 v2, v47;
	[tilespmem:$0x1FF10] =	vst v0;
	v0 =	vld.idx.msk [tilespmem:v1+s7+$0x0], $0xffff  }
0x6c: {  	v5 =	vld [tilespmem:$0x2D8]  }
0x6d: {  	v49 =	vld [tilespmem:$0x38];
	_ =	sdelay $0x2  }
0x6e: {  	[tilespmem:$0x1FF20] =	vst v0;
	v0 =	vld.idx.msk [tilespmem:v6+s10+$0x0], $0xffff;
	_ =	sdelay $0x1  }
0x6f: {  	vm1 =	vgt.s32 v5, $0x0  }
0x70: {  	v48 =	vld [tilespmem:$0x48];
	v5 =	vnsel vm1, $0x0, v5  }
0x71: {  	v5 =	vmin.u32 v5, $0x3E7  }
0x72: {  	v5 =	vadd.s32 v3, v5;
	[tilespmem:$0x1FF30] =	vst v0;
	v0 =	vld.idx.msk [tilespmem:v49+s7+$0x0], $0xffff;
	_ =	sdelay $0x2  }
0x73: {  	vm1 =	vgt.s32 v48, $0x0  }
0x74: {  	v7 =	vnsel vm1, $0x0, v48  }
0x75: {  	v4 =	vmin.u32 v7, $0x3E7;
	[tilespmem:$0x1FF40] =	vst v0;
	v0 =	vld.idx.msk [tilespmem:v5+s10+$0x0], $0xffff;
	_ =	sdelay $0x4  }
0x76: {  	[tilespmem:$0x1FF50] =	vst v0;
	v0 =	vld.idx.msk [tilespmem:v4+s7+$0x0], $0xffff;
	_ =	sdelay $0x4  }
0x77: {  	[tilespmem:$0x1FF60] =	vst v0  }
0x78: {  	_ =	swait.ge [sflag:s17], $0x4E20  }
0x79: {  	[sflag:s17] =	ssyncset.done $0x0  }
0x7a: {  	[sflag:s17] =	ssyncadd.s32 $0xFFFFB1E0  }
0x7b: {  	_ =	swait.ge [sflag:s17], $0x4E20  }
0x7c: {  	[sflag:s17] =	ssyncset.done $0x0  }
0x7d: {  	[sflag:s17] =	ssyncadd.s32 $0xFFFFB1E0  }
0x7e: {  	[tilespmem:s10], [sflag:$0x2] =	stream.indirect.gather [hbm4b:s3+s8], $0x3E8, s18, s8, $0xb8;
	[tilespmem:$0x14198] =	vst v63  }
0x7f: {  	_ =	swait.ge [sflag:s11], $0x9C40  }
0x80: {  	[sflag:s11] =	ssyncset.done $0x0  }
0x81: {  	s0 =	rddreg [dreg:$0xa];
	[sflag:s11] =	ssyncadd.s32 $0xFFFF63C0  }
0x82: {  	[hbm4b:s0+s2] =	stream.linear.scatter [tilespmem:s9], [sflag:$0x3], $0x4E20, $0x38;
	[tilespmem:$0x14198] =	vst v63  }
0x83: {  	s6 =	rddreg [dreg:$0xb]  }
0x84: {  	[hbm4b:s6+s2] =	stream.linear.scatter [tilespmem:s12], [sflag:$0x3], $0x4E20, $0x38;
	[tilespmem:$0x14198] =	vst v63  }
0x85: {  	v4 =	vld [tilespmem:$0x2E0];
	_ =	sdelay $0x4  }
0x86: {  	v4 =	vadd.s32 v28, v4;
	_ =	sdelay $0x1  }
0x87: {  	v1 =	vld [tilespmem:$0x50];
	_ =	sdelay $0x1  }
0x88: {  	v50 =	vld [tilespmem:$0x2F0]  }
0x89: {  	v0 =	vld.idx.msk [tilespmem:v4+s9+$0x0], $0xffff;
	_ =	sdelay $0x4  }
0x8a: {  	v6 =	vadd.s32 v2, v50;
	[tilespmem:$0x1FF70] =	vst v0;
	v0 =	vld.idx.msk [tilespmem:v1+s7+$0x0], $0xffff  }
0x8b: {  	v5 =	vld [tilespmem:$0x300]  }
0x8c: {  	v52 =	vld [tilespmem:$0x60];
	_ =	sdelay $0x2  }
0x8d: {  	[tilespmem:$0x1FF80] =	vst v0;
	v0 =	vld.idx.msk [tilespmem:v6+s9+$0x0], $0xffff;
	_ =	sdelay $0x1  }
0x8e: {  	vm1 =	vgt.s32 v5, $0x0  }
0x8f: {  	v51 =	vld [tilespmem:$0x70];
	v5 =	vnsel vm1, $0x0, v5  }
0x90: {  	v5 =	vmin.u32 v5, $0x3E7  }
0x91: {  	v5 =	vadd.s32 v3, v5;
	[tilespmem:$0x1FF90] =	vst v0;
	v0 =	vld.idx.msk [tilespmem:v52+s7+$0x0], $0xffff;
	_ =	sdelay $0x2  }
0x92: {  	vm1 =	vgt.s32 v51, $0x0  }
0x93: {  	v7 =	vnsel vm1, $0x0, v51  }
0x94: {  	v4 =	vmin.u32 v7, $0x3E7;
	[tilespmem:$0x1FFA0] =	vst v0;
	v0 =	vld.idx.msk [tilespmem:v5+s9+$0x0], $0xffff;
	_ =	sdelay $0x4  }
0x95: {  	[tilespmem:$0x1FFB0] =	vst v0;
	v0 =	vld.idx.msk [tilespmem:v4+s7+$0x0], $0xffff;
	_ =	sdelay $0x4  }
0x96: {  	[tilespmem:$0x1FFC0] =	vst v0  }
0x97: {  	_ =	swait.ge [sflag:s13], $0x4E20  }
0x98: {  	[sflag:s13] =	ssyncset.done $0x0  }
0x99: {  	[sflag:s13] =	ssyncadd.s32 $0xFFFFB1E0  }
0x9a: {  	_ =	swait.ge [sflag:s13], $0x4E20  }
0x9b: {  	[sflag:s13] =	ssyncset.done $0x0  }
0x9c: {  	[sflag:s13] =	ssyncadd.s32 $0xFFFFB1E0  }
0x9d: {  	[tilespmem:s9], [sflag:$0x1] =	stream.indirect.gather [hbm4b:s3+s8], $0x3E8, s19, s8, $0xb8;
	[tilespmem:$0x14198] =	vst v63  }
0x9e: {  	_ =	swait.ge [sflag:s15], $0x9C40  }
0x9f: {  	[sflag:s15] =	ssyncset.done $0x0  }
0xa0: {  	s0 =	rddreg [dreg:$0xc];
	[sflag:s15] =	ssyncadd.s32 $0xFFFF63C0  }
0xa1: {  	[hbm4b:s0+s2] =	stream.linear.scatter [tilespmem:s10], [sflag:$0x4], $0x4E20, $0x38;
	[tilespmem:$0x14198] =	vst v63  }
0xa2: {  	s6 =	rddreg [dreg:$0xd]  }
0xa3: {  	[hbm4b:s6+s2] =	stream.linear.scatter [tilespmem:s16], [sflag:$0x4], $0x4E20, $0x38;
	[tilespmem:$0x14198] =	vst v63  }
0xa4: {  	v53 =	vld [tilespmem:$0x318];
	_ =	sdelay $0x1  }
0xa5: {  	v5 =	vld [tilespmem:$0x328];
	_ =	sdelay $0x2  }
0xa6: {  	v6 =	vadd.s32 v2, v53  }
0xa7: {  	v4 =	vld [tilespmem:$0x308]  }
0xa8: {  	vm1 =	vgt.s32 v5, $0x0  }
0xa9: {  	v5 =	vnsel vm1, $0x0, v5  }
0xaa: {  	v54 =	vld [tilespmem:$0x98];
	v5 =	vmin.u32 v5, $0x3E7  }
0xab: {  	v5 =	vadd.s32 v3, v5;
	v0 =	vld.idx.msk [tilespmem:v6+s10+$0x0], $0xffff  }
0xac: {  	v1 =	vld [tilespmem:$0x78];
	v4 =	vadd.s32 v28, v4  }
0xad: {  	v55 =	vld [tilespmem:$0x88];
	_ =	sdelay $0x1  }
0xae: {  	vm1 =	vgt.s32 v54, $0x0  }
0xaf: {  	v7 =	vnsel vm1, $0x0, v54;
	[tilespmem:$0x1FFD0] =	vst v0;
	v0 =	vld.idx.msk [tilespmem:v5+s10+$0x0], $0xffff  }
0xb0: {  	v24 =	vld.idx.msk [tilespmem:v4+s10+$0x0], $0xffff;
	v4 =	vmin.u32 v7, $0x3E7;
	_ =	sdelay $0x2  }
0xb1: {  	v27 =	vld.idx.msk [tilespmem:v1+s7+$0x0], $0xffff  }
0xb2: {  	v25 =	vld.idx.msk [tilespmem:v55+s7+$0x0], $0xffff;
	[tilespmem:$0x1FFE0] =	vst v0  }
0xb3: {  	v26 =	vld.idx.msk [tilespmem:v4+s7+$0x0], $0xffff;
	_ =	swait.ge [sflag:s17], $0x4E20  }
0xb4: {  	[sflag:s17] =	ssyncset.done $0x0  }
0xb5: {  	[sflag:s17] =	ssyncadd.s32 $0xFFFFB1E0  }
0xb6: {  	_ =	swait.ge [sflag:s17], $0x4E20  }
0xb7: {  	[sflag:s17] =	ssyncset.done $0x0  }
0xb8: {  	[sflag:s17] =	ssyncadd.s32 $0xFFFFB1E0  }
0xb9: {  	[tilespmem:s10], [sflag:$0x2] =	stream.indirect.gather [hbm4b:s3+s8], $0x3E8, s20, s8, $0xb8;
	[tilespmem:$0x14198] =	vst v63  }
0xba: {  	_ =	swait.ge [sflag:s11], $0x9C40  }
0xbb: {  	[sflag:s11] =	ssyncset.done $0x0  }
0xbc: {  	s0 =	rddreg [dreg:$0xe];
	[sflag:s11] =	ssyncadd.s32 $0xFFFF63C0  }
0xbd: {  	[hbm4b:s0+s2] =	stream.linear.scatter [tilespmem:s9], [sflag:$0x3], $0x4E20, $0x38;
	[tilespmem:$0x14198] =	vst v63  }
0xbe: {  	s6 =	rddreg [dreg:$0xf]  }
0xbf: {  	[hbm4b:s6+s2] =	stream.linear.scatter [tilespmem:s12], [sflag:$0x3], $0x4E20, $0x38;
	[tilespmem:$0x14198] =	vst v63  }
0xc0: {  	v5 =	vld [tilespmem:$0x350];
	_ =	sdelay $0x3  }
0xc1: {  	v4 =	vld [tilespmem:$0x330]  }
0xc2: {  	vm1 =	vgt.s32 v5, $0x0  }
0xc3: {  	v1 =	vld [tilespmem:$0xA0];
	v5 =	vnsel vm1, $0x0, v5  }
0xc4: {  	v57 =	vld [tilespmem:$0xC0];
	v5 =	vmin.u32 v5, $0x3E7  }
0xc5: {  	v56 =	vld [tilespmem:$0x340];
	v5 =	vadd.s32 v3, v5  }
0xc6: {  	v58 =	vld [tilespmem:$0xB0];
	v4 =	vadd.s32 v28, v4;
	_ =	sdelay $0x2  }
0xc7: {  	vm1 =	vgt.s32 v57, $0x0  }
0xc8: {  	v6 =	vadd.s32 v2, v56;
	v7 =	vnsel vm1, $0x0, v57;
	v0 =	vld.idx.msk [tilespmem:v5+s9+$0x0], $0xffff  }
0xc9: {  	v32 =	vld.idx.msk [tilespmem:v4+s9+$0x0], $0xffff;
	v4 =	vmin.u32 v7, $0x3E7;
	_ =	sdelay $0x1  }
0xca: {  	v33 =	vld.idx.msk [tilespmem:v1+s7+$0x0], $0xffff  }
0xcb: {  	v31 =	vld.idx.msk [tilespmem:v58+s7+$0x0], $0xffff  }
0xcc: {  	v29 =	vld.idx.msk [tilespmem:v6+s9+$0x0], $0xffff;
	[tilespmem:$0x1FFF0] =	vst v0  }
0xcd: {  	v30 =	vld.idx.msk [tilespmem:v4+s7+$0x0], $0xffff;
	_ =	swait.ge [sflag:s13], $0x4E20  }
0xce: {  	[sflag:s13] =	ssyncset.done $0x0  }
0xcf: {  	[sflag:s13] =	ssyncadd.s32 $0xFFFFB1E0  }
0xd0: {  	_ =	swait.ge [sflag:s13], $0x4E20  }
0xd1: {  	[sflag:s13] =	ssyncset.done $0x0  }
0xd2: {  	[sflag:s13] =	ssyncadd.s32 $0xFFFFB1E0  }
0xd3: {  	[tilespmem:s9], [sflag:$0x1] =	stream.indirect.gather [hbm4b:s3+s8], $0x3E8, s21, s8, $0xb8;
	[tilespmem:$0x14198] =	vst v63  }
0xd4: {  	_ =	swait.ge [sflag:s15], $0x9C40  }
0xd5: {  	[sflag:s15] =	ssyncset.done $0x0  }
0xd6: {  	s0 =	rddreg [dreg:$0x10];
	[sflag:s15] =	ssyncadd.s32 $0xFFFF63C0  }
0xd7: {  	[hbm4b:s0+s2] =	stream.linear.scatter [tilespmem:s10], [sflag:$0x4], $0x4E20, $0x38;
	[tilespmem:$0x14198] =	vst v63  }
0xd8: {  	s6 =	rddreg [dreg:$0x11]  }
0xd9: {  	[hbm4b:s6+s2] =	stream.linear.scatter [tilespmem:s16], [sflag:$0x4], $0x4E20, $0x38;
	[tilespmem:$0x14198] =	vst v63  }
0xda: {  	v1 =	vld [tilespmem:$0xC8]  }
0xdb: {  	v4 =	vld [tilespmem:$0x358]  }
0xdc: {  	v5 =	vld [tilespmem:$0x378]  }
0xdd: {  	v59 =	vld [tilespmem:$0x368]  }
0xde: {  	v60 =	vld [tilespmem:$0xE8]  }
0xdf: {  	v61 =	vld [tilespmem:$0xD8]  }
0xe0: {  	v4 =	vadd.s32 v28, v4  }
0xe1: {  	vm1 =	vgt.s32 v5, $0x0  }
0xe2: {  	v5 =	vnsel vm1, $0x0, v5  }
0xe3: {  	v6 =	vadd.s32 v2, v59;
	vm1 =	vgt.s32 v60, $0x0;
	v5 =	vmin.u32 v5, $0x3E7  }
0xe4: {  	v7 =	vnsel vm1, $0x0, v60;
	v5 =	vadd.s32 v3, v5  }
0xe5: {  	v36 =	vld.idx.msk [tilespmem:v4+s10+$0x0], $0xffff;
	v4 =	vmin.u32 v7, $0x3E7  }
0xe6: {  	v39 =	vld.idx.msk [tilespmem:v1+s7+$0x0], $0xffff  }
0xe7: {  	v37 =	vld.idx.msk [tilespmem:v61+s7+$0x0], $0xffff  }
0xe8: {  	v34 =	vld.idx.msk [tilespmem:v6+s10+$0x0], $0xffff  }
0xe9: {  	v35 =	vld.idx.msk [tilespmem:v5+s10+$0x0], $0xffff  }
0xea: {  	v38 =	vld.idx.msk [tilespmem:v4+s7+$0x0], $0xffff;
	_ =	swait.ge [sflag:s17], $0x4E20  }
0xeb: {  	[sflag:s17] =	ssyncset.done $0x0  }
0xec: {  	[sflag:s17] =	ssyncadd.s32 $0xFFFFB1E0  }
0xed: {  	_ =	swait.ge [sflag:s17], $0x4E20  }
0xee: {  	[sflag:s17] =	ssyncset.done $0x0  }
0xef: {  	[sflag:s17] =	ssyncadd.s32 $0xFFFFB1E0  }
0xf0: {  	[tilespmem:s10], [sflag:$0x2] =	stream.indirect.gather [hbm4b:s3+s8], $0x3E8, s22, s8, $0xb8;
	[tilespmem:$0x14198] =	vst v63  }
0xf1: {  	_ =	swait.ge [sflag:s11], $0x9C40  }
0xf2: {  	[sflag:s11] =	ssyncset.done $0x0  }
0xf3: {  	s0 =	rddreg [dreg:$0x12];
	[sflag:s11] =	ssyncadd.s32 $0xFFFF63C0  }
0xf4: {  	[hbm4b:s0+s2] =	stream.linear.scatter [tilespmem:s9], [sflag:$0x3], $0x4E20, $0x38;
	[tilespmem:$0x14198] =	vst v63  }
0xf5: {  	s6 =	rddreg [dreg:$0x13]  }
0xf6: {  	[hbm4b:s6+s2] =	stream.linear.scatter [tilespmem:s12], [sflag:$0x3], $0x4E20, $0x38;
	[tilespmem:$0x14198] =	vst v63  }
0xf7: {  	v1 =	vld [tilespmem:$0xF0]  }
0xf8: {  	v4 =	vld [tilespmem:$0x380]  }
0xf9: {  	v5 =	vld [tilespmem:$0x3A0]  }
0xfa: {  	v62 =	vld [tilespmem:$0x390]  }
0xfb: {  	v63 =	vld [tilespmem:$0x110]  }
0xfc: {  	v12 =	vld [tilespmem:$0x100]  }
0xfd: {  	v4 =	vadd.s32 v28, v4  }
0xfe: {  	vm1 =	vgt.s32 v5, $0x0  }
0xff: {  	v5 =	vnsel vm1, $0x0, v5  }
0x100: {  	v6 =	vadd.s32 v2, v62;
	vm1 =	vgt.s32 v63, $0x0;
	v5 =	vmin.u32 v5, $0x3E7  }
0x101: {  	v7 =	vnsel vm1, $0x0, v63;
	v5 =	vadd.s32 v3, v5  }
0x102: {  	v42 =	vld.idx.msk [tilespmem:v4+s9+$0x0], $0xffff;
	v4 =	vmin.u32 v7, $0x3E7  }
0x103: {  	v45 =	vld.idx.msk [tilespmem:v1+s7+$0x0], $0xffff  }
0x104: {  	v43 =	vld.idx.msk [tilespmem:v12+s7+$0x0], $0xffff  }
0x105: {  	v40 =	vld.idx.msk [tilespmem:v6+s9+$0x0], $0xffff  }
0x106: {  	v41 =	vld.idx.msk [tilespmem:v5+s9+$0x0], $0xffff  }
0x107: {  	v44 =	vld.idx.msk [tilespmem:v4+s7+$0x0], $0xffff;
	_ =	swait.ge [sflag:s13], $0x4E20  }
0x108: {  	[sflag:s13] =	ssyncset.done $0x0  }
0x109: {  	[sflag:s13] =	ssyncadd.s32 $0xFFFFB1E0  }
0x10a: {  	_ =	swait.ge [sflag:s13], $0x4E20  }
0x10b: {  	[sflag:s13] =	ssyncset.done $0x0  }
0x10c: {  	[sflag:s13] =	ssyncadd.s32 $0xFFFFB1E0  }
0x10d: {  	[tilespmem:s9], [sflag:$0x1] =	stream.indirect.gather [hbm4b:s3+s8], $0x3E8, s23, s8, $0xb8;
	[tilespmem:$0x14198] =	vst v63  }
0x10e: {  	_ =	swait.ge [sflag:s15], $0x9C40  }
0x10f: {  	[sflag:s15] =	ssyncset.done $0x0  }
0x110: {  	s0 =	rddreg [dreg:$0x14];
	[sflag:s15] =	ssyncadd.s32 $0xFFFF63C0  }
0x111: {  	[hbm4b:s0+s2] =	stream.linear.scatter [tilespmem:s10], [sflag:$0x4], $0x4E20, $0x38;
	[tilespmem:$0x14198] =	vst v63  }
0x112: {  	s6 =	rddreg [dreg:$0x15]  }
0x113: {  	[hbm4b:s6+s2] =	stream.linear.scatter [tilespmem:s16], [sflag:$0x4], $0x4E20, $0x38;
	[tilespmem:$0x14198] =	vst v63  }
0x114: {  	v1 =	vld [tilespmem:$0x118]  }
0x115: {  	v4 =	vld [tilespmem:$0x3A8]  }
0x116: {  	v5 =	vld [tilespmem:$0x3C8]  }
0x117: {  	v13 =	vld [tilespmem:$0x3B8]  }
0x118: {  	v14 =	vld [tilespmem:$0x138]  }
0x119: {  	v15 =	vld [tilespmem:$0x128]  }
0x11a: {  	v4 =	vadd.s32 v28, v4  }
0x11b: {  	vm1 =	vgt.s32 v5, $0x0  }
0x11c: {  	v5 =	vnsel vm1, $0x0, v5  }
0x11d: {  	v6 =	vadd.s32 v2, v13;
	vm1 =	vgt.s32 v14, $0x0;
	v5 =	vmin.u32 v5, $0x3E7  }
0x11e: {  	v7 =	vnsel vm1, $0x0, v14;
	v5 =	vadd.s32 v3, v5  }
0x11f: {  	v50 =	vld.idx.msk [tilespmem:v4+s10+$0x0], $0xffff;
	v4 =	vmin.u32 v7, $0x3E7  }
0x120: {  	v51 =	vld.idx.msk [tilespmem:v1+s7+$0x0], $0xffff  }
0x121: {  	v48 =	vld.idx.msk [tilespmem:v15+s7+$0x0], $0xffff  }
0x122: {  	v46 =	vld.idx.msk [tilespmem:v6+s10+$0x0], $0xffff  }
0x123: {  	v47 =	vld.idx.msk [tilespmem:v5+s10+$0x0], $0xffff  }
0x124: {  	v49 =	vld.idx.msk [tilespmem:v4+s7+$0x0], $0xffff;
	_ =	swait.ge [sflag:s17], $0x4E20  }
0x125: {  	[sflag:s17] =	ssyncset.done $0x0  }
0x126: {  	[sflag:s17] =	ssyncadd.s32 $0xFFFFB1E0  }
0x127: {  	_ =	swait.ge [sflag:s17], $0x4E20  }
0x128: {  	[sflag:s17] =	ssyncset.done $0x0  }
0x129: {  	[sflag:s17] =	ssyncadd.s32 $0xFFFFB1E0  }
0x12a: {  	[tilespmem:s10], [sflag:$0x2] =	stream.indirect.gather [hbm4b:s3+s8], $0x3E8, s24, s8, $0xb8;
	[tilespmem:$0x14198] =	vst v63  }
0x12b: {  	_ =	swait.ge [sflag:s11], $0x9C40  }
0x12c: {  	[sflag:s11] =	ssyncset.done $0x0  }
0x12d: {  	s0 =	rddreg [dreg:$0x16];
	[sflag:s11] =	ssyncadd.s32 $0xFFFF63C0  }
0x12e: {  	[hbm4b:s0+s2] =	stream.linear.scatter [tilespmem:s9], [sflag:$0x3], $0x4E20, $0x38;
	[tilespmem:$0x14198] =	vst v63  }
0x12f: {  	s6 =	rddreg [dreg:$0x17]  }
0x130: {  	[hbm4b:s6+s2] =	stream.linear.scatter [tilespmem:s12], [sflag:$0x3], $0x4E20, $0x38;
	[tilespmem:$0x14198] =	vst v63  }
0x131: {  	v1 =	vld [tilespmem:$0x140]  }
0x132: {  	v4 =	vld [tilespmem:$0x3D0]  }
0x133: {  	v5 =	vld [tilespmem:$0x3F0]  }
0x134: {  	v16 =	vld [tilespmem:$0x3E0]  }
0x135: {  	v17 =	vld [tilespmem:$0x160]  }
0x136: {  	v18 =	vld [tilespmem:$0x150]  }
0x137: {  	v4 =	vadd.s32 v28, v4  }
0x138: {  	vm1 =	vgt.s32 v5, $0x0  }
0x139: {  	v5 =	vnsel vm1, $0x0, v5  }
0x13a: {  	v6 =	vadd.s32 v2, v16;
	vm1 =	vgt.s32 v17, $0x0;
	v5 =	vmin.u32 v5, $0x3E7  }
0x13b: {  	v7 =	vnsel vm1, $0x0, v17;
	v5 =	vadd.s32 v3, v5  }
0x13c: {  	v54 =	vld.idx.msk [tilespmem:v4+s9+$0x0], $0xffff;
	v4 =	vmin.u32 v7, $0x3E7  }
0x13d: {  	v57 =	vld.idx.msk [tilespmem:v1+s7+$0x0], $0xffff  }
0x13e: {  	v55 =	vld.idx.msk [tilespmem:v18+s7+$0x0], $0xffff  }
0x13f: {  	v52 =	vld.idx.msk [tilespmem:v6+s9+$0x0], $0xffff  }
0x140: {  	v53 =	vld.idx.msk [tilespmem:v5+s9+$0x0], $0xffff  }
0x141: {  	v56 =	vld.idx.msk [tilespmem:v4+s7+$0x0], $0xffff;
	_ =	swait.ge [sflag:s13], $0x4E20  }
0x142: {  	[sflag:s13] =	ssyncset.done $0x0  }
0x143: {  	[sflag:s13] =	ssyncadd.s32 $0xFFFFB1E0  }
0x144: {  	_ =	swait.ge [sflag:s13], $0x4E20  }
0x145: {  	[sflag:s13] =	ssyncset.done $0x0  }
0x146: {  	[sflag:s13] =	ssyncadd.s32 $0xFFFFB1E0  }
0x147: {  	[tilespmem:s9], [sflag:$0x1] =	stream.indirect.gather [hbm4b:s3+s8], $0x3E8, s25, s8, $0xb8;
	[tilespmem:$0x14198] =	vst v63  }
0x148: {  	_ =	swait.ge [sflag:s15], $0x9C40  }
0x149: {  	[sflag:s15] =	ssyncset.done $0x0  }
0x14a: {  	s0 =	rddreg [dreg:$0x18];
	[sflag:s15] =	ssyncadd.s32 $0xFFFF63C0  }
0x14b: {  	[hbm4b:s0+s2] =	stream.linear.scatter [tilespmem:s10], [sflag:$0x4], $0x4E20, $0x38;
	[tilespmem:$0x14198] =	vst v63  }
0x14c: {  	s6 =	rddreg [dreg:$0x19]  }
0x14d: {  	[hbm4b:s6+s2] =	stream.linear.scatter [tilespmem:s16], [sflag:$0x4], $0x4E20, $0x38;
	[tilespmem:$0x14198] =	vst v63  }
0x14e: {  	v1 =	vld [tilespmem:$0x168]  }
0x14f: {  	v4 =	vld [tilespmem:$0x3F8]  }
0x150: {  	v5 =	vld [tilespmem:$0x418]  }
0x151: {  	v19 =	vld [tilespmem:$0x408]  }
0x152: {  	v20 =	vld [tilespmem:$0x188]  }
0x153: {  	v21 =	vld [tilespmem:$0x178]  }
0x154: {  	v4 =	vadd.s32 v28, v4  }
0x155: {  	vm1 =	vgt.s32 v5, $0x0  }
0x156: {  	v5 =	vnsel vm1, $0x0, v5  }
0x157: {  	v6 =	vadd.s32 v2, v19;
	vm1 =	vgt.s32 v20, $0x0;
	v5 =	vmin.u32 v5, $0x3E7  }
0x158: {  	v7 =	vnsel vm1, $0x0, v20;
	v5 =	vadd.s32 v3, v5  }
0x159: {  	v62 =	vld.idx.msk [tilespmem:v4+s10+$0x0], $0xffff;
	v4 =	vmin.u32 v7, $0x3E7  }
0x15a: {  	v63 =	vld.idx.msk [tilespmem:v1+s7+$0x0], $0xffff  }
0x15b: {  	v61 =	vld.idx.msk [tilespmem:v21+s7+$0x0], $0xffff  }
0x15c: {  	v59 =	vld.idx.msk [tilespmem:v6+s10+$0x0], $0xffff  }
0x15d: {  	v58 =	vld.idx.msk [tilespmem:v5+s10+$0x0], $0xffff  }
0x15e: {  	v60 =	vld.idx.msk [tilespmem:v4+s7+$0x0], $0xffff;
	_ =	swait.ge [sflag:s17], $0x4E20  }
0x15f: {  	[sflag:s17] =	ssyncset.done $0x0  }
0x160: {  	[sflag:s17] =	ssyncadd.s32 $0xFFFFB1E0  }
0x161: {  	_ =	swait.ge [sflag:s17], $0x4E20  }
0x162: {  	[sflag:s17] =	ssyncset.done $0x0  }
0x163: {  	[sflag:s17] =	ssyncadd.s32 $0xFFFFB1E0  }
0x164: {  	[tilespmem:s10], [sflag:$0x2] =	stream.indirect.gather [hbm4b:s3+s8], $0x3E8, s26, s8, $0xb8;
	[tilespmem:$0x14198] =	vst v63  }
0x165: {  	_ =	swait.ge [sflag:s11], $0x9C40  }
0x166: {  	[sflag:s11] =	ssyncset.done $0x0  }
0x167: {  	s0 =	rddreg [dreg:$0x1a];
	[sflag:s11] =	ssyncadd.s32 $0xFFFF63C0  }
0x168: {  	[hbm4b:s0+s2] =	stream.linear.scatter [tilespmem:s9], [sflag:$0x3], $0x4E20, $0x38;
	[tilespmem:$0x14198] =	vst v63  }
0x169: {  	s6 =	rddreg [dreg:$0x1b]  }
0x16a: {  	[hbm4b:s6+s2] =	stream.linear.scatter [tilespmem:s12], [sflag:$0x3], $0x4E20, $0x38;
	[tilespmem:$0x14198] =	vst v63  }
0x16b: {  	v1 =	vld [tilespmem:$0x190]  }
0x16c: {  	v4 =	vld [tilespmem:$0x420]  }
0x16d: {  	v5 =	vld [tilespmem:$0x440]  }
0x16e: {  	v23 =	vld [tilespmem:$0x430]  }
0x16f: {  	v12 =	vld [tilespmem:$0x1B0]  }
0x170: {  	v13 =	vld [tilespmem:$0x1A0]  }
0x171: {  	v4 =	vadd.s32 v28, v4  }
0x172: {  	vm1 =	vgt.s32 v5, $0x0  }
0x173: {  	v5 =	vnsel vm1, $0x0, v5  }
0x174: {  	v6 =	vadd.s32 v2, v23;
	vm1 =	vgt.s32 v12, $0x0;
	v5 =	vmin.u32 v5, $0x3E7  }
0x175: {  	v7 =	vnsel vm1, $0x0, v12;
	v5 =	vadd.s32 v3, v5  }
0x176: {  	v18 =	vld.idx.msk [tilespmem:v4+s9+$0x0], $0xffff;
	v4 =	vmin.u32 v7, $0x3E7  }
0x177: {  	v16 =	vld.idx.msk [tilespmem:v1+s7+$0x0], $0xffff  }
0x178: {  	v19 =	vld.idx.msk [tilespmem:v13+s7+$0x0], $0xffff  }
0x179: {  	v23 =	vld.idx.msk [tilespmem:v6+s9+$0x0], $0xffff  }
0x17a: {  	v20 =	vld.idx.msk [tilespmem:v5+s9+$0x0], $0xffff  }
0x17b: {  	v17 =	vld.idx.msk [tilespmem:v4+s7+$0x0], $0xffff;
	_ =	swait.ge [sflag:s13], $0x4E20  }
0x17c: {  	[sflag:s13] =	ssyncset.done $0x0  }
0x17d: {  	[sflag:s13] =	ssyncadd.s32 $0xFFFFB1E0  }
0x17e: {  	_ =	swait.ge [sflag:s13], $0x4E20  }
0x17f: {  	[sflag:s13] =	ssyncset.done $0x0  }
0x180: {  	[sflag:s13] =	ssyncadd.s32 $0xFFFFB1E0  }
0x181: {  	[tilespmem:s9], [sflag:$0x1] =	stream.indirect.gather [hbm4b:s3+s8], $0x3E8, s28, s8, $0xb8;
	[tilespmem:$0x14198] =	vst v63  }
0x182: {  	_ =	swait.ge [sflag:s15], $0x9C40  }
0x183: {  	[sflag:s15] =	ssyncset.done $0x0  }
0x184: {  	s0 =	rddreg [dreg:$0x1c];
	[sflag:s15] =	ssyncadd.s32 $0xFFFF63C0  }
0x185: {  	[hbm4b:s0+s2] =	stream.linear.scatter [tilespmem:s10], [sflag:$0x4], $0x4E20, $0x38;
	[tilespmem:$0x14198] =	vst v63  }
0x186: {  	s6 =	rddreg [dreg:$0x1d]  }
0x187: {  	[hbm4b:s6+s2] =	stream.linear.scatter [tilespmem:s16], [sflag:$0x4], $0x4E20, $0x38;
	[tilespmem:$0x14198] =	vst v63  }
0x188: {  	v1 =	vld [tilespmem:$0x1B8]  }
0x189: {  	v4 =	vld [tilespmem:$0x448]  }
0x18a: {  	v5 =	vld [tilespmem:$0x468]  }
0x18b: {  	v14 =	vld [tilespmem:$0x458]  }
0x18c: {  	v15 =	vld [tilespmem:$0x1D8]  }
0x18d: {  	v21 =	vld [tilespmem:$0x1C8]  }
0x18e: {  	v4 =	vadd.s32 v28, v4  }
0x18f: {  	vm1 =	vgt.s32 v5, $0x0  }
0x190: {  	v5 =	vnsel vm1, $0x0, v5  }
0x191: {  	v6 =	vadd.s32 v2, v14;
	vm1 =	vgt.s32 v15, $0x0;
	v5 =	vmin.u32 v5, $0x3E7  }
0x192: {  	v7 =	vnsel vm1, $0x0, v15;
	v5 =	vadd.s32 v3, v5  }
0x193: {  	v11 =	vld.idx.msk [tilespmem:v4+s10+$0x0], $0xffff;
	v4 =	vmin.u32 v7, $0x3E7  }
0x194: {  	v10 =	vld.idx.msk [tilespmem:v1+s7+$0x0], $0xffff  }
0x195: {  	v13 =	vld.idx.msk [tilespmem:v21+s7+$0x0], $0xffff  }
0x196: {  	v15 =	vld.idx.msk [tilespmem:v6+s10+$0x0], $0xffff  }
0x197: {  	v14 =	vld.idx.msk [tilespmem:v5+s10+$0x0], $0xffff  }
0x198: {  	v12 =	vld.idx.msk [tilespmem:v4+s7+$0x0], $0xffff;
	_ =	swait.ge [sflag:s17], $0x4E20  }
0x199: {  	[sflag:s17] =	ssyncset.done $0x0  }
0x19a: {  	[sflag:s17] =	ssyncadd.s32 $0xFFFFB1E0  }
0x19b: {  	_ =	swait.ge [sflag:s17], $0x4E20  }
0x19c: {  	[sflag:s17] =	ssyncset.done $0x0  }
0x19d: {  	[sflag:s17] =	ssyncadd.s32 $0xFFFFB1E0  }
0x19e: {  	[tilespmem:s10], [sflag:$0x2] =	stream.indirect.gather [hbm4b:s3+s8], $0x3E8, s29, s8, $0xb8;
	[tilespmem:$0x14198] =	vst v63  }
0x19f: {  	_ =	swait.ge [sflag:s11], $0x9C40  }
0x1a0: {  	[sflag:s11] =	ssyncset.done $0x0  }
0x1a1: {  	s0 =	rddreg [dreg:$0x1e];
	[sflag:s11] =	ssyncadd.s32 $0xFFFF63C0  }
0x1a2: {  	[hbm4b:s0+s2] =	stream.linear.scatter [tilespmem:s9], [sflag:$0x3], $0x4E20, $0x38;
	[tilespmem:$0x14198] =	vst v63  }
0x1a3: {  	s6 =	rddreg [dreg:$0x1f]  }
0x1a4: {  	[hbm4b:s6+s2] =	stream.linear.scatter [tilespmem:s12], [sflag:$0x3], $0x4E20, $0x38;
	[tilespmem:$0x14198] =	vst v63  }
0x1a5: {  	v4 =	vld [tilespmem:$0x470];
	_ =	sdelay $0x1  }
0x1a6: {  	v21 =	vld [tilespmem:$0x480]  }
0x1a7: {  	v1 =	vld [tilespmem:$0x1E0]  }
0x1a8: {  	v5 =	vld [tilespmem:$0x490]  }
0x1a9: {  	v4 =	vadd.s32 v28, v4  }
0x1aa: {  	v9 =	vld [tilespmem:$0x200]  }
0x1ab: {  	v6 =	vadd.s32 v2, v21;
	_ =	sdelay $0x1  }
0x1ac: {  	v0 =	vld [tilespmem:$0x1F0];
	vm1 =	vgt.s32 v5, $0x0  }
0x1ad: {  	v5 =	vnsel vm1, $0x0, v5;
	v7 =	vld.idx.msk [tilespmem:v4+s9+$0x0], $0xffff  }
0x1ae: {  	vm1 =	vgt.s32 v9, $0x0;
	v5 =	vmin.u32 v5, $0x3E7;
	v4 =	vld.idx.msk [tilespmem:v1+s7+$0x0], $0xffff  }
0x1af: {  	v21 =	vnsel vm1, $0x0, v9;
	v5 =	vadd.s32 v3, v5;
	v9 =	vld.idx.msk [tilespmem:v6+s9+$0x0], $0xffff  }
0x1b0: {  	v1 =	vld [tilespmem:$0x1FEC0]  }
0x1b1: {  	v6 =	vld [tilespmem:$0x1FED0];
	_ =	sdelay $0x2  }
0x1b2: {  	v8 =	vld.idx.msk [tilespmem:v5+s9+$0x0], $0xffff  }
0x1b3: {  	v5 =	vld [tilespmem:$0x1FEF0]  }
0x1b4: {  	v1 =	vsub.f32 v6, v1;
	v6 =	vld.idx.msk [tilespmem:v0+s7+$0x0], $0xffff  }
0x1b5: {  	v21 =	vmin.u32 v21, $0x3E7;
	v0 =	vld [tilespmem:$0x1FEE0];
	_ =	sdelay $0x4  }
0x1b6: {  	v5 =	vsub.f32 v5, v0;
	v0 =	vadd.f32 $0.0e+00, v1;
	v1 =	vld.idx.msk [tilespmem:v21+s7+$0x0], $0xffff  }
0x1b7: {  	v21 =	vld [tilespmem:$0x1FF00];
	_ =	sdelay $0x4  }
0x1b8: {  	v21 =	vsub.f32 v21, v22  }
0x1b9: {  	_ =	swait.ge [sflag:s13], $0x4E20;
	v0 =	vadd.f32 v5, v0  }
0x1ba: {  	v5 =	vnsel vm0, $0x0, v21;
	v21 =	vld [tilespmem:$0x1FF20]  }
0x1bb: {  	v0 =	vadd.f32 v5, v0;
	v5 =	vld [tilespmem:$0x1FF10];
	_ =	sdelay $0x2  }
0x1bc: {  	[sflag:s13] =	ssyncset.done $0x0  }
0x1bd: {  	[sflag:s13] =	ssyncadd.s32 $0xFFFFB1E0  }
0x1be: {  	_ =	swait.ge [sflag:s13], $0x4E20;
	v5 =	vsub.f32 v21, v5  }
0x1bf: {  	v21 =	vld [tilespmem:$0x1FF40]  }
0x1c0: {  	v0 =	vadd.f32 v5, v0;
	v5 =	vld [tilespmem:$0x1FF30];
	_ =	sdelay $0x3  }
0x1c1: {  	v22 =	vld [tilespmem:$0x1FF60]  }
0x1c2: {  	v5 =	vsub.f32 v21, v5;
	v21 =	vld [tilespmem:$0x1FF50];
	_ =	sdelay $0x2  }
0x1c3: {  	[sflag:s13] =	ssyncset.done $0x0  }
0x1c4: {  	[sflag:s13] =	ssyncadd.s32 $0xFFFFB1E0  }
0x1c5: {  	[tilespmem:s9], [sflag:$0x1] =	stream.indirect.gather [hbm4b:s3+s8], $0x3E8, s30, s8, $0xb8;
	v21 =	vsub.f32 v22, v21;
	[tilespmem:$0x14198] =	vst v63  }
0x1c6: {  	_ =	swait.ge [sflag:s15], $0x9C40;
	v0 =	vadd.f32 v5, v0  }
0x1c7: {  	v5 =	vnsel vm0, $0x0, v21;
	v21 =	vld [tilespmem:$0x1FF80]  }
0x1c8: {  	v0 =	vadd.f32 v5, v0;
	v5 =	vld [tilespmem:$0x1FF70];
	_ =	sdelay $0x4  }
0x1c9: {  	v5 =	vsub.f32 v21, v5  }
0x1ca: {  	v21 =	vld [tilespmem:$0x1FFA0]  }
0x1cb: {  	v0 =	vadd.f32 v5, v0;
	v5 =	vld [tilespmem:$0x1FF90];
	_ =	sdelay $0x3  }
0x1cc: {  	v22 =	vld [tilespmem:$0x1FFC0]  }
0x1cd: {  	v5 =	vsub.f32 v21, v5;
	v21 =	vld [tilespmem:$0x1FFB0];
	_ =	sdelay $0x4  }
0x1ce: {  	v21 =	vsub.f32 v22, v21  }
0x1cf: {  	s0 =	sld [smem:$0x7F7];
	v0 =	vadd.f32 v5, v0  }
0x1d0: {  	[sflag:s15] =	ssyncset.done $0x0;
	v5 =	vnsel vm0, $0x0, v21  }
0x1d1: {  	s6 =	sld [smem:$0x7F8];
	[sflag:s15] =	ssyncadd.s32 $0xFFFF63C0;
	v0 =	vadd.f32 v5, v0;
	v5 =	vsub.f32 v27, v24  }
0x1d2: {  	[hbm4b:s0+s2] =	stream.linear.scatter [tilespmem:s10], [sflag:$0x4], $0x4E20, $0x38;
	v22 =	vld [tilespmem:$0x1FFE0]  }
0x1d3: {  	v0 =	vadd.f32 v5, v0;
	v5 =	vld [tilespmem:$0x1FFD0]  }
0x1d4: {  	[hbm4b:s6+s2] =	stream.linear.scatter [tilespmem:s16], [sflag:$0x4], $0x4E20, $0x38;
	[tilespmem:$0x14198] =	vst v63  }
0x1d5: {  	v27 =	vld [tilespmem:$0x4B8];
	_ =	sdelay $0x1  }
0x1d6: {  	v26 =	vsub.f32 v26, v22;
	v22 =	vld [tilespmem:$0x228]  }
0x1d7: {  	v24 =	vld [tilespmem:$0x498];
	v5 =	vsub.f32 v25, v5;
	_ =	sdelay $0x1  }
0x1d8: {  	v21 =	vld [tilespmem:$0x208];
	vm1 =	vgt.s32 v27, $0x0;
	v0 =	vadd.f32 v5, v0  }
0x1d9: {  	v27 =	vnsel vm1, $0x0, v27;
	v25 =	vld [tilespmem:$0x4A8];
	v5 =	vnsel vm0, $0x0, v26  }
0x1da: {  	vm1 =	vgt.s32 v22, $0x0;
	v0 =	vadd.f32 v5, v0;
	v5 =	vsub.f32 v33, v32  }
0x1db: {  	v24 =	vadd.s32 v28, v24;
	v22 =	vnsel vm1, $0x0, v22;
	v26 =	vld [tilespmem:$0x218]  }
0x1dc: {  	v0 =	vadd.f32 v5, v0;
	v5 =	vmin.u32 v27, $0x3E7;
	v27 =	vsub.f32 v31, v29;
	v29 =	vld [tilespmem:$0x1FFF0]  }
0x1dd: {  	v22 =	vmin.u32 v22, $0x3E7  }
0x1de: {  	v25 =	vadd.s32 v2, v25;
	_ =	sdelay $0x1  }
0x1df: {  	v21 =	vld.idx.msk [tilespmem:v21+s7+$0x0], $0xffff;
	v5 =	vadd.s32 v3, v5  }
0x1e0: {  	v24 =	vld.idx.msk [tilespmem:v24+s10+$0x0], $0xffff;
	v29 =	vsub.f32 v30, v29  }
0x1e1: {  	v22 =	vld.idx.msk [tilespmem:v22+s7+$0x0], $0xffff;
	v0 =	vadd.f32 v27, v0  }
0x1e2: {  	v25 =	vld.idx.msk [tilespmem:v25+s10+$0x0], $0xffff;
	v27 =	vnsel vm0, $0x0, v29  }
0x1e3: {  	v26 =	vld.idx.msk [tilespmem:v26+s7+$0x0], $0xffff;
	v0 =	vadd.f32 v27, v0;
	v27 =	vsub.f32 v39, v36  }
0x1e4: {  	v5 =	vld.idx.msk [tilespmem:v5+s10+$0x0], $0xffff;
	_ =	swait.ge [sflag:s17], $0x4E20  }
0x1e5: {  	[sflag:s17] =	ssyncset.done $0x0;
	v0 =	vadd.f32 v27, v0;
	v27 =	vsub.f32 v37, v34  }
0x1e6: {  	v29 =	vsub.f32 v38, v35;
	[sflag:s17] =	ssyncadd.s32 $0xFFFFB1E0  }
0x1e7: {  	_ =	swait.ge [sflag:s17], $0x4E20;
	v0 =	vadd.f32 v27, v0  }
0x1e8: {  	[sflag:s17] =	ssyncset.done $0x0;
	v27 =	vnsel vm0, $0x0, v29  }
0x1e9: {  	[sflag:s17] =	ssyncadd.s32 $0xFFFFB1E0;
	v0 =	vadd.f32 v27, v0;
	v27 =	vsub.f32 v45, v42  }
0x1ea: {  	[tilespmem:s10], [sflag:$0x2] =	stream.indirect.gather [hbm4b:s3+s8], $0x3E8, s31, s8, $0xb8;
	[tilespmem:$0x14198] =	vst v63  }
0x1eb: {  	_ =	swait.ge [sflag:s11], $0x9C40;
	v0 =	vadd.f32 v27, v0;
	v27 =	vsub.f32 v43, v40  }
0x1ec: {  	v29 =	vsub.f32 v44, v41;
	s0 =	sld [smem:$0x7F9]  }
0x1ed: {  	[sflag:s11] =	ssyncset.done $0x0;
	v0 =	vadd.f32 v27, v0  }
0x1ee: {  	s6 =	sld [smem:$0x7FA];
	[sflag:s11] =	ssyncadd.s32 $0xFFFF63C0;
	v27 =	vnsel vm0, $0x0, v29  }
0x1ef: {  	[hbm4b:s0+s2] =	stream.linear.scatter [tilespmem:s9], [sflag:$0x3], $0x4E20, $0x38;
	v0 =	vadd.f32 v27, v0;
	v27 =	vsub.f32 v51, v50;
	[tilespmem:$0x14198] =	vst v63  }
0x1f0: {  	_ = 	snop  }
0x1f1: {  	[hbm4b:s6+s2] =	stream.linear.scatter [tilespmem:s12], [sflag:$0x3], $0x4E20, $0x38;
	v0 =	vadd.f32 v27, v0;
	v27 =	vsub.f32 v48, v46;
	[tilespmem:$0x14198] =	vst v63  }
0x1f2: {  	v29 =	vsub.f32 v49, v47;
	v30 =	vld [tilespmem:$0x4C0]  }
0x1f3: {  	v31 =	vld [tilespmem:$0x4E0];
	v0 =	vadd.f32 v27, v0  }
0x1f4: {  	v43 =	vld [tilespmem:$0x4D0];
	v27 =	vnsel vm0, $0x0, v29  }
0x1f5: {  	v45 =	vld [tilespmem:$0x250];
	v0 =	vadd.f32 v27, v0;
	v27 =	vsub.f32 v57, v54;
	_ =	sdelay $0x1  }
0x1f6: {  	v0 =	vadd.f32 v27, v0;
	v27 =	vsub.f32 v55, v52  }
0x1f7: {  	v44 =	vsub.f32 v56, v53;
	v46 =	vld [tilespmem:$0x240];
	v30 =	vadd.s32 v28, v30  }
0x1f8: {  	v29 =	vld [tilespmem:$0x230];
	vm1 =	vgt.s32 v31, $0x0;
	v32 =	vadd.s32 v2, v43;
	v0 =	vadd.f32 v27, v0  }
0x1f9: {  	v31 =	vnsel vm1, $0x0, v31;
	vm1 =	vgt.s32 v45, $0x0;
	v27 =	vnsel vm0, $0x0, v44  }
0x1fa: {  	v34 =	vnsel vm1, $0x0, v45;
	v0 =	vadd.f32 v27, v0;
	v27 =	vsub.f32 v63, v62  }
0x1fb: {  	v34 =	vmin.u32 v34, $0x3E7  }
0x1fc: {  	v0 =	vadd.f32 v27, v0;
	v27 =	vmin.u32 v31, $0x3E7;
	v31 =	vsub.f32 v61, v59  }
0x1fd: {  	v47 =	vsub.f32 v60, v58;
	v30 =	vld.idx.msk [tilespmem:v30+s9+$0x0], $0xffff;
	v27 =	vadd.s32 v3, v27  }
0x1fe: {  	v32 =	vld.idx.msk [tilespmem:v32+s9+$0x0], $0xffff;
	v0 =	vadd.f32 v31, v0  }
0x1ff: {  	v48 =	vld.idx.msk [tilespmem:v46+s7+$0x0], $0xffff;
	v31 =	vnsel vm0, $0x0, v47  }
0x200: {  	v16 =	vsub.f32 v16, v18;
	v29 =	vld.idx.msk [tilespmem:v29+s7+$0x0], $0xffff;
	v0 =	vadd.f32 v31, v0  }
0x201: {  	v50 =	vld.idx.msk [tilespmem:v34+s7+$0x0], $0xffff  }
0x202: {  	v49 =	vsub.f32 v19, v23;
	v27 =	vld.idx.msk [tilespmem:v27+s9+$0x0], $0xffff;
	v0 =	vadd.f32 v16, v0;
	_ =	swait.ge [sflag:s15], $0x9C40  }
0x203: {  	v17 =	vsub.f32 v17, v20;
	s0 =	sld [smem:$0x7FB]  }
0x204: {  	[sflag:s15] =	ssyncset.done $0x0;
	v0 =	vadd.f32 v49, v0  }
0x205: {  	v51 =	vnsel vm0, $0x0, v17;
	s6 =	sld [smem:$0x7FC];
	[sflag:s15] =	ssyncadd.s32 $0xFFFF63C0  }
0x206: {  	v10 =	vsub.f32 v10, v11;
	v0 =	vadd.f32 v51, v0;
	[hbm4b:s0+s2] =	stream.linear.scatter [tilespmem:s10], [sflag:$0x4], $0x4E20, $0x38;
	[tilespmem:$0x14198] =	vst v63  }
0x207: {  	_ = 	snop  }
0x208: {  	v52 =	vsub.f32 v13, v15;
	v0 =	vadd.f32 v10, v0;
	[hbm4b:s6+s2] =	stream.linear.scatter [tilespmem:s16], [sflag:$0x4], $0x4E20, $0x38;
	[tilespmem:$0x14198] =	vst v63  }
0x209: {  	v53 =	vsub.f32 v12, v14;
	v54 =	vld [tilespmem:$0x258]  }
0x20a: {  	v55 =	vld [tilespmem:$0x4E8];
	v0 =	vadd.f32 v52, v0  }
0x20b: {  	v11 =	vnsel vm0, $0x0, v53;
	v56 =	vld [tilespmem:$0x508]  }
0x20c: {  	v4 =	vsub.f32 v4, v7;
	v57 =	vld [tilespmem:$0x4F8];
	v0 =	vadd.f32 v11, v0  }
0x20d: {  	v1 =	vsub.f32 v1, v8;
	v58 =	vld [tilespmem:$0x278]  }
0x20e: {  	v59 =	vld [tilespmem:$0x268];
	v0 =	vadd.f32 v4, v0;
	v4 =	vsub.f32 v6, v9;
	_ =	sdelay $0x1  }
0x20f: {  	v1 =	vnsel vm0, $0x0, v1;
	v0 =	vadd.f32 v4, v0  }
0x210: {  	v62 =	vsub.f32 v26, v25;
	v61 =	vsub.f32 v21, v24;
	vm1 =	vgt.s32 v56, $0x0  }
0x211: {  	v60 =	vadd.s32 v2, v57;
	v0 =	vadd.f32 v1, v0;
	v1 =	vnsel vm1, $0x0, v56  }
0x212: {  	v4 =	vadd.s32 v28, v55;
	vm1 =	vgt.s32 v58, $0x0;
	v1 =	vmin.u32 v1, $0x3E7  }
0x213: {  	v6 =	vnsel vm1, $0x0, v58;
	v1 =	vadd.s32 v3, v1;
	v0 =	vadd.f32 v61, v0  }
0x214: {  	v5 =	vsub.f32 v22, v5;
	v10 =	vld.idx.msk [tilespmem:v54+s7+$0x0], $0xffff;
	v6 =	vmin.u32 v6, $0x3E7  }
0x215: {  	v8 =	vld.idx.msk [tilespmem:v59+s7+$0x0], $0xffff;
	v0 =	vadd.f32 v62, v0  }
0x216: {  	v5 =	vnsel vm0, $0x0, v5;
	v7 =	vld.idx.msk [tilespmem:v60+s10+$0x0], $0xffff  }
0x217: {  	v4 =	vld.idx.msk [tilespmem:v4+s10+$0x0], $0xffff;
	v0 =	vadd.f32 v5, v0;
	v5 =	vsub.f32 v29, v30  }
0x218: {  	v1 =	vld.idx.msk [tilespmem:v1+s10+$0x0], $0xffff  }
0x219: {  	v6 =	vld.idx.msk [tilespmem:v6+s7+$0x0], $0xffff;
	_ =	swait.ge [sflag:s13], $0x4E20;
	v0 =	vadd.f32 v5, v0;
	v5 =	vsub.f32 v48, v32  }
0x21a: {  	v63 =	vsub.f32 v50, v27;
	[sflag:s13] =	ssyncset.done $0x0  }
0x21b: {  	[sflag:s13] =	ssyncadd.s32 $0xFFFFB1E0;
	v0 =	vadd.f32 v5, v0  }
0x21c: {  	v5 =	vnsel vm0, $0x0, v63;
	_ =	swait.ge [sflag:s13], $0x4E20  }
0x21d: {  	v4 =	vsub.f32 v10, v4;
	[sflag:s13] =	ssyncset.done $0x0;
	v0 =	vadd.f32 v5, v0  }
0x21e: {  	[sflag:s13] =	ssyncadd.s32 $0xFFFFB1E0  }
0x21f: {  	_ =	swait.ge [sflag:s17], $0x4E20;
	v0 =	vadd.f32 v4, v0;
	v4 =	vsub.f32 v8, v7  }
0x220: {  	v1 =	vsub.f32 v6, v1;
	[sflag:s17] =	ssyncset.done $0x0  }
0x221: {  	[sflag:s17] =	ssyncadd.s32 $0xFFFFB1E0;
	v0 =	vadd.f32 v4, v0  }
0x222: {  	v1 =	vnsel vm0, $0x0, v1;
	_ =	swait.ge [sflag:s17], $0x4E20  }
0x223: {  	[sflag:s17] =	ssyncset.done $0x0;
	s6 =	sld [smem:$0x7FD];
	v0 =	vadd.f32 v1, v0  }
0x224: {  	p0 =	sne.s32 s4, $0x1;
	[sflag:s17] =	ssyncadd.s32 $0xFFFFB1E0  }
.Ltmp0:
0x225: {  	[tilespmem:$0x14188] =	vst v0;
	(pc) =	sbr.rel @p0 .LBB2_1-.Ltmp0, $4  }
0x226: {  	[hbm4b:s6+s2] =	stream.linear.scatter [tilespmem:s1], [sflag:$0x5], $0x10, $0x38;
	[tilespmem:$0x14198] =	vst v63  }
0x227: {  	_ =	swait.ge [sflag:s5], $0x10  }
0x228: {  	[sflag:s5] =	ssyncset.done $0x0  }
0x229: {  	s4 =	sadd.s32 $0xFFFFFFFF, s4;
	[sflag:s5] =	ssyncadd.s32 $0xFFFFFFF0  }
0x22a: {  	_ =	sfence.sel $0x180000  }
0x22b: {  	[bflag:$0x0] =	sbarrier.arrive $0xFFFF  }
0x22c: {  	_ =	strace $0x90000047  }
0x22d: {  	s0 =	stileid.u32;
	[bflag:$0x2] =	sbarrier.arrive $0xFFFF  }
0x22e: {  	p0 =	sne.s32 s0, $0x0;
	s0 =	rddreg [dreg:$0x2]  }
0x22f: {  	s0 =	sadd.s32 @!p0 $0x100000, s0  }
0x230: {  	[sflag:s0] =	ssyncadd.tile.s32 @!p0 $0x1;
	_ =	shalt  }
.Lfunc_end2:
_tile_overlayer_lowered:
.L_overlay_start_2:
0x231: {  	(tag) =	ssettag $0x2  }
0x232: {  	s0 =	rddreg [dreg:$0x0];
	s2 =	stileid.u32  }
0x233: {  	s1 =	rddreg [dreg:$0x1];
	p0 =	sne.s32 s2, $0x0  }
0x234: {  	s3 =	rddreg [dreg:$0x2];
	[bflag:$0x3] =	sbarrier.arrive $0xFFFF;
	s2 =	simm.s32 @!p0 $0x1C05  }
0x235: {  	[timem:s3], [sflag:s2] =	dma.local @!p0 [hbm:s0], s1  }
0x236: {  	s0 =	simm.s32 @!p0 $0x5  }
0x237: {  	_ =	swait.ge @!p0 [sflag:s0], s1  }
0x238: {  	s1 =	ssub.s32 @!p0 $0x0, s1;
	[sflag:s0] =	ssyncset.done @!p0 $0x0  }
0x239: {  	[sflag:s0] =	ssyncadd.s32 @!p0 s1  }
0x23a: {  	[bflag:$0x3] =	sbarrier.arrive $0xFFFF  }
0x23b: {  	_ =	shalt  }

// kernel: sparse-core-data-format-call.cloned.1.call-start
scs
called_computation_lowered:
.L_overlay_start_0:
0x0: {  	s2 =	sld [smem:$0x3FD9]  }
0x1: {  	s3 =	sld [smem:$0x3FFE];
	_ =	sdelay $0x1  }
0x2: {  	s1 =	srdreg.scid  }
0x3: {  	s0 =	sand.u32 $0x1, s1  }
0x4: {  	s15 =	sshll.u32 s0, $0xA;
	s2 =	sadd.s32 s3, s2  }
0x5: {  	s2 =	sadd.s32 s2, s15  }
0x6: {  	[smem:$0x3FC5] =	sst s2  }
0x7: {  	_ = 	snop  }
0x8: {  	s2 =	sld [smem:$0x3FD0];
	_ =	sdelay $0x2  }
0x9: {  	s16 =	simm.s32 $0xA;
	s4 =	simm.s32 $0x10  }
0xa: {  	[smem:s4], [sflag:s16] =	dma.local [hbm:s2], $0x1  }
0xb: {  	_ =	swait.eq [sflag:s16], $0x1  }
0xc: {  	[sflag:s16] =	ssyncset.done $0x0  }
0xd: {  	[sflag:s16] =	ssyncadd.s32 $0xFFFFFFFF  }
0xe: {  	s17 =	sld [smem:$0x10];
	(tm) =	ssettm $0x1  }
0xf: {  	s18 =	sld [smem:$0x3FFB];
	_ =	sdelay $0x3  }
0x10: {  	_ =	strace s18  }
0x11: {  	s3 =	sld [smem:$0x3FFC];
	_ =	sdelay $0x3  }
0x12: {  	_ =	strace s3  }
0x13: {  	s3 =	sld [smem:$0x3FFD];
	_ =	sdelay $0x3  }
0x14: {  	_ =	strace s3  }
0x15: {  	_ =	strace $0x8FFFFFFF  }
0x16: {  	s19 =	sld [smem:$0x3FDB];
	_ =	sdelay $0x1  }
0x17: {  	s20 =	simm.s32 $_scs_section_size  }
0x18: {  	s5 =	simm.s32 $_size__tile_overlayer_lowered;
	s6 =	simm.s32 $_tile_overlayer_lowered  }
0x19: {  	s23 =	simm.s32 $0x1BFF;
	s22 =	sshll.u32 s6, $0x1;
	s3 =	sadd.s32 s20, s19  }
0x1a: {  	s7 =	simm.s32 $0x0;
	s21 =	sshll.u32 s5, $0x1;
	s5 =	sadd.s32 s22, s3  }
0x1b: {  	[timem:s7], [sflag:s23] =	dma.local [hbm:s5], s21  }
0x1c: {  	_ =	swait.ge [sflag:s23], s21  }
0x1d: {  	s4 =	ssub.s32 $0x0, s21;
	[sflag:s23] =	ssyncset.done $0x0  }
0x1e: {  	[sflag:s23] =	ssyncadd.s32 s4;
	_ =	sdelay $0x1  }
0x1f: {  	s24 =	simm.s32 $0x1B8B  }
0x20: {  	_ =	swait.ge [sflag:s24], $0x1  }
0x21: {  	[sflag:s24] =	ssyncset.done $0x0  }
0x22: {  	s26 =	simm.s32 $0x1B8E;
	s25 =	sld [smem:$0x3FFE];
	[sflag:s24] =	ssyncadd.s32 $0xFFFFFFFF  }
0x23: {  	s27 =	simm.s32 $execute0_lowered;
	[smem:$0x3FD2] =	sst s26  }
0x24: {  	s5 =	sshll.u32 s27, $0x1;
	_ =	strace $0x80000049;
	[dreg:$0x1] =	wrdreg $0xFFFFFFFF  }
0x25: {  	s28 =	simm.s32 $_size_execute0_lowered;
	s3 =	sadd.s32 s3, s5;
	[dreg:$0x0] =	wrdreg $0x0  }
0x26: {  	s5 =	sshll.u32 s28, $0x1;
	[dreg:$0x2] =	wrdreg s3  }
0x27: {  	[dreg:$0x3] =	wrdreg s5  }
0x28: {  	[dreg:$0x4] =	wrdreg $0xC0  }
0x29: {  	_ =	task [dreg:s7], $0x5FFFF  }
0x2a: {  	[dreg:$0x1] =	wrdreg $0xFFFFFFFF  }
0x2b: {  	[dreg:$0x0] =	wrdreg $0x60  }
0x2c: {  	[dreg:$0x2] =	wrdreg s25  }
0x2d: {  	[dreg:$0x3] =	wrdreg s17  }
0x2e: {  	[dreg:$0x4] =	wrdreg $0x9  }
0x2f: {  	_ =	task.clear_ibuf [dreg:s7], $0x5FFFF;
	_ =	strace $0x90000049  }
0x30: {  	s29 =	simm.s32 $0x9;
	_ =	strace $0x8000004B  }
0x31: {  	_ =	swait.ge [sflag:s29], $0x1  }
0x32: {  	[sflag:s29] =	ssyncadd.s32 $0xFFFFFFFF  }
0x33: {  	_ =	strace $0x9000004B  }
0x34: {  	_ =	sfence  }
0x35: {  	s30 =	sld [smem:$0x0];
	_ =	sdelay $0x2  }
0x36: {  	s31 =	sshll.u32 s1, $0xD;
	s1 =	sshrl.u32 s1, $0x2  }
0x37: {  	s3 =	sand.u32 $0x4000, s31;
	s1 =	sadd.s32 s1, s30  }
0x38: {  	s0 =	sor.u32 s3, s0;
	s1 =	sshll.u32 s1, $0x11  }
0x39: {  	s0 =	sor.u32 s1, s0  }
0x3a: {  	s0 =	sadd.s32 $0x8F2B, s0  }
0x3b: {  	[sflag:s0] =	ssyncadd.remote.s32 $0x1  }
0x3c: {  	_ =	sfence.sel $0xFFFF  }
0x3d: {  	[dreg:$0x0] =	wrdreg $0xFFFFFFFF;
	(pc) =	sbr.abs _section_cstart, $3  }
0x3e: {  	[dreg:$0x1] =	wrdreg $0xFFFFFFFF  }
0x3f: {  	_ =	task.clear_ibuf [dreg:s7], $0x2FFFF;
	_ =	strace $0x9FFFFFFF  }
0x40: {  	(tm) =	ssettm $0x7FFFFFFF  }
0x41: {  	_ =	shalt  }
tec
execute0_lowered:
.L_overlay_start_1:
0x0: {  	(tag) =	ssettag $0x1  }
0x1: {  	s4 =	rddreg [dreg:$0x0]  }
0x2: {  	s0 =	stileid.u32;
	s2 =	rddreg [dreg:$0x1]  }
0x3: {  	s7 =	srdreg.scid;
	s31 =	simm.s32 $0x2;
	s17 =	simm.s32 $0x0  }
0x4: {  	s9 =	simm.s32 $0x2000;
	s19 =	simm.s32 $0x0;
	s18 =	simm.s32 $0x0  }
0x5: {  	s10 =	simm.s32 $0x0;
	s11 =	simm.s32 $0x0;
	s1 =	sshll.u32 s0, $0x7  }
0x6: {  	s12 =	simm.s32 $0x0;
	s14 =	simm.s32 $0x0;
	s3 =	sand.u32 $0x380, s1  }
0x7: {  	s16 =	simm.s32 $0x0;
	s4 =	sadd.s32 $0x21000, s4;
	s5 =	ssub.s32 $0x400, s3  }
0x8: {  	s8 =	sshll.u32 s0, $0x4;
	s7 =	sshll.u32 s7, $0x8;
	s6 =	sand.u32 $0x380, s5  }
0x9: {  	s1 =	rddreg [dreg:$0x2];
	p0 =	sne.s32 s6, $0x0;
	s6 =	simm.s32 $0x1  }
.Ltmp0:
0xa: {  	s5 =	sshrl.u32 s5, $0xA;
	s6 =	simm.s32 @!p0 $0x0;
	(pc) =	sbr.rel .LBB1_1-.Ltmp0, $4  }
0xb: {  	_ =	strace $0x8000004A;
	s7 =	sor.u32 s8, s7;
	s6 =	sadd.s32 s6, s5  }
0xc: {  	s7 =	sand.u32 $0x180, s7;
	s5 =	simm.s32 $0x1;
	s6 =	smul.u32 $0x28, s6  }
0xd: {  	s15 =	smov.u32 s3;
	s13 =	smov.u32 s7;
	[sflag:s5] =	ssyncpa.u1 $0x0  }
0xe: {  	p0 =	por $0x0, $0x0;
	[sflag:s31] =	ssyncpa.u1 $0x0;
	s8 =	sor.u32 $0x1, s6  }
.LBB1_4:
0xf: {  	s25 =	sshll.u32 s10, $0xA;
	s24 =	sshra.s32 s24, $0x2;
	s26 =	sshll.u32 s12, $0x3  }
0x10: {  	p1 =	sgt.s32 s11, $0x13;
	s27 =	smov.u32 s11;
	s28 =	sshra.s32 s11, $0x1F  }
0x11: {  	p2 =	sgt.s32 s12, $0x380;
	s31 =	sshra.s32 s12, $0x1F;
	s25 =	sand.u32 $0xFFFFE000, s25  }
0x12: {  	s26 =	sand.u32 $0xFFFFFC00, s26;
	s27 =	simm.s32 @!p1 $0x13;
	s28 =	sand.u32 s28, s11  }
0x13: {  	[tilespmem:s22+$0x2040 ss:$0x81] =	vst.msk $0xffff, v4;
	s23 =	sadd.s32 s24, s23;
	s29 =	sadd.s32 s26, s25;
	s25 =	ssub.s32 s27, s28  }
0x14: {  	[tilespmem:s22+$0x2850 ss:$0x81] =	vst.msk $0xffff, v3;
	s27 =	smov.u32 s12;
	s28 =	smov.u32 s10;
	s26 =	sand.u32 s31, s12  }
0x15: {  	[tilespmem:s22+$0x3060 ss:$0x81] =	vst.msk $0xffff, v2;
	s24 =	sshrl.u32 s29, $0xA;
	s30 =	sadd.s32 $0xFFFFFFED, s25;
	s27 =	simm.s32 @!p2 $0x380  }
0x16: {  	v5 =	vld [tilespmem:s21+$0xFFFFFFD0];
	[tilespmem:s22+$0x0 ss:$0x81] =	vst.msk $0xffff, v1;
	p2 =	sgt.s32 s10, $0x368;
	s29 =	sshra.s32 s10, $0x1F;
	s22 =	ssub.s32 $0x14, s25  }
0x17: {  	v58 =	vld [tilespmem:s21+$0xFFFFFFE0];
	p1 =	sgt.s32 s30, $0x0;
	s28 =	simm.s32 @!p2 $0x368;
	s29 =	sand.u32 s29, s10  }
0x18: {  	v59 =	vld [tilespmem:s21+$0xFFFFFFF0];
	s26 =	ssub.s32 s27, s26;
	s27 =	smulhi.u32 $0x418938, s24;
	s28 =	ssub.s32 s28, s29  }
0x19: {  	v60 =	vld [tilespmem:s21+$0x0];
	s30 =	sadd.s32 $0xFFFFFC80, s26;
	s25 =	ssub.s32 $0x400, s26;
	s22 =	simm.s32 @p1 $0x0  }
0x1a: {  	v61 =	vld [tilespmem:s21+$0x10];
	[tilespmem:s23+$0x3870 ss:$0x81] =	vst.msk $0xffff, v0;
	s29 =	sand.u32 $0x78, s12;
	p2 =	sgt.s32 s30, $0x7F;
	s31 =	sadd.s32 $0xFFFFFC98, s28  }
0x1b: {  	v62 =	vld [tilespmem:s21+$0x20];
	[tilespmem:s23+$0x810 ss:$0x81] =	vst.msk $0xffff, v5;
	s27 =	smul.u32 $0x3E8, s27;
	s30 =	sshll.u32 s10, $0x7;
	s28 =	ssub.s32 $0x3E8, s28  }
0x1c: {  	v63 =	vld [tilespmem:s21+$0xFFFFFFC0];
	[tilespmem:s23+$0x1020 ss:$0x81] =	vst.msk $0xffff, v58;
	s25 =	simm.s32 @p2 $0x0;
	p1 =	sgt.s32 s31, $0x7F;
	s31 =	smul.u32 $0x1F400, s11  }
0x1d: {  	[tilespmem:s23+$0x1830 ss:$0x81] =	vst.msk $0xffff, v59;
	s21 =	sand.u32 $0x380, s30;
	s22 =	smul.u32 s25, s22;
	s28 =	simm.s32 @p1 $0x0  }
0x1e: {  	[tilespmem:s23+$0x2040 ss:$0x81] =	vst.msk $0xffff, v60;
	s21 =	sor.u32 s29, s21;
	s24 =	ssub.s32 s24, s27;
	s29 =	sand.u32 $0x7, s12  }
0x1f: {  	[tilespmem:s23+$0x2850 ss:$0x81] =	vst.msk $0xffff, v61;
	s21 =	sshrl.u32 s21, $0x3;
	s25 =	sadd.s32 s2, s31;
	s22 =	smul.u32 s28, s22  }
0x20: {  	[tilespmem:s23+$0x3060 ss:$0x81] =	vst.msk $0xffff, v62;
	s24 =	sshll.u32 s24, $0x7;
	s30 =	sshll.u32 s29, $0x12;
	s21 =	sadd.s32 s21, s25  }
0x21: {  	[tilespmem:s23+$0x0 ss:$0x81] =	vst.msk $0xffff, v63;
	s31 =	sor.u32 $0x400, s30;
	s21 =	sadd.s32 s24, s21;
	s22 =	sand.u32 $0x3FFFFFFF, s22  }
0x22: {  	[hbm4b:s21+s31] =	stream.strided.scatter [tilespmem:s20], [sflag:$0x2], s22, s9, s31, $0x20;
	[tilespmem:$0x10100] =	vst v63  }
.LBB1_5:
0x23: {  	p1 =	slt.u32 s16, $0x2  }
0x24: {  	p2 =	sgt.s32 @!p1 s19, $0x13  }
0x25: {  	s20 =	smov.u32 s19;
	s21 =	sshra.s32 @!p1 s19, $0x1F;
	p2 =	por !p2, p1  }
0x26: {  	s19 =	sand.u32 @!p1 s21, s19;
	s20 =	simm.s32 @p2 $0x13  }
0x27: {  	p3 =	sgt.s32 @!p1 s17, $0x368;
	s19 =	ssub.s32 @!p1 s20, s19  }
0x28: {  	p4 =	sgt.s32 @!p1 s18, $0x380;
	s22 =	sshra.s32 @!p1 s18, $0x1F;
	s20 =	sadd.s32 @!p1 $0xFFFFFFED, s19  }
0x29: {  	s21 =	smov.u32 s17;
	p2 =	sgt.s32 @!p1 s20, $0x0;
	s20 =	sshra.s32 @!p1 s17, $0x1F  }
0x2a: {  	p4 =	por !p4, p1;
	s17 =	sand.u32 @!p1 s20, s17;
	s20 =	smov.u32 s18  }
0x2b: {  	p3 =	por !p3, p1;
	s18 =	sand.u32 @!p1 s22, s18;
	s20 =	simm.s32 @p4 $0x380  }
0x2c: {  	s21 =	simm.s32 @p3 $0x368;
	s19 =	ssub.s32 @!p1 $0x14, s19;
	s18 =	ssub.s32 @!p1 s20, s18  }
0x2d: {  	p2 =	por !p2, p1;
	s17 =	ssub.s32 @!p1 s21, s17;
	s21 =	sadd.s32 @!p1 $0xFFFFFC80, s18  }
0x2e: {  	s19 =	simm.s32 @!p2 $0x0;
	p3 =	sgt.s32 @!p1 s21, $0x7F  }
0x2f: {  	s20 =	sadd.s32 @!p1 $0xFFFFFC98, s17;
	s18 =	ssub.s32 @!p1 $0x400, s18;
	p3 =	por !p3, p1  }
0x30: {  	p2 =	sgt.s32 @!p1 s20, $0x7F;
	s20 =	sadd.s32 $0x200, s13;
	s18 =	simm.s32 @!p3 $0x0  }
0x31: {  	p3 =	sgt.s32 s20, $0x3E7;
	s18 =	smul.u32 @!p1 s18, s19;
	s19 =	simm.s32 $0x1  }
0x32: {  	s17 =	ssub.s32 @!p1 $0x3E8, s17;
	p2 =	por !p2, p1;
	s19 =	simm.s32 @!p3 $0x0  }
0x33: {  	s22 =	smov.u32 s15;
	s17 =	simm.s32 @!p2 $0x0;
	s21 =	sadd.s32 s19, s14  }
0x34: {  	s17 =	smul.u32 @!p1 s17, s18;
	s18 =	sadd.s32 $0x400, s15;
	p2 =	sgt.s32 s21, $0x13  }
0x35: {  	p0 =	por !p0, !p0;
	s23 =	simm.s32 @!p1 $0x2;
	s22 =	smov.u32 @p2 s18  }
0x36: {  	s20 =	smov.u32 @p3 s7;
	s21 =	simm.s32 @p2 $0x0;
	p2 =	sgt.s32 s22, $0x3FF  }
0x37: {  	s19 =	smov.u32 s11;
	s22 =	smov.u32 @p2 s3;
	p2 =	sne.s32 s16, s8  }
.Ltmp1:
0x38: {  	s11 =	smov.u32 s14;
	s17 =	sand.u32 @!p1 $0x3FFFFFFF, s17;
	(pc) =	sbr.rel @!p2 .LBB1_6-.Ltmp1, $4  }
0x39: {  	s18 =	smov.u32 s12;
	s12 =	smov.u32 s15;
	_ =	swait.ge @!p1 [sflag:s23], s17  }
0x3a: {  	s24 =	ssub.s32 @!p1 $0x0, s17;
	s17 =	smov.u32 s10;
	s10 =	smov.u32 s13  }
0x3b: {  	s13 =	smov.u32 s20;
	s14 =	smov.u32 s21;
	[sflag:s23] =	ssyncset.done @!p1 $0x0  }
0x3c: {  	s16 =	sadd.s32 $0x1, s16;
	[sflag:s23] =	ssyncadd.s32 @!p1 s24;
	s15 =	smov.u32 s22  }
.LBB1_1:
0x3d: {  	p1 =	sge.u32 s16, s6  }
0x3e: {  	s20 =	sshll.u32 @!p1 s14, $0xA  }
0x3f: {  	s21 =	sshll.u32 @!p1 s13, $0x3;
	s20 =	sand.u32 @!p1 $0xFFFFE000, s20  }
0x40: {  	s20 =	sadd.s32 @!p1 s20, s21  }
0x41: {  	s20 =	sshrl.u32 @!p1 s20, $0xA  }
0x42: {  	s21 =	smulhi.u32 @!p1 $0xAAAAAAB, s20  }
0x43: {  	s22 =	sshll.u32 @!p1 s14, $0x7;
	s24 =	smul.u32 @!p1 $0xC00, s15  }
0x44: {  	s23 =	sand.u32 @!p1 $0x78, s13;
	s22 =	sand.u32 @!p1 $0x380, s22;
	s21 =	smul.u32 @!p1 $0x18, s21  }
0x45: {  	s31 =	sadd.s32 $0xFFFFFFFF, s16;
	s22 =	sor.u32 @!p1 s23, s22;
	s23 =	sadd.s32 @!p1 s4, s24  }
0x46: {  	s22 =	sshrl.u32 @!p1 s22, $0x3;
	s20 =	ssub.s32 @!p1 s20, s21;
	s21 =	sxor.u32 @!p1 $0xFFFFFFFF, s16  }
0x47: {  	s22 =	sadd.s32 @!p1 s22, s23;
	s23 =	sand.u32 @!p1 $0x7, s13;
	s21 =	sshll.u32 @!p1 s21, $0xE  }
0x48: {  	s23 =	sshll.u32 @!p1 s23, $0x12;
	s20 =	sshll.u32 @!p1 s20, $0x7;
	s21 =	sand.u32 @!p1 $0x4000, s21  }
0x49: {  	s20 =	sadd.s32 @!p1 s20, s22;
	s22 =	sor.u32 @!p1 $0x80, s23;
	s23 =	simm.s32 @!p1 $0x6000  }
0x4a: {  	[tilespmem:s21], [sflag:$0x1] =	stream.strided.gather @!p1 [hbm4b:s20+s22], $0x4000, s23, s22, $0x38;
	[tilespmem:$0x10100] =	vst v63  }
0x4b: {  	p1 =	sge.u32 s31, s6  }
.Ltmp2:
0x4c: {  	_ = 	snop;
	(pc) =	sbr.rel @p1 .LBB1_5-.Ltmp2, $1  }
0x4d: {  	_ =	sdelay $0x3  }
0x4e: {  	s20 =	simm.s32 $0x1  }
0x4f: {  	_ =	swait.ge [sflag:s5], $0x4000;
	s20 =	simm.s32 @!p0 $0x0  }
0x50: {  	[sflag:s5] =	ssyncset.done $0x0;
	s21 =	sshll.u32 s20, $0xE  }
0x51: {  	[sflag:s5] =	ssyncadd.s32 $0xFFFFC000;
	s21 =	sor.u32 $0x40, s21  }
0x52: {  	s20 =	smul.u32 $0x10200, s20;
	v0 =	vld [tilespmem:s21+$0x30]  }
0x53: {  	v1 =	vld [tilespmem:s21+$0xFFFFFFD0]  }
0x54: {  	s20 =	sshrl.u32 s20, $0x2;
	v5 =	vld [tilespmem:s21+$0xFFFFFFE0]  }
0x55: {  	v6 =	vld [tilespmem:s21+$0xFFFFFFF0];
	s23 =	sor.u32 $0x8000, s20  }
0x56: {  	s31 =	sand.u32 $0x1, s16;
	v4 =	vld [tilespmem:s21+$0x0];
	s22 =	sadd.s32 $0x0, s23  }
0x57: {  	v3 =	vld [tilespmem:s21+$0x10];
	s20 =	smul.u32 $0x10200, s31;
	[tilespmem:s22+$0x3870 ss:$0x81] =	vst.msk $0xffff, v0  }
0x58: {  	v2 =	vld [tilespmem:s21+$0x20];
	[tilespmem:s22+$0x810 ss:$0x81] =	vst.msk $0xffff, v1  }
0x59: {  	s20 =	sshrl.u32 s20, $0x2;
	v1 =	vld [tilespmem:s21+$0xFFFFFFC0];
	[tilespmem:s22+$0x1020 ss:$0x81] =	vst.msk $0xffff, v5;
	s21 =	sadd.s32 $0x80, s21  }
0x5a: {  	s24 =	simm.s32 $0x4;
	s25 =	simm.s32 $0x8;
	s20 =	sor.u32 $0x8000, s20;
	[tilespmem:s22+$0x1830 ss:$0x81] =	vst.msk $0xffff, v6;
	v0 =	vld [tilespmem:s21+$0x30]  }
.LBB1_3:
0x5b: {  	p1 =	sne.s32 s25, $0x1FC;
	v5 =	vld [tilespmem:s21+$0xFFFFFFD0];
	[tilespmem:s22+$0x2040 ss:$0x81] =	vst.msk $0xffff, v4  }
0x5c: {  	v6 =	vld [tilespmem:s21+$0xFFFFFFE0];
	[tilespmem:s22+$0x2850 ss:$0x81] =	vst.msk $0xffff, v3  }
0x5d: {  	s26 =	sshra.s32 s24, $0x2;
	s24 =	smov.u32 s25;
	v7 =	vld [tilespmem:s21+$0xFFFFFFF0];
	[tilespmem:s22+$0x3060 ss:$0x81] =	vst.msk $0xffff, v2  }
.Ltmp3:
0x5e: {  	v4 =	vld [tilespmem:s21+$0x0];
	[tilespmem:s22+$0x0 ss:$0x81] =	vst.msk $0xffff, v1;
	s22 =	sadd.s32 s26, s23;
	(pc) =	sbr.rel @p1 .LBB1_3-.Ltmp3, $4  }
0x5f: {  	v3 =	vld [tilespmem:s21+$0x10];
	[tilespmem:s22+$0x3870 ss:$0x81] =	vst.msk $0xffff, v0  }
0x60: {  	[tilespmem:s22+$0x810 ss:$0x81] =	vst.msk $0xffff, v5;
	v2 =	vld [tilespmem:s21+$0x20]  }
0x61: {  	v1 =	vld [tilespmem:s21+$0xFFFFFFC0];
	[tilespmem:s22+$0x1020 ss:$0x81] =	vst.msk $0xffff, v6;
	s21 =	sadd.s32 $0x80, s21  }
0x62: {  	s25 =	sadd.s32 $0x4, s25;
	v0 =	vld [tilespmem:s21+$0x30];
	[tilespmem:s22+$0x1830 ss:$0x81] =	vst.msk $0xffff, v7  }
.Ltmp4:
0x63: {  	_ = 	snop;
	(pc) =	sbr.rel .LBB1_4-.Ltmp4, $1  }
0x64: {  	_ =	sdelay $0x3  }
.LBB1_6:
0x65: {  	_ =	sfence.sel $0x180000  }
0x66: {  	s2 =	simm.s32 $0x1;
	[bflag:$0x0] =	sbarrier.arrive $0xFFFF  }
0x67: {  	s31 =	simm.s32 $0x2;
	[sflag:s2] =	ssyncpa.u1 $0x1  }
0x68: {  	[sflag:s31] =	ssyncpa.u1 $0x1  }
0x69: {  	p0 =	sne.s32 s0, $0x0;
	_ =	strace $0x9000004A  }
0x6a: {  	s0 =	sadd.s32 @!p0 $0x100000, s1;
	[bflag:$0x2] =	sbarrier.arrive $0xFFFF  }
0x6b: {  	[sflag:s0] =	ssyncadd.tile.s32 @!p0 $0x1;
	_ =	shalt  }
.Lfunc_end1:
_tile_overlayer_lowered:
.L_overlay_start_2:
0x6c: {  	(tag) =	ssettag $0x2  }
0x6d: {  	s0 =	rddreg [dreg:$0x0];
	s2 =	stileid.u32  }
0x6e: {  	s1 =	rddreg [dreg:$0x1];
	p0 =	sne.s32 s2, $0x0  }
0x6f: {  	s3 =	rddreg [dreg:$0x2];
	[bflag:$0x3] =	sbarrier.arrive $0xFFFF;
	s2 =	simm.s32 @!p0 $0x1C01  }
0x70: {  	[timem:s3], [sflag:s2] =	dma.local @!p0 [hbm:s0], s1  }
0x71: {  	s0 =	simm.s32 @!p0 $0x1  }
0x72: {  	_ =	swait.ge @!p0 [sflag:s0], s1  }
0x73: {  	s1 =	ssub.s32 @!p0 $0x0, s1;
	[sflag:s0] =	ssyncset.done @!p0 $0x0  }
0x74: {  	[sflag:s0] =	ssyncadd.s32 @!p0 s1  }
0x75: {  	[bflag:$0x3] =	sbarrier.arrive $0xFFFF  }
0x76: {  	_ =	shalt  }

</sc_bundles>
